<compile_context>
chip_gen: v7x
topology: tpu7x:2x2x1
jax: 0.10.2.dev20260603
libtpu: 0.0.44.dev20260713+nightly
codegen_flags: <defaults>
</compile_context>

<pallas_src>
import jax
import jax.numpy as jnp
from jax import lax
from jax.experimental import pallas as pl
from jax.experimental.pallas import tpu as pltpu
from jax.experimental.pallas import tpu_sc as plsc

ROWS = 16384
SEQ = 200
EMB = 64
VOCAB = 8

NC = 2
NS = 16
NW = NC * NS
IPW = ROWS // NW
NVB = IPW // 16


def _sc_body(xt_hbm, wt_hbm, out_hbm,
             wt_v, idx0, idx1, ob0, ob1,
             sem_w, sem_i0, sem_i1, sem_o0, sem_o1):
    wid = lax.axis_index("s") * NC + lax.axis_index("c")
    i0 = wid * IPW
    idx = (idx0, idx1)
    ob = (ob0, ob1)
    sem_i = (sem_i0, sem_i1)
    sem_o = (sem_o0, sem_o1)

    pltpu.make_async_copy(wt_hbm, wt_v, sem_w).start()
    for b in range(2):
        pltpu.make_async_copy(
            xt_hbm.at[pl.ds(b * ROWS + i0, IPW)], idx[b], sem_i[b]
        ).start()
    pltpu.make_async_copy(wt_hbm, wt_v, sem_w).wait()

    def step(it, _):
        j0 = it * 2
        for b in range(2):
            j = j0 + b

            pltpu.make_async_copy(
                xt_hbm.at[pl.ds(j * ROWS + i0, IPW)], idx[b], sem_i[b]
            ).wait()

            @pl.when(j >= 2)
            def _():
                pltpu.make_async_copy(
                    ob[b],
                    out_hbm.at[pl.ds((j - 2) * EMB, EMB), pl.ds(i0, IPW)],
                    sem_o[b],
                ).wait()

            for h in range(2):
                gs = [
                    idx[b][pl.ds(h * IPW // 2 + c * 16, 16)]
                    for c in range(NVB // 2)
                ]

                def expand(k, _):
                    ko = pl.multiple_of(k * 16, 16)
                    wk = wt_v[pl.ds(ko, 16)]
                    for c, g in enumerate(gs):
                        ob[b][k, pl.ds(h * IPW // 2 + c * 16, 16)] = (
                            jnp.take_along_axis(wk, g, axis=0)
                        )
                    return _

                lax.fori_loop(0, EMB, expand, None, unroll=2)

            pltpu.make_async_copy(
                ob[b],
                out_hbm.at[pl.ds(j * EMB, EMB), pl.ds(i0, IPW)],
                sem_o[b],
            ).start()

            @pl.when(j + 2 < SEQ)
            def _():
                pltpu.make_async_copy(
                    xt_hbm.at[pl.ds((j + 2) * ROWS + i0, IPW)], idx[b], sem_i[b]
                ).start()
        return _

    lax.fori_loop(0, SEQ // 2, step, None)

    for b in range(2):
        j = SEQ - 2 + b
        pltpu.make_async_copy(
            ob[b],
            out_hbm.at[pl.ds(j * EMB, EMB), pl.ds(i0, IPW)],
            sem_o[b],
        ).wait()


@jax.jit
def _sc_lookup(xt_flat, WT):
    mesh = plsc.VectorSubcoreMesh(core_axis_name="c", subcore_axis_name="s")
    return pl.kernel(
        _sc_body,
        out_type=jax.ShapeDtypeStruct((SEQ * EMB, ROWS), jnp.float32),
        mesh=mesh,
        scratch_types=[
            pltpu.VMEM((EMB * 16,), jnp.float32),
            pltpu.VMEM((IPW,), jnp.int32),
            pltpu.VMEM((IPW,), jnp.int32),
            pltpu.VMEM((EMB, IPW), jnp.float32),
            pltpu.VMEM((EMB, IPW), jnp.float32),
            pltpu.SemaphoreType.DMA,
            pltpu.SemaphoreType.DMA,
            pltpu.SemaphoreType.DMA,
            pltpu.SemaphoreType.DMA,
            pltpu.SemaphoreType.DMA,
        ],
    )(xt_flat, WT)


def kernel(x, W):
    xt_flat = x.T.reshape(SEQ * ROWS)
    WT = jnp.zeros((EMB, 16), jnp.float32).at[:, :VOCAB].set(W.T).reshape(EMB * 16)
    o2 = _sc_lookup(xt_flat, WT)
    return o2.reshape(SEQ, EMB, ROWS).transpose(2, 0, 1)

# --- scband reference (transcript-rebuilt; emitter-appended) ---
"""Pipeline reference for scband-synth-flow-encoder-70806830842066 (READ-ONLY COPY).

The authoritative reference and input builder live on the scoring server;
editing this copy changes nothing except your own understanding.
"""

import jax, jax.numpy as jnp
import numpy as np

VOCAB = 8
EMB_DIM = 64

def setup_inputs(seed: int = 0) -> dict:
    key = jax.random.key(seed)
    k1, k2 = jax.random.split(key)
    x = jax.random.randint(k1, (16384, 200), 0, VOCAB, dtype=jnp.int64 if jax.config.jax_enable_x64 else jnp.int32)
    # xavier_uniform_ init for embedding weight [VOCAB, EMB_DIM]
    fan_in, fan_out = EMB_DIM, VOCAB
    limit = float(np.sqrt(6.0 / (fan_in + fan_out)))
    W = jax.random.uniform(k2, (VOCAB, EMB_DIM), minval=-limit, maxval=limit, dtype=jnp.float32)
    return {"x": x, "W": W}

def reference(x, W):
    # SynthFlowEncoder.forward: x_embedding = self.synth_emb(x)
    # nn.Embedding lookup -> gather rows of W by index
    return jnp.take(W, x, axis=0)

if __name__ == "__main__":
    import jax
    _d = setup_inputs()
    print(jax.jit(kernel)(*tuple(_d.values())))

</pallas_src>

<mosaic_0001>
#map = affine_map<(d0, d1) -> (0)>
#map1 = affine_map<(d0, d1) -> (0, 0)>
module attributes {stable_mosaic.version = 14 : i64} {
  func.func @_sc_body(%arg0: i32, %arg1: i32, %arg2: memref<3276800xi32, #tpu.memory_space<hbm>>, %arg3: memref<1024xf32, #tpu.memory_space<hbm>>, %arg4: memref<12800x16384xf32, #tpu.memory_space<hbm>>, %arg5: memref<1024xf32, #tpu.memory_space<vmem>>, %arg6: memref<512xi32, #tpu.memory_space<vmem>>, %arg7: memref<512xi32, #tpu.memory_space<vmem>>, %arg8: memref<64x512xf32, #tpu.memory_space<vmem>>, %arg9: memref<64x512xf32, #tpu.memory_space<vmem>>, %arg10: memref<!tpu.dma_semaphore, #tpu.memory_space<semaphore_mem>>, %arg11: memref<!tpu.dma_semaphore, #tpu.memory_space<semaphore_mem>>, %arg12: memref<!tpu.dma_semaphore, #tpu.memory_space<semaphore_mem>>, %arg13: memref<!tpu.dma_semaphore, #tpu.memory_space<semaphore_mem>>, %arg14: memref<!tpu.dma_semaphore, #tpu.memory_space<semaphore_mem>>) attributes {dimension_semantics = [#tpu.dimension_semantics<core_parallel>, #tpu.dimension_semantics<subcore_parallel>], iteration_bounds = array<i64: 2, 16>, scalar_prefetch = 0 : i64, scratch_operands = 10 : i64, tpu.core_type = #tpu.core_type<sc_vector_subcore>, window_params = [{transform_indices = #map}, {transform_indices = #map}, {transform_indices = #map1}]} {
    %mul3A = arith.constant 2 : i32
    %mul3A_0 = arith.muli %arg1, %mul3A : i32
    %add3A = arith.addi %mul3A_0, %arg0 : i32
    %mul3A_1 = arith.constant 512 : i32
    %mul3A_2 = arith.muli %add3A, %mul3A_1 : i32
    tpu.enqueue_dma source(%arg3 : memref<1024xf32, #tpu.memory_space<hbm>>) target(%arg5 : memref<1024xf32, #tpu.memory_space<vmem>>) target_semaphore(%arg10 : memref<!tpu.dma_semaphore, #tpu.memory_space<semaphore_mem>>)
    %add3A_3 = arith.constant 0 : i32
    %add3A_4 = arith.addi %add3A_3, %mul3A_2 : i32
    %dma_start3A = tpu.memref_slice %arg2[%add3A_4] : memref<3276800xi32, #tpu.memory_space<hbm>> -> memref<512xi32, #tpu.memory_space<hbm>>
    %dma_start3A_5 = tpu.memref_slice %arg2[%add3A_4] : memref<3276800xi32, #tpu.memory_space<hbm>> -> memref<512xi32, #tpu.memory_space<hbm>>
    tpu.enqueue_dma source(%dma_start3A_5 : memref<512xi32, #tpu.memory_space<hbm>>) target(%arg6 : memref<512xi32, #tpu.memory_space<vmem>>) target_semaphore(%arg11 : memref<!tpu.dma_semaphore, #tpu.memory_space<semaphore_mem>>)
    %add3A_6 = arith.constant 16384 : i32
    %add3A_7 = arith.addi %add3A_6, %mul3A_2 : i32
    %dma_start3A_8 = tpu.memref_slice %arg2[%add3A_7] : memref<3276800xi32, #tpu.memory_space<hbm>> -> memref<512xi32, #tpu.memory_space<hbm>>
    %dma_start3A_9 = tpu.memref_slice %arg2[%add3A_7] : memref<3276800xi32, #tpu.memory_space<hbm>> -> memref<512xi32, #tpu.memory_space<hbm>>
    tpu.enqueue_dma source(%dma_start3A_9 : memref<512xi32, #tpu.memory_space<hbm>>) target(%arg7 : memref<512xi32, #tpu.memory_space<vmem>>) target_semaphore(%arg12 : memref<!tpu.dma_semaphore, #tpu.memory_space<semaphore_mem>>)
    tpu.wait_dma2 semaphore(%arg10 : memref<!tpu.dma_semaphore, #tpu.memory_space<semaphore_mem>>) src(%arg3 : memref<1024xf32, #tpu.memory_space<hbm>>) dst(%arg5 : memref<1024xf32, #tpu.memory_space<vmem>>)
    %scan3A = arith.constant 0 : i32
    %scan3A_10 = arith.constant 100 : i32
    %scan3A_11 = arith.addi %scan3A, %scan3A_10 : i32
    %scan3A_12 = arith.constant 1 : i32
    scf.for %scan3A_21 = %scan3A to %scan3A_11 step %scan3A_12  : i32 {
      %mul3A_22 = arith.constant 2 : i32
      %mul3A_23 = arith.muli %scan3A_21, %mul3A_22 : i32
      %add3A_24 = arith.constant 0 : i32
      %add3A_25 = arith.addi %mul3A_23, %add3A_24 : i32
      %mul3A_26 = arith.constant 16384 : i32
      %mul3A_27 = arith.muli %add3A_25, %mul3A_26 : i32
      %add3A_28 = arith.addi %mul3A_27, %mul3A_2 : i32
      %dma_wait3A_29 = tpu.memref_slice %arg2[%add3A_28] : memref<3276800xi32, #tpu.memory_space<hbm>> -> memref<512xi32, #tpu.memory_space<hbm>>
      %dma_wait3A_30 = tpu.memref_slice %arg2[%add3A_28] : memref<3276800xi32, #tpu.memory_space<hbm>> -> memref<512xi32, #tpu.memory_space<hbm>>
      tpu.wait_dma2 semaphore(%arg11 : memref<!tpu.dma_semaphore, #tpu.memory_space<semaphore_mem>>) src(%dma_wait3A_30 : memref<512xi32, #tpu.memory_space<hbm>>) dst(%arg6 : memref<512xi32, #tpu.memory_space<vmem>>)
      %ge3A = arith.constant 2 : i32
      %ge3A_31 = arith.cmpi sge, %add3A_25, %ge3A : i32
      %convert_element_type3A = arith.extui %ge3A_31 : i1 to i32
      %cond3A = arith.constant 0 : i32
      %cond3A_32 = arith.cmpi ne, %convert_element_type3A, %cond3A : i32
      scf.if %cond3A_32 {
        %sub3A = arith.constant 2 : i32
        %sub3A_277 = arith.subi %add3A_25, %sub3A : i32
        %mul3A_278 = arith.constant 64 : i32
        %mul3A_279 = arith.muli %sub3A_277, %mul3A_278 : i32
        %dma_wait3A_280 = tpu.memref_slice %arg4[%mul3A_279, %mul3A_2] : memref<12800x16384xf32, #tpu.memory_space<hbm>> -> memref<64x512xf32, #tpu.memory_space<hbm>>
        %dma_wait3A_281 = tpu.memref_slice %arg4[%mul3A_279, %mul3A_2] : memref<12800x16384xf32, #tpu.memory_space<hbm>> -> memref<64x512xf32, #tpu.memory_space<hbm>>
        tpu.wait_dma2 semaphore(%arg13 : memref<!tpu.dma_semaphore, #tpu.memory_space<semaphore_mem>>) src(%arg8 : memref<64x512xf32, #tpu.memory_space<vmem>>) dst(%dma_wait3A_281 : memref<64x512xf32, #tpu.memory_space<hbm>>)
      } else {
      }
      %get3A = arith.constant 0 : index
      %get3A_33 = tpu.vector_load %arg6[%get3A] {strides = array<i32>} : memref<512xi32, #tpu.memory_space<vmem>>, vector<16xi32>,
      %get3A_34 = vector.shape_cast %get3A_33 : vector<16xi32> to vector<16xi32>
      %get3A_35 = arith.constant 16 : index
      %get3A_36 = tpu.vector_load %arg6[%get3A_35] {strides = array<i32>} : memref<512xi32, #tpu.memory_space<vmem>>, vector<16xi32>,
      %get3A_37 = vector.shape_cast %get3A_36 : vector<16xi32> to vector<16xi32>
      %get3A_38 = arith.constant 32 : index
      %get3A_39 = tpu.vector_load %arg6[%get3A_38] {strides = array<i32>} : memref<512xi32, #tpu.memory_space<vmem>>, vector<16xi32>,
      %get3A_40 = vector.shape_cast %get3A_39 : vector<16xi32> to vector<16xi32>
      %get3A_41 = arith.constant 48 : index
      %get3A_42 = tpu.vector_load %arg6[%get3A_41] {strides = array<i32>} : memref<512xi32, #tpu.memory_space<vmem>>, vector<16xi32>,
      %get3A_43 = vector.shape_cast %get3A_42 : vector<16xi32> to vector<16xi32>
      %get3A_44 = arith.constant 64 : index
      %get3A_45 = tpu.vector_load %arg6[%get3A_44] {strides = array<i32>} : memref<512xi32, #tpu.memory_space<vmem>>, vector<16xi32>,
      %get3A_46 = vector.shape_cast %get3A_45 : vector<16xi32> to vector<16xi32>
      %get3A_47 = arith.constant 80 : index
      %get3A_48 = tpu.vector_load %arg6[%get3A_47] {strides = array<i32>} : memref<512xi32, #tpu.memory_space<vmem>>, vector<16xi32>,
      %get3A_49 = vector.shape_cast %get3A_48 : vector<16xi32> to vector<16xi32>
      %get3A_50 = arith.constant 96 : index
      %get3A_51 = tpu.vector_load %arg6[%get3A_50] {strides = array<i32>} : memref<512xi32, #tpu.memory_space<vmem>>, vector<16xi32>,
      %get3A_52 = vector.shape_cast %get3A_51 : vector<16xi32> to vector<16xi32>
      %get3A_53 = arith.constant 112 : index
      %get3A_54 = tpu.vector_load %arg6[%get3A_53] {strides = array<i32>} : memref<512xi32, #tpu.memory_space<vmem>>, vector<16xi32>,
      %get3A_55 = vector.shape_cast %get3A_54 : vector<16xi32> to vector<16xi32>
      %get3A_56 = arith.constant 128 : index
      %get3A_57 = tpu.vector_load %arg6[%get3A_56] {strides = array<i32>} : memref<512xi32, #tpu.memory_space<vmem>>, vector<16xi32>,
      %get3A_58 = vector.shape_cast %get3A_57 : vector<16xi32> to vector<16xi32>
      %get3A_59 = arith.constant 144 : index
      %get3A_60 = tpu.vector_load %arg6[%get3A_59] {strides = array<i32>} : memref<512xi32, #tpu.memory_space<vmem>>, vector<16xi32>,
      %get3A_61 = vector.shape_cast %get3A_60 : vector<16xi32> to vector<16xi32>
      %get3A_62 = arith.constant 160 : index
      %get3A_63 = tpu.vector_load %arg6[%get3A_62] {strides = array<i32>} : memref<512xi32, #tpu.memory_space<vmem>>, vector<16xi32>,
      %get3A_64 = vector.shape_cast %get3A_63 : vector<16xi32> to vector<16xi32>
      %get3A_65 = arith.constant 176 : index
      %get3A_66 = tpu.vector_load %arg6[%get3A_65] {strides = array<i32>} : memref<512xi32, #tpu.memory_space<vmem>>, vector<16xi32>,
      %get3A_67 = vector.shape_cast %get3A_66 : vector<16xi32> to vector<16xi32>
      %get3A_68 = arith.constant 192 : index
      %get3A_69 = tpu.vector_load %arg6[%get3A_68] {strides = array<i32>} : memref<512xi32, #tpu.memory_space<vmem>>, vector<16xi32>,
      %get3A_70 = vector.shape_cast %get3A_69 : vector<16xi32> to vector<16xi32>
      %get3A_71 = arith.constant 208 : index
      %get3A_72 = tpu.vector_load %arg6[%get3A_71] {strides = array<i32>} : memref<512xi32, #tpu.memory_space<vmem>>, vector<16xi32>,
      %get3A_73 = vector.shape_cast %get3A_72 : vector<16xi32> to vector<16xi32>
      %get3A_74 = arith.constant 224 : index
      %get3A_75 = tpu.vector_load %arg6[%get3A_74] {strides = array<i32>} : memref<512xi32, #tpu.memory_space<vmem>>, vector<16xi32>,
      %get3A_76 = vector.shape_cast %get3A_75 : vector<16xi32> to vector<16xi32>
      %get3A_77 = arith.constant 240 : index
      %get3A_78 = tpu.vector_load %arg6[%get3A_77] {strides = array<i32>} : memref<512xi32, #tpu.memory_space<vmem>>, vector<16xi32>,
      %get3A_79 = vector.shape_cast %get3A_78 : vector<16xi32> to vector<16xi32>
      %scan3A_80 = arith.constant 0 : i32
      %scan3A_81 = arith.constant 64 : i32
      %scan3A_82 = arith.addi %scan3A_80, %scan3A_81 : i32
      %scan3A_83 = arith.constant 2 : i32
      scf.for %scan3A_277 = %scan3A_80 to %scan3A_82 step %scan3A_83  : i32 {
        %mul3A_278 = arith.constant 16 : i32
        %mul3A_279 = arith.muli %scan3A_277, %mul3A_278 : i32
        %multiple_of3A = tpu.assume_multiple %mul3A_279, 16 : i32
        %get3A_280 = arith.index_cast %multiple_of3A : i32 to index
        %get3A_281 = tpu.vector_load %arg5[%get3A_280] {strides = array<i32>} : memref<1024xf32, #tpu.memory_space<vmem>>, vector<16xf32>,
        %get3A_282 = vector.shape_cast %get3A_281 : vector<16xf32> to vector<16xf32>
        %lt3A_283 = arith.constant 0 : i32
        %lt3A_284 = vector.broadcast %lt3A_283 : i32 to vector<16xi32>
        %lt3A_285 = arith.cmpi slt, %get3A_34, %lt3A_284 : vector<16xi32>
        %add3A_286 = arith.constant 16 : i32
        %add3A_287 = vector.broadcast %add3A_286 : i32 to vector<16xi32>
        %add3A_288 = arith.addi %get3A_34, %add3A_287 : vector<16xi32>
        %select_n3A = arith.select %lt3A_285, %add3A_288, %get3A_34 : vector<16xi1>, vector<16xi32>
        %reshape3A = vector.shape_cast %select_n3A : vector<16xi32> to vector<16x1xi32>
        %gather3A = vector.shape_cast %reshape3A : vector<16x1xi32> to vector<16xi32>
        %gather3A_289 = tpu.dynamic_gather %get3A_282[%gather3A] in [0] : vector<16xf32>, vector<16xi32> -> vector<16xf32>
        %swap3A = arith.index_cast %scan3A_277 : i32 to index
        %swap3A_290 = arith.constant 0 : index
        %swap3A_291 = tpu.vector_load %arg8[%swap3A, %swap3A_290] {strides = array<i32>} : memref<64x512xf32, #tpu.memory_space<vmem>>, vector<1x16xf32>,
        %swap3A_292 = vector.shape_cast %swap3A_291 : vector<1x16xf32> to vector<16xf32>
        %swap3A_293 = vector.shape_cast %gather3A_289 : vector<16xf32> to vector<1x16xf32>
        tpu.vector_store %arg8[%swap3A, %swap3A_290], %swap3A_293 {strides = array<i32>} : memref<64x512xf32, #tpu.memory_space<vmem>>, vector<1x16xf32>,
        %lt3A_294 = arith.constant 0 : i32
        %lt3A_295 = vector.broadcast %lt3A_294 : i32 to vector<16xi32>
        %lt3A_296 = arith.cmpi slt, %get3A_37, %lt3A_295 : vector<16xi32>
        %add3A_297 = arith.constant 16 : i32
        %add3A_298 = vector.broadcast %add3A_297 : i32 to vector<16xi32>
        %add3A_299 = arith.addi %get3A_37, %add3A_298 : vector<16xi32>
        %select_n3A_300 = arith.select %lt3A_296, %add3A_299, %get3A_37 : vector<16xi1>, vector<16xi32>
        %reshape3A_301 = vector.shape_cast %select_n3A_300 : vector<16xi32> to vector<16x1xi32>
        %gather3A_302 = vector.shape_cast %reshape3A_301 : vector<16x1xi32> to vector<16xi32>
        %gather3A_303 = tpu.dynamic_gather %get3A_282[%gather3A_302] in [0] : vector<16xf32>, vector<16xi32> -> vector<16xf32>
        %swap3A_304 = arith.index_cast %scan3A_277 : i32 to index
        %swap3A_305 = arith.constant 16 : index
        %swap3A_306 = tpu.vector_load %arg8[%swap3A_304, %swap3A_305] {strides = array<i32>} : memref<64x512xf32, #tpu.memory_space<vmem>>, vector<1x16xf32>,
        %swap3A_307 = vector.shape_cast %swap3A_306 : vector<1x16xf32> to vector<16xf32>
        %swap3A_308 = vector.shape_cast %gather3A_303 : vector<16xf32> to vector<1x16xf32>
        tpu.vector_store %arg8[%swap3A_304, %swap3A_305], %swap3A_308 {strides = array<i32>} : memref<64x512xf32, #tpu.memory_space<vmem>>, vector<1x16xf32>,
        %lt3A_309 = arith.constant 0 : i32
        %lt3A_310 = vector.broadcast %lt3A_309 : i32 to vector<16xi32>
        %lt3A_311 = arith.cmpi slt, %get3A_40, %lt3A_310 : vector<16xi32>
        %add3A_312 = arith.constant 16 : i32
        %add3A_313 = vector.broadcast %add3A_312 : i32 to vector<16xi32>
        %add3A_314 = arith.addi %get3A_40, %add3A_313 : vector<16xi32>
        %select_n3A_315 = arith.select %lt3A_311, %add3A_314, %get3A_40 : vector<16xi1>, vector<16xi32>
        %reshape3A_316 = vector.shape_cast %select_n3A_315 : vector<16xi32> to vector<16x1xi32>
        %gather3A_317 = vector.shape_cast %reshape3A_316 : vector<16x1xi32> to vector<16xi32>
        %gather3A_318 = tpu.dynamic_gather %get3A_282[%gather3A_317] in [0] : vector<16xf32>, vector<16xi32> -> vector<16xf32>
        %swap3A_319 = arith.index_cast %scan3A_277 : i32 to index
        %swap3A_320 = arith.constant 32 : index
        %swap3A_321 = tpu.vector_load %arg8[%swap3A_319, %swap3A_320] {strides = array<i32>} : memref<64x512xf32, #tpu.memory_space<vmem>>, vector<1x16xf32>,
        %swap3A_322 = vector.shape_cast %swap3A_321 : vector<1x16xf32> to vector<16xf32>
        %swap3A_323 = vector.shape_cast %gather3A_318 : vector<16xf32> to vector<1x16xf32>
        tpu.vector_store %arg8[%swap3A_319, %swap3A_320], %swap3A_323 {strides = array<i32>} : memref<64x512xf32, #tpu.memory_space<vmem>>, vector<1x16xf32>,
        %lt3A_324 = arith.constant 0 : i32
        %lt3A_325 = vector.broadcast %lt3A_324 : i32 to vector<16xi32>
        %lt3A_326 = arith.cmpi slt, %get3A_43, %lt3A_325 : vector<16xi32>
        %add3A_327 = arith.constant 16 : i32
        %add3A_328 = vector.broadcast %add3A_327 : i32 to vector<16xi32>
        %add3A_329 = arith.addi %get3A_43, %add3A_328 : vector<16xi32>
        %select_n3A_330 = arith.select %lt3A_326, %add3A_329, %get3A_43 : vector<16xi1>, vector<16xi32>
        %reshape3A_331 = vector.shape_cast %select_n3A_330 : vector<16xi32> to vector<16x1xi32>
        %gather3A_332 = vector.shape_cast %reshape3A_331 : vector<16x1xi32> to vector<16xi32>
        %gather3A_333 = tpu.dynamic_gather %get3A_282[%gather3A_332] in [0] : vector<16xf32>, vector<16xi32> -> vector<16xf32>
        %swap3A_334 = arith.index_cast %scan3A_277 : i32 to index
        %swap3A_335 = arith.constant 48 : index
        %swap3A_336 = tpu.vector_load %arg8[%swap3A_334, %swap3A_335] {strides = array<i32>} : memref<64x512xf32, #tpu.memory_space<vmem>>, vector<1x16xf32>,
        %swap3A_337 = vector.shape_cast %swap3A_336 : vector<1x16xf32> to vector<16xf32>
        %swap3A_338 = vector.shape_cast %gather3A_333 : vector<16xf32> to vector<1x16xf32>
        tpu.vector_store %arg8[%swap3A_334, %swap3A_335], %swap3A_338 {strides = array<i32>} : memref<64x512xf32, #tpu.memory_space<vmem>>, vector<1x16xf32>,
        %lt3A_339 = arith.constant 0 : i32
        %lt3A_340 = vector.broadcast %lt3A_339 : i32 to vector<16xi32>
        %lt3A_341 = arith.cmpi slt, %get3A_46, %lt3A_340 : vector<16xi32>
        %add3A_342 = arith.constant 16 : i32
        %add3A_343 = vector.broadcast %add3A_342 : i32 to vector<16xi32>
        %add3A_344 = arith.addi %get3A_46, %add3A_343 : vector<16xi32>
        %select_n3A_345 = arith.select %lt3A_341, %add3A_344, %get3A_46 : vector<16xi1>, vector<16xi32>
        %reshape3A_346 = vector.shape_cast %select_n3A_345 : vector<16xi32> to vector<16x1xi32>
        %gather3A_347 = vector.shape_cast %reshape3A_346 : vector<16x1xi32> to vector<16xi32>
        %gather3A_348 = tpu.dynamic_gather %get3A_282[%gather3A_347] in [0] : vector<16xf32>, vector<16xi32> -> vector<16xf32>
        %swap3A_349 = arith.index_cast %scan3A_277 : i32 to index
        %swap3A_350 = arith.constant 64 : index
        %swap3A_351 = tpu.vector_load %arg8[%swap3A_349, %swap3A_350] {strides = array<i32>} : memref<64x512xf32, #tpu.memory_space<vmem>>, vector<1x16xf32>,
        %swap3A_352 = vector.shape_cast %swap3A_351 : vector<1x16xf32> to vector<16xf32>
        %swap3A_353 = vector.shape_cast %gather3A_348 : vector<16xf32> to vector<1x16xf32>
        tpu.vector_store %arg8[%swap3A_349, %swap3A_350], %swap3A_353 {strides = array<i32>} : memref<64x512xf32, #tpu.memory_space<vmem>>, vector<1x16xf32>,
        %lt3A_354 = arith.constant 0 : i32
        %lt3A_355 = vector.broadcast %lt3A_354 : i32 to vector<16xi32>
        %lt3A_356 = arith.cmpi slt, %get3A_49, %lt3A_355 : vector<16xi32>
        %add3A_357 = arith.constant 16 : i32
        %add3A_358 = vector.broadcast %add3A_357 : i32 to vector<16xi32>
        %add3A_359 = arith.addi %get3A_49, %add3A_358 : vector<16xi32>
        %select_n3A_360 = arith.select %lt3A_356, %add3A_359, %get3A_49 : vector<16xi1>, vector<16xi32>
        %reshape3A_361 = vector.shape_cast %select_n3A_360 : vector<16xi32> to vector<16x1xi32>
        %gather3A_362 = vector.shape_cast %reshape3A_361 : vector<16x1xi32> to vector<16xi32>
        %gather3A_363 = tpu.dynamic_gather %get3A_282[%gather3A_362] in [0] : vector<16xf32>, vector<16xi32> -> vector<16xf32>
        %swap3A_364 = arith.index_cast %scan3A_277 : i32 to index
        %swap3A_365 = arith.constant 80 : index
        %swap3A_366 = tpu.vector_load %arg8[%swap3A_364, %swap3A_365] {strides = array<i32>} : memref<64x512xf32, #tpu.memory_space<vmem>>, vector<1x16xf32>,
        %swap3A_367 = vector.shape_cast %swap3A_366 : vector<1x16xf32> to vector<16xf32>
        %swap3A_368 = vector.shape_cast %gather3A_363 : vector<16xf32> to vector<1x16xf32>
        tpu.vector_store %arg8[%swap3A_364, %swap3A_365], %swap3A_368 {strides = array<i32>} : memref<64x512xf32, #tpu.memory_space<vmem>>, vector<1x16xf32>,
        %lt3A_369 = arith.constant 0 : i32
        %lt3A_370 = vector.broadcast %lt3A_369 : i32 to vector<16xi32>
        %lt3A_371 = arith.cmpi slt, %get3A_52, %lt3A_370 : vector<16xi32>
        %add3A_372 = arith.constant 16 : i32
        %add3A_373 = vector.broadcast %add3A_372 : i32 to vector<16xi32>
        %add3A_374 = arith.addi %get3A_52, %add3A_373 : vector<16xi32>
        %select_n3A_375 = arith.select %lt3A_371, %add3A_374, %get3A_52 : vector<16xi1>, vector<16xi32>
        %reshape3A_376 = vector.shape_cast %select_n3A_375 : vector<16xi32> to vector<16x1xi32>
        %gather3A_377 = vector.shape_cast %reshape3A_376 : vector<16x1xi32> to vector<16xi32>
        %gather3A_378 = tpu.dynamic_gather %get3A_282[%gather3A_377] in [0] : vector<16xf32>, vector<16xi32> -> vector<16xf32>
        %swap3A_379 = arith.index_cast %scan3A_277 : i32 to index
        %swap3A_380 = arith.constant 96 : index
        %swap3A_381 = tpu.vector_load %arg8[%swap3A_379, %swap3A_380] {strides = array<i32>} : memref<64x512xf32, #tpu.memory_space<vmem>>, vector<1x16xf32>,
        %swap3A_382 = vector.shape_cast %swap3A_381 : vector<1x16xf32> to vector<16xf32>
        %swap3A_383 = vector.shape_cast %gather3A_378 : vector<16xf32> to vector<1x16xf32>
        tpu.vector_store %arg8[%swap3A_379, %swap3A_380], %swap3A_383 {strides = array<i32>} : memref<64x512xf32, #tpu.memory_space<vmem>>, vector<1x16xf32>,
        %lt3A_384 = arith.constant 0 : i32
        %lt3A_385 = vector.broadcast %lt3A_384 : i32 to vector<16xi32>
        %lt3A_386 = arith.cmpi slt, %get3A_55, %lt3A_385 : vector<16xi32>
        %add3A_387 = arith.constant 16 : i32
        %add3A_388 = vector.broadcast %add3A_387 : i32 to vector<16xi32>
        %add3A_389 = arith.addi %get3A_55, %add3A_388 : vector<16xi32>
        %select_n3A_390 = arith.select %lt3A_386, %add3A_389, %get3A_55 : vector<16xi1>, vector<16xi32>
        %reshape3A_391 = vector.shape_cast %select_n3A_390 : vector<16xi32> to vector<16x1xi32>
        %gather3A_392 = vector.shape_cast %reshape3A_391 : vector<16x1xi32> to vector<16xi32>
        %gather3A_393 = tpu.dynamic_gather %get3A_282[%gather3A_392] in [0] : vector<16xf32>, vector<16xi32> -> vector<16xf32>
        %swap3A_394 = arith.index_cast %scan3A_277 : i32 to index
        %swap3A_395 = arith.constant 112 : index
        %swap3A_396 = tpu.vector_load %arg8[%swap3A_394, %swap3A_395] {strides = array<i32>} : memref<64x512xf32, #tpu.memory_space<vmem>>, vector<1x16xf32>,
        %swap3A_397 = vector.shape_cast %swap3A_396 : vector<1x16xf32> to vector<16xf32>
        %swap3A_398 = vector.shape_cast %gather3A_393 : vector<16xf32> to vector<1x16xf32>
        tpu.vector_store %arg8[%swap3A_394, %swap3A_395], %swap3A_398 {strides = array<i32>} : memref<64x512xf32, #tpu.memory_space<vmem>>, vector<1x16xf32>,
        %lt3A_399 = arith.constant 0 : i32
        %lt3A_400 = vector.broadcast %lt3A_399 : i32 to vector<16xi32>
        %lt3A_401 = arith.cmpi slt, %get3A_58, %lt3A_400 : vector<16xi32>
        %add3A_402 = arith.constant 16 : i32
        %add3A_403 = vector.broadcast %add3A_402 : i32 to vector<16xi32>
        %add3A_404 = arith.addi %get3A_58, %add3A_403 : vector<16xi32>
        %select_n3A_405 = arith.select %lt3A_401, %add3A_404, %get3A_58 : vector<16xi1>, vector<16xi32>
        %reshape3A_406 = vector.shape_cast %select_n3A_405 : vector<16xi32> to vector<16x1xi32>
        %gather3A_407 = vector.shape_cast %reshape3A_406 : vector<16x1xi32> to vector<16xi32>
        %gather3A_408 = tpu.dynamic_gather %get3A_282[%gather3A_407] in [0] : vector<16xf32>, vector<16xi32> -> vector<16xf32>
        %swap3A_409 = arith.index_cast %scan3A_277 : i32 to index
        %swap3A_410 = arith.constant 128 : index
        %swap3A_411 = tpu.vector_load %arg8[%swap3A_409, %swap3A_410] {strides = array<i32>} : memref<64x512xf32, #tpu.memory_space<vmem>>, vector<1x16xf32>,
        %swap3A_412 = vector.shape_cast %swap3A_411 : vector<1x16xf32> to vector<16xf32>
        %swap3A_413 = vector.shape_cast %gather3A_408 : vector<16xf32> to vector<1x16xf32>
        tpu.vector_store %arg8[%swap3A_409, %swap3A_410], %swap3A_413 {strides = array<i32>} : memref<64x512xf32, #tpu.memory_space<vmem>>, vector<1x16xf32>,
        %lt3A_414 = arith.constant 0 : i32
        %lt3A_415 = vector.broadcast %lt3A_414 : i32 to vector<16xi32>
        %lt3A_416 = arith.cmpi slt, %get3A_61, %lt3A_415 : vector<16xi32>
        %add3A_417 = arith.constant 16 : i32
        %add3A_418 = vector.broadcast %add3A_417 : i32 to vector<16xi32>
        %add3A_419 = arith.addi %get3A_61, %add3A_418 : vector<16xi32>
        %select_n3A_420 = arith.select %lt3A_416, %add3A_419, %get3A_61 : vector<16xi1>, vector<16xi32>
        %reshape3A_421 = vector.shape_cast %select_n3A_420 : vector<16xi32> to vector<16x1xi32>
        %gather3A_422 = vector.shape_cast %reshape3A_421 : vector<16x1xi32> to vector<16xi32>
        %gather3A_423 = tpu.dynamic_gather %get3A_282[%gather3A_422] in [0] : vector<16xf32>, vector<16xi32> -> vector<16xf32>
        %swap3A_424 = arith.index_cast %scan3A_277 : i32 to index
        %swap3A_425 = arith.constant 144 : index
        %swap3A_426 = tpu.vector_load %arg8[%swap3A_424, %swap3A_425] {strides = array<i32>} : memref<64x512xf32, #tpu.memory_space<vmem>>, vector<1x16xf32>,
        %swap3A_427 = vector.shape_cast %swap3A_426 : vector<1x16xf32> to vector<16xf32>
        %swap3A_428 = vector.shape_cast %gather3A_423 : vector<16xf32> to vector<1x16xf32>
        tpu.vector_store %arg8[%swap3A_424, %swap3A_425], %swap3A_428 {strides = array<i32>} : memref<64x512xf32, #tpu.memory_space<vmem>>, vector<1x16xf32>,
        %lt3A_429 = arith.constant 0 : i32
        %lt3A_430 = vector.broadcast %lt3A_429 : i32 to vector<16xi32>
        %lt3A_431 = arith.cmpi slt, %get3A_64, %lt3A_430 : vector<16xi32>
        %add3A_432 = arith.constant 16 : i32
        %add3A_433 = vector.broadcast %add3A_432 : i32 to vector<16xi32>
        %add3A_434 = arith.addi %get3A_64, %add3A_433 : vector<16xi32>
        %select_n3A_435 = arith.select %lt3A_431, %add3A_434, %get3A_64 : vector<16xi1>, vector<16xi32>
        %reshape3A_436 = vector.shape_cast %select_n3A_435 : vector<16xi32> to vector<16x1xi32>
        %gather3A_437 = vector.shape_cast %reshape3A_436 : vector<16x1xi32> to vector<16xi32>
        %gather3A_438 = tpu.dynamic_gather %get3A_282[%gather3A_437] in [0] : vector<16xf32>, vector<16xi32> -> vector<16xf32>
        %swap3A_439 = arith.index_cast %scan3A_277 : i32 to index
        %swap3A_440 = arith.constant 160 : index
        %swap3A_441 = tpu.vector_load %arg8[%swap3A_439, %swap3A_440] {strides = array<i32>} : memref<64x512xf32, #tpu.memory_space<vmem>>, vector<1x16xf32>,
        %swap3A_442 = vector.shape_cast %swap3A_441 : vector<1x16xf32> to vector<16xf32>
        %swap3A_443 = vector.shape_cast %gather3A_438 : vector<16xf32> to vector<1x16xf32>
        tpu.vector_store %arg8[%swap3A_439, %swap3A_440], %swap3A_443 {strides = array<i32>} : memref<64x512xf32, #tpu.memory_space<vmem>>, vector<1x16xf32>,
        %lt3A_444 = arith.constant 0 : i32
        %lt3A_445 = vector.broadcast %lt3A_444 : i32 to vector<16xi32>
        %lt3A_446 = arith.cmpi slt, %get3A_67, %lt3A_445 : vector<16xi32>
        %add3A_447 = arith.constant 16 : i32
        %add3A_448 = vector.broadcast %add3A_447 : i32 to vector<16xi32>
        %add3A_449 = arith.addi %get3A_67, %add3A_448 : vector<16xi32>
        %select_n3A_450 = arith.select %lt3A_446, %add3A_449, %get3A_67 : vector<16xi1>, vector<16xi32>
        %reshape3A_451 = vector.shape_cast %select_n3A_450 : vector<16xi32> to vector<16x1xi32>
        %gather3A_452 = vector.shape_cast %reshape3A_451 : vector<16x1xi32> to vector<16xi32>
        %gather3A_453 = tpu.dynamic_gather %get3A_282[%gather3A_452] in [0] : vector<16xf32>, vector<16xi32> -> vector<16xf32>
        %swap3A_454 = arith.index_cast %scan3A_277 : i32 to index
        %swap3A_455 = arith.constant 176 : index
        %swap3A_456 = tpu.vector_load %arg8[%swap3A_454, %swap3A_455] {strides = array<i32>} : memref<64x512xf32, #tpu.memory_space<vmem>>, vector<1x16xf32>,
        %swap3A_457 = vector.shape_cast %swap3A_456 : vector<1x16xf32> to vector<16xf32>
        %swap3A_458 = vector.shape_cast %gather3A_453 : vector<16xf32> to vector<1x16xf32>
        tpu.vector_store %arg8[%swap3A_454, %swap3A_455], %swap3A_458 {strides = array<i32>} : memref<64x512xf32, #tpu.memory_space<vmem>>, vector<1x16xf32>,
        %lt3A_459 = arith.constant 0 : i32
        %lt3A_460 = vector.broadcast %lt3A_459 : i32 to vector<16xi32>
        %lt3A_461 = arith.cmpi slt, %get3A_70, %lt3A_460 : vector<16xi32>
        %add3A_462 = arith.constant 16 : i32
        %add3A_463 = vector.broadcast %add3A_462 : i32 to vector<16xi32>
        %add3A_464 = arith.addi %get3A_70, %add3A_463 : vector<16xi32>
        %select_n3A_465 = arith.select %lt3A_461, %add3A_464, %get3A_70 : vector<16xi1>, vector<16xi32>
        %reshape3A_466 = vector.shape_cast %select_n3A_465 : vector<16xi32> to vector<16x1xi32>
        %gather3A_467 = vector.shape_cast %reshape3A_466 : vector<16x1xi32> to vector<16xi32>
        %gather3A_468 = tpu.dynamic_gather %get3A_282[%gather3A_467] in [0] : vector<16xf32>, vector<16xi32> -> vector<16xf32>
        %swap3A_469 = arith.index_cast %scan3A_277 : i32 to index
        %swap3A_470 = arith.constant 192 : index
        %swap3A_471 = tpu.vector_load %arg8[%swap3A_469, %swap3A_470] {strides = array<i32>} : memref<64x512xf32, #tpu.memory_space<vmem>>, vector<1x16xf32>,
        %swap3A_472 = vector.shape_cast %swap3A_471 : vector<1x16xf32> to vector<16xf32>
        %swap3A_473 = vector.shape_cast %gather3A_468 : vector<16xf32> to vector<1x16xf32>
        tpu.vector_store %arg8[%swap3A_469, %swap3A_470], %swap3A_473 {strides = array<i32>} : memref<64x512xf32, #tpu.memory_space<vmem>>, vector<1x16xf32>,
        %lt3A_474 = arith.constant 0 : i32
        %lt3A_475 = vector.broadcast %lt3A_474 : i32 to vector<16xi32>
        %lt3A_476 = arith.cmpi slt, %get3A_73, %lt3A_475 : vector<16xi32>
        %add3A_477 = arith.constant 16 : i32
        %add3A_478 = vector.broadcast %add3A_477 : i32 to vector<16xi32>
        %add3A_479 = arith.addi %get3A_73, %add3A_478 : vector<16xi32>
        %select_n3A_480 = arith.select %lt3A_476, %add3A_479, %get3A_73 : vector<16xi1>, vector<16xi32>
        %reshape3A_481 = vector.shape_cast %select_n3A_480 : vector<16xi32> to vector<16x1xi32>
        %gather3A_482 = vector.shape_cast %reshape3A_481 : vector<16x1xi32> to vector<16xi32>
        %gather3A_483 = tpu.dynamic_gather %get3A_282[%gather3A_482] in [0] : vector<16xf32>, vector<16xi32> -> vector<16xf32>
        %swap3A_484 = arith.index_cast %scan3A_277 : i32 to index
        %swap3A_485 = arith.constant 208 : index
        %swap3A_486 = tpu.vector_load %arg8[%swap3A_484, %swap3A_485] {strides = array<i32>} : memref<64x512xf32, #tpu.memory_space<vmem>>, vector<1x16xf32>,
        %swap3A_487 = vector.shape_cast %swap3A_486 : vector<1x16xf32> to vector<16xf32>
        %swap3A_488 = vector.shape_cast %gather3A_483 : vector<16xf32> to vector<1x16xf32>
        tpu.vector_store %arg8[%swap3A_484, %swap3A_485], %swap3A_488 {strides = array<i32>} : memref<64x512xf32, #tpu.memory_space<vmem>>, vector<1x16xf32>,
        %lt3A_489 = arith.constant 0 : i32
        %lt3A_490 = vector.broadcast %lt3A_489 : i32 to vector<16xi32>
        %lt3A_491 = arith.cmpi slt, %get3A_76, %lt3A_490 : vector<16xi32>
        %add3A_492 = arith.constant 16 : i32
        %add3A_493 = vector.broadcast %add3A_492 : i32 to vector<16xi32>
        %add3A_494 = arith.addi %get3A_76, %add3A_493 : vector<16xi32>
        %select_n3A_495 = arith.select %lt3A_491, %add3A_494, %get3A_76 : vector<16xi1>, vector<16xi32>
        %reshape3A_496 = vector.shape_cast %select_n3A_495 : vector<16xi32> to vector<16x1xi32>
        %gather3A_497 = vector.shape_cast %reshape3A_496 : vector<16x1xi32> to vector<16xi32>
        %gather3A_498 = tpu.dynamic_gather %get3A_282[%gather3A_497] in [0] : vector<16xf32>, vector<16xi32> -> vector<16xf32>
        %swap3A_499 = arith.index_cast %scan3A_277 : i32 to index
        %swap3A_500 = arith.constant 224 : index
        %swap3A_501 = tpu.vector_load %arg8[%swap3A_499, %swap3A_500] {strides = array<i32>} : memref<64x512xf32, #tpu.memory_space<vmem>>, vector<1x16xf32>,
        %swap3A_502 = vector.shape_cast %swap3A_501 : vector<1x16xf32> to vector<16xf32>
        %swap3A_503 = vector.shape_cast %gather3A_498 : vector<16xf32> to vector<1x16xf32>
        tpu.vector_store %arg8[%swap3A_499, %swap3A_500], %swap3A_503 {strides = array<i32>} : memref<64x512xf32, #tpu.memory_space<vmem>>, vector<1x16xf32>,
        %lt3A_504 = arith.constant 0 : i32
        %lt3A_505 = vector.broadcast %lt3A_504 : i32 to vector<16xi32>
        %lt3A_506 = arith.cmpi slt, %get3A_79, %lt3A_505 : vector<16xi32>
        %add3A_507 = arith.constant 16 : i32
        %add3A_508 = vector.broadcast %add3A_507 : i32 to vector<16xi32>
        %add3A_509 = arith.addi %get3A_79, %add3A_508 : vector<16xi32>
        %select_n3A_510 = arith.select %lt3A_506, %add3A_509, %get3A_79 : vector<16xi1>, vector<16xi32>
        %reshape3A_511 = vector.shape_cast %select_n3A_510 : vector<16xi32> to vector<16x1xi32>
        %gather3A_512 = vector.shape_cast %reshape3A_511 : vector<16x1xi32> to vector<16xi32>
        %gather3A_513 = tpu.dynamic_gather %get3A_282[%gather3A_512] in [0] : vector<16xf32>, vector<16xi32> -> vector<16xf32>
        %swap3A_514 = arith.index_cast %scan3A_277 : i32 to index
        %swap3A_515 = arith.constant 240 : index
        %swap3A_516 = tpu.vector_load %arg8[%swap3A_514, %swap3A_515] {strides = array<i32>} : memref<64x512xf32, #tpu.memory_space<vmem>>, vector<1x16xf32>,
        %swap3A_517 = vector.shape_cast %swap3A_516 : vector<1x16xf32> to vector<16xf32>
        %swap3A_518 = vector.shape_cast %gather3A_513 : vector<16xf32> to vector<1x16xf32>
        tpu.vector_store %arg8[%swap3A_514, %swap3A_515], %swap3A_518 {strides = array<i32>} : memref<64x512xf32, #tpu.memory_space<vmem>>, vector<1x16xf32>,
        %scan3A_519 = arith.constant 1 : i32
        %scan3A_520 = arith.addi %scan3A_277, %scan3A_519 : i32
        %mul3A_521 = arith.constant 16 : i32
        %mul3A_522 = arith.muli %scan3A_520, %mul3A_521 : i32
        %multiple_of3A_523 = tpu.assume_multiple %mul3A_522, 16 : i32
        %get3A_524 = arith.index_cast %multiple_of3A_523 : i32 to index
        %get3A_525 = tpu.vector_load %arg5[%get3A_524] {strides = array<i32>} : memref<1024xf32, #tpu.memory_space<vmem>>, vector<16xf32>,
        %get3A_526 = vector.shape_cast %get3A_525 : vector<16xf32> to vector<16xf32>
        %lt3A_527 = arith.constant 0 : i32
        %lt3A_528 = vector.broadcast %lt3A_527 : i32 to vector<16xi32>
        %lt3A_529 = arith.cmpi slt, %get3A_34, %lt3A_528 : vector<16xi32>
        %add3A_530 = arith.constant 16 : i32
        %add3A_531 = vector.broadcast %add3A_530 : i32 to vector<16xi32>
        %add3A_532 = arith.addi %get3A_34, %add3A_531 : vector<16xi32>
        %select_n3A_533 = arith.select %lt3A_529, %add3A_532, %get3A_34 : vector<16xi1>, vector<16xi32>
        %reshape3A_534 = vector.shape_cast %select_n3A_533 : vector<16xi32> to vector<16x1xi32>
        %gather3A_535 = vector.shape_cast %reshape3A_534 : vector<16x1xi32> to vector<16xi32>
        %gather3A_536 = tpu.dynamic_gather %get3A_526[%gather3A_535] in [0] : vector<16xf32>, vector<16xi32> -> vector<16xf32>
        %swap3A_537 = arith.index_cast %scan3A_520 : i32 to index
        %swap3A_538 = arith.constant 0 : index
        %swap3A_539 = tpu.vector_load %arg8[%swap3A_537, %swap3A_538] {strides = array<i32>} : memref<64x512xf32, #tpu.memory_space<vmem>>, vector<1x16xf32>,
        %swap3A_540 = vector.shape_cast %swap3A_539 : vector<1x16xf32> to vector<16xf32>
        %swap3A_541 = vector.shape_cast %gather3A_536 : vector<16xf32> to vector<1x16xf32>
        tpu.vector_store %arg8[%swap3A_537, %swap3A_538], %swap3A_541 {strides = array<i32>} : memref<64x512xf32, #tpu.memory_space<vmem>>, vector<1x16xf32>,
        %lt3A_542 = arith.constant 0 : i32
        %lt3A_543 = vector.broadcast %lt3A_542 : i32 to vector<16xi32>
        %lt3A_544 = arith.cmpi slt, %get3A_37, %lt3A_543 : vector<16xi32>
        %add3A_545 = arith.constant 16 : i32
        %add3A_546 = vector.broadcast %add3A_545 : i32 to vector<16xi32>
        %add3A_547 = arith.addi %get3A_37, %add3A_546 : vector<16xi32>
        %select_n3A_548 = arith.select %lt3A_544, %add3A_547, %get3A_37 : vector<16xi1>, vector<16xi32>
        %reshape3A_549 = vector.shape_cast %select_n3A_548 : vector<16xi32> to vector<16x1xi32>
        %gather3A_550 = vector.shape_cast %reshape3A_549 : vector<16x1xi32> to vector<16xi32>
        %gather3A_551 = tpu.dynamic_gather %get3A_526[%gather3A_550] in [0] : vector<16xf32>, vector<16xi32> -> vector<16xf32>
        %swap3A_552 = arith.index_cast %scan3A_520 : i32 to index
        %swap3A_553 = arith.constant 16 : index
        %swap3A_554 = tpu.vector_load %arg8[%swap3A_552, %swap3A_553] {strides = array<i32>} : memref<64x512xf32, #tpu.memory_space<vmem>>, vector<1x16xf32>,
        %swap3A_555 = vector.shape_cast %swap3A_554 : vector<1x16xf32> to vector<16xf32>
        %swap3A_556 = vector.shape_cast %gather3A_551 : vector<16xf32> to vector<1x16xf32>
        tpu.vector_store %arg8[%swap3A_552, %swap3A_553], %swap3A_556 {strides = array<i32>} : memref<64x512xf32, #tpu.memory_space<vmem>>, vector<1x16xf32>,
        %lt3A_557 = arith.constant 0 : i32
        %lt3A_558 = vector.broadcast %lt3A_557 : i32 to vector<16xi32>
        %lt3A_559 = arith.cmpi slt, %get3A_40, %lt3A_558 : vector<16xi32>
        %add3A_560 = arith.constant 16 : i32
        %add3A_561 = vector.broadcast %add3A_560 : i32 to vector<16xi32>
        %add3A_562 = arith.addi %get3A_40, %add3A_561 : vector<16xi32>
        %select_n3A_563 = arith.select %lt3A_559, %add3A_562, %get3A_40 : vector<16xi1>, vector<16xi32>
        %reshape3A_564 = vector.shape_cast %select_n3A_563 : vector<16xi32> to vector<16x1xi32>
        %gather3A_565 = vector.shape_cast %reshape3A_564 : vector<16x1xi32> to vector<16xi32>
        %gather3A_566 = tpu.dynamic_gather %get3A_526[%gather3A_565] in [0] : vector<16xf32>, vector<16xi32> -> vector<16xf32>
        %swap3A_567 = arith.index_cast %scan3A_520 : i32 to index
        %swap3A_568 = arith.constant 32 : index
        %swap3A_569 = tpu.vector_load %arg8[%swap3A_567, %swap3A_568] {strides = array<i32>} : memref<64x512xf32, #tpu.memory_space<vmem>>, vector<1x16xf32>,
        %swap3A_570 = vector.shape_cast %swap3A_569 : vector<1x16xf32> to vector<16xf32>
        %swap3A_571 = vector.shape_cast %gather3A_566 : vector<16xf32> to vector<1x16xf32>
        tpu.vector_store %arg8[%swap3A_567, %swap3A_568], %swap3A_571 {strides = array<i32>} : memref<64x512xf32, #tpu.memory_space<vmem>>, vector<1x16xf32>,
        %lt3A_572 = arith.constant 0 : i32
        %lt3A_573 = vector.broadcast %lt3A_572 : i32 to vector<16xi32>
        %lt3A_574 = arith.cmpi slt, %get3A_43, %lt3A_573 : vector<16xi32>
        %add3A_575 = arith.constant 16 : i32
        %add3A_576 = vector.broadcast %add3A_575 : i32 to vector<16xi32>
        %add3A_577 = arith.addi %get3A_43, %add3A_576 : vector<16xi32>
        %select_n3A_578 = arith.select %lt3A_574, %add3A_577, %get3A_43 : vector<16xi1>, vector<16xi32>
        %reshape3A_579 = vector.shape_cast %select_n3A_578 : vector<16xi32> to vector<16x1xi32>
        %gather3A_580 = vector.shape_cast %reshape3A_579 : vector<16x1xi32> to vector<16xi32>
        %gather3A_581 = tpu.dynamic_gather %get3A_526[%gather3A_580] in [0] : vector<16xf32>, vector<16xi32> -> vector<16xf32>
        %swap3A_582 = arith.index_cast %scan3A_520 : i32 to index
        %swap3A_583 = arith.constant 48 : index
        %swap3A_584 = tpu.vector_load %arg8[%swap3A_582, %swap3A_583] {strides = array<i32>} : memref<64x512xf32, #tpu.memory_space<vmem>>, vector<1x16xf32>,
        %swap3A_585 = vector.shape_cast %swap3A_584 : vector<1x16xf32> to vector<16xf32>
        %swap3A_586 = vector.shape_cast %gather3A_581 : vector<16xf32> to vector<1x16xf32>
        tpu.vector_store %arg8[%swap3A_582, %swap3A_583], %swap3A_586 {strides = array<i32>} : memref<64x512xf32, #tpu.memory_space<vmem>>, vector<1x16xf32>,
        %lt3A_587 = arith.constant 0 : i32
        %lt3A_588 = vector.broadcast %lt3A_587 : i32 to vector<16xi32>
        %lt3A_589 = arith.cmpi slt, %get3A_46, %lt3A_588 : vector<16xi32>
        %add3A_590 = arith.constant 16 : i32
        %add3A_591 = vector.broadcast %add3A_590 : i32 to vector<16xi32>
        %add3A_592 = arith.addi %get3A_46, %add3A_591 : vector<16xi32>
        %select_n3A_593 = arith.select %lt3A_589, %add3A_592, %get3A_46 : vector<16xi1>, vector<16xi32>
        %reshape3A_594 = vector.shape_cast %select_n3A_593 : vector<16xi32> to vector<16x1xi32>
        %gather3A_595 = vector.shape_cast %reshape3A_594 : vector<16x1xi32> to vector<16xi32>
        %gather3A_596 = tpu.dynamic_gather %get3A_526[%gather3A_595] in [0] : vector<16xf32>, vector<16xi32> -> vector<16xf32>
        %swap3A_597 = arith.index_cast %scan3A_520 : i32 to index
        %swap3A_598 = arith.constant 64 : index
        %swap3A_599 = tpu.vector_load %arg8[%swap3A_597, %swap3A_598] {strides = array<i32>} : memref<64x512xf32, #tpu.memory_space<vmem>>, vector<1x16xf32>,
        %swap3A_600 = vector.shape_cast %swap3A_599 : vector<1x16xf32> to vector<16xf32>
        %swap3A_601 = vector.shape_cast %gather3A_596 : vector<16xf32> to vector<1x16xf32>
        tpu.vector_store %arg8[%swap3A_597, %swap3A_598], %swap3A_601 {strides = array<i32>} : memref<64x512xf32, #tpu.memory_space<vmem>>, vector<1x16xf32>,
        %lt3A_602 = arith.constant 0 : i32
        %lt3A_603 = vector.broadcast %lt3A_602 : i32 to vector<16xi32>
        %lt3A_604 = arith.cmpi slt, %get3A_49, %lt3A_603 : vector<16xi32>
        %add3A_605 = arith.constant 16 : i32
        %add3A_606 = vector.broadcast %add3A_605 : i32 to vector<16xi32>
        %add3A_607 = arith.addi %get3A_49, %add3A_606 : vector<16xi32>
        %select_n3A_608 = arith.select %lt3A_604, %add3A_607, %get3A_49 : vector<16xi1>, vector<16xi32>
        %reshape3A_609 = vector.shape_cast %select_n3A_608 : vector<16xi32> to vector<16x1xi32>
        %gather3A_610 = vector.shape_cast %reshape3A_609 : vector<16x1xi32> to vector<16xi32>
        %gather3A_611 = tpu.dynamic_gather %get3A_526[%gather3A_610] in [0] : vector<16xf32>, vector<16xi32> -> vector<16xf32>
        %swap3A_612 = arith.index_cast %scan3A_520 : i32 to index
        %swap3A_613 = arith.constant 80 : index
        %swap3A_614 = tpu.vector_load %arg8[%swap3A_612, %swap3A_613] {strides = array<i32>} : memref<64x512xf32, #tpu.memory_space<vmem>>, vector<1x16xf32>,
        %swap3A_615 = vector.shape_cast %swap3A_614 : vector<1x16xf32> to vector<16xf32>
        %swap3A_616 = vector.shape_cast %gather3A_611 : vector<16xf32> to vector<1x16xf32>
        tpu.vector_store %arg8[%swap3A_612, %swap3A_613], %swap3A_616 {strides = array<i32>} : memref<64x512xf32, #tpu.memory_space<vmem>>, vector<1x16xf32>,
        %lt3A_617 = arith.constant 0 : i32
        %lt3A_618 = vector.broadcast %lt3A_617 : i32 to vector<16xi32>
        %lt3A_619 = arith.cmpi slt, %get3A_52, %lt3A_618 : vector<16xi32>
        %add3A_620 = arith.constant 16 : i32
        %add3A_621 = vector.broadcast %add3A_620 : i32 to vector<16xi32>
        %add3A_622 = arith.addi %get3A_52, %add3A_621 : vector<16xi32>
        %select_n3A_623 = arith.select %lt3A_619, %add3A_622, %get3A_52 : vector<16xi1>, vector<16xi32>
        %reshape3A_624 = vector.shape_cast %select_n3A_623 : vector<16xi32> to vector<16x1xi32>
        %gather3A_625 = vector.shape_cast %reshape3A_624 : vector<16x1xi32> to vector<16xi32>
        %gather3A_626 = tpu.dynamic_gather %get3A_526[%gather3A_625] in [0] : vector<16xf32>, vector<16xi32> -> vector<16xf32>
        %swap3A_627 = arith.index_cast %scan3A_520 : i32 to index
        %swap3A_628 = arith.constant 96 : index
        %swap3A_629 = tpu.vector_load %arg8[%swap3A_627, %swap3A_628] {strides = array<i32>} : memref<64x512xf32, #tpu.memory_space<vmem>>, vector<1x16xf32>,
        %swap3A_630 = vector.shape_cast %swap3A_629 : vector<1x16xf32> to vector<16xf32>
        %swap3A_631 = vector.shape_cast %gather3A_626 : vector<16xf32> to vector<1x16xf32>
        tpu.vector_store %arg8[%swap3A_627, %swap3A_628], %swap3A_631 {strides = array<i32>} : memref<64x512xf32, #tpu.memory_space<vmem>>, vector<1x16xf32>,
        %lt3A_632 = arith.constant 0 : i32
        %lt3A_633 = vector.broadcast %lt3A_632 : i32 to vector<16xi32>
        %lt3A_634 = arith.cmpi slt, %get3A_55, %lt3A_633 : vector<16xi32>
        %add3A_635 = arith.constant 16 : i32
        %add3A_636 = vector.broadcast %add3A_635 : i32 to vector<16xi32>
        %add3A_637 = arith.addi %get3A_55, %add3A_636 : vector<16xi32>
        %select_n3A_638 = arith.select %lt3A_634, %add3A_637, %get3A_55 : vector<16xi1>, vector<16xi32>
        %reshape3A_639 = vector.shape_cast %select_n3A_638 : vector<16xi32> to vector<16x1xi32>
        %gather3A_640 = vector.shape_cast %reshape3A_639 : vector<16x1xi32> to vector<16xi32>
        %gather3A_641 = tpu.dynamic_gather %get3A_526[%gather3A_640] in [0] : vector<16xf32>, vector<16xi32> -> vector<16xf32>
        %swap3A_642 = arith.index_cast %scan3A_520 : i32 to index
        %swap3A_643 = arith.constant 112 : index
        %swap3A_644 = tpu.vector_load %arg8[%swap3A_642, %swap3A_643] {strides = array<i32>} : memref<64x512xf32, #tpu.memory_space<vmem>>, vector<1x16xf32>,
        %swap3A_645 = vector.shape_cast %swap3A_644 : vector<1x16xf32> to vector<16xf32>
        %swap3A_646 = vector.shape_cast %gather3A_641 : vector<16xf32> to vector<1x16xf32>
        tpu.vector_store %arg8[%swap3A_642, %swap3A_643], %swap3A_646 {strides = array<i32>} : memref<64x512xf32, #tpu.memory_space<vmem>>, vector<1x16xf32>,
        %lt3A_647 = arith.constant 0 : i32
        %lt3A_648 = vector.broadcast %lt3A_647 : i32 to vector<16xi32>
        %lt3A_649 = arith.cmpi slt, %get3A_58, %lt3A_648 : vector<16xi32>
        %add3A_650 = arith.constant 16 : i32
        %add3A_651 = vector.broadcast %add3A_650 : i32 to vector<16xi32>
        %add3A_652 = arith.addi %get3A_58, %add3A_651 : vector<16xi32>
        %select_n3A_653 = arith.select %lt3A_649, %add3A_652, %get3A_58 : vector<16xi1>, vector<16xi32>
        %reshape3A_654 = vector.shape_cast %select_n3A_653 : vector<16xi32> to vector<16x1xi32>
        %gather3A_655 = vector.shape_cast %reshape3A_654 : vector<16x1xi32> to vector<16xi32>
        %gather3A_656 = tpu.dynamic_gather %get3A_526[%gather3A_655] in [0] : vector<16xf32>, vector<16xi32> -> vector<16xf32>
        %swap3A_657 = arith.index_cast %scan3A_520 : i32 to index
        %swap3A_658 = arith.constant 128 : index
        %swap3A_659 = tpu.vector_load %arg8[%swap3A_657, %swap3A_658] {strides = array<i32>} : memref<64x512xf32, #tpu.memory_space<vmem>>, vector<1x16xf32>,
        %swap3A_660 = vector.shape_cast %swap3A_659 : vector<1x16xf32> to vector<16xf32>
        %swap3A_661 = vector.shape_cast %gather3A_656 : vector<16xf32> to vector<1x16xf32>
        tpu.vector_store %arg8[%swap3A_657, %swap3A_658], %swap3A_661 {strides = array<i32>} : memref<64x512xf32, #tpu.memory_space<vmem>>, vector<1x16xf32>,
        %lt3A_662 = arith.constant 0 : i32
        %lt3A_663 = vector.broadcast %lt3A_662 : i32 to vector<16xi32>
        %lt3A_664 = arith.cmpi slt, %get3A_61, %lt3A_663 : vector<16xi32>
        %add3A_665 = arith.constant 16 : i32
        %add3A_666 = vector.broadcast %add3A_665 : i32 to vector<16xi32>
        %add3A_667 = arith.addi %get3A_61, %add3A_666 : vector<16xi32>
        %select_n3A_668 = arith.select %lt3A_664, %add3A_667, %get3A_61 : vector<16xi1>, vector<16xi32>
        %reshape3A_669 = vector.shape_cast %select_n3A_668 : vector<16xi32> to vector<16x1xi32>
        %gather3A_670 = vector.shape_cast %reshape3A_669 : vector<16x1xi32> to vector<16xi32>
        %gather3A_671 = tpu.dynamic_gather %get3A_526[%gather3A_670] in [0] : vector<16xf32>, vector<16xi32> -> vector<16xf32>
        %swap3A_672 = arith.index_cast %scan3A_520 : i32 to index
        %swap3A_673 = arith.constant 144 : index
        %swap3A_674 = tpu.vector_load %arg8[%swap3A_672, %swap3A_673] {strides = array<i32>} : memref<64x512xf32, #tpu.memory_space<vmem>>, vector<1x16xf32>,
        %swap3A_675 = vector.shape_cast %swap3A_674 : vector<1x16xf32> to vector<16xf32>
        %swap3A_676 = vector.shape_cast %gather3A_671 : vector<16xf32> to vector<1x16xf32>
        tpu.vector_store %arg8[%swap3A_672, %swap3A_673], %swap3A_676 {strides = array<i32>} : memref<64x512xf32, #tpu.memory_space<vmem>>, vector<1x16xf32>,
        %lt3A_677 = arith.constant 0 : i32
        %lt3A_678 = vector.broadcast %lt3A_677 : i32 to vector<16xi32>
        %lt3A_679 = arith.cmpi slt, %get3A_64, %lt3A_678 : vector<16xi32>
        %add3A_680 = arith.constant 16 : i32
        %add3A_681 = vector.broadcast %add3A_680 : i32 to vector<16xi32>
        %add3A_682 = arith.addi %get3A_64, %add3A_681 : vector<16xi32>
        %select_n3A_683 = arith.select %lt3A_679, %add3A_682, %get3A_64 : vector<16xi1>, vector<16xi32>
        %reshape3A_684 = vector.shape_cast %select_n3A_683 : vector<16xi32> to vector<16x1xi32>
        %gather3A_685 = vector.shape_cast %reshape3A_684 : vector<16x1xi32> to vector<16xi32>
        %gather3A_686 = tpu.dynamic_gather %get3A_526[%gather3A_685] in [0] : vector<16xf32>, vector<16xi32> -> vector<16xf32>
        %swap3A_687 = arith.index_cast %scan3A_520 : i32 to index
        %swap3A_688 = arith.constant 160 : index
        %swap3A_689 = tpu.vector_load %arg8[%swap3A_687, %swap3A_688] {strides = array<i32>} : memref<64x512xf32, #tpu.memory_space<vmem>>, vector<1x16xf32>,
        %swap3A_690 = vector.shape_cast %swap3A_689 : vector<1x16xf32> to vector<16xf32>
        %swap3A_691 = vector.shape_cast %gather3A_686 : vector<16xf32> to vector<1x16xf32>
        tpu.vector_store %arg8[%swap3A_687, %swap3A_688], %swap3A_691 {strides = array<i32>} : memref<64x512xf32, #tpu.memory_space<vmem>>, vector<1x16xf32>,
        %lt3A_692 = arith.constant 0 : i32
        %lt3A_693 = vector.broadcast %lt3A_692 : i32 to vector<16xi32>
        %lt3A_694 = arith.cmpi slt, %get3A_67, %lt3A_693 : vector<16xi32>
        %add3A_695 = arith.constant 16 : i32
        %add3A_696 = vector.broadcast %add3A_695 : i32 to vector<16xi32>
        %add3A_697 = arith.addi %get3A_67, %add3A_696 : vector<16xi32>
        %select_n3A_698 = arith.select %lt3A_694, %add3A_697, %get3A_67 : vector<16xi1>, vector<16xi32>
        %reshape3A_699 = vector.shape_cast %select_n3A_698 : vector<16xi32> to vector<16x1xi32>
        %gather3A_700 = vector.shape_cast %reshape3A_699 : vector<16x1xi32> to vector<16xi32>
        %gather3A_701 = tpu.dynamic_gather %get3A_526[%gather3A_700] in [0] : vector<16xf32>, vector<16xi32> -> vector<16xf32>
        %swap3A_702 = arith.index_cast %scan3A_520 : i32 to index
        %swap3A_703 = arith.constant 176 : index
        %swap3A_704 = tpu.vector_load %arg8[%swap3A_702, %swap3A_703] {strides = array<i32>} : memref<64x512xf32, #tpu.memory_space<vmem>>, vector<1x16xf32>,
        %swap3A_705 = vector.shape_cast %swap3A_704 : vector<1x16xf32> to vector<16xf32>
        %swap3A_706 = vector.shape_cast %gather3A_701 : vector<16xf32> to vector<1x16xf32>
        tpu.vector_store %arg8[%swap3A_702, %swap3A_703], %swap3A_706 {strides = array<i32>} : memref<64x512xf32, #tpu.memory_space<vmem>>, vector<1x16xf32>,
        %lt3A_707 = arith.constant 0 : i32
        %lt3A_708 = vector.broadcast %lt3A_707 : i32 to vector<16xi32>
        %lt3A_709 = arith.cmpi slt, %get3A_70, %lt3A_708 : vector<16xi32>
        %add3A_710 = arith.constant 16 : i32
        %add3A_711 = vector.broadcast %add3A_710 : i32 to vector<16xi32>
        %add3A_712 = arith.addi %get3A_70, %add3A_711 : vector<16xi32>
        %select_n3A_713 = arith.select %lt3A_709, %add3A_712, %get3A_70 : vector<16xi1>, vector<16xi32>
        %reshape3A_714 = vector.shape_cast %select_n3A_713 : vector<16xi32> to vector<16x1xi32>
        %gather3A_715 = vector.shape_cast %reshape3A_714 : vector<16x1xi32> to vector<16xi32>
        %gather3A_716 = tpu.dynamic_gather %get3A_526[%gather3A_715] in [0] : vector<16xf32>, vector<16xi32> -> vector<16xf32>
        %swap3A_717 = arith.index_cast %scan3A_520 : i32 to index
        %swap3A_718 = arith.constant 192 : index
        %swap3A_719 = tpu.vector_load %arg8[%swap3A_717, %swap3A_718] {strides = array<i32>} : memref<64x512xf32, #tpu.memory_space<vmem>>, vector<1x16xf32>,
        %swap3A_720 = vector.shape_cast %swap3A_719 : vector<1x16xf32> to vector<16xf32>
        %swap3A_721 = vector.shape_cast %gather3A_716 : vector<16xf32> to vector<1x16xf32>
        tpu.vector_store %arg8[%swap3A_717, %swap3A_718], %swap3A_721 {strides = array<i32>} : memref<64x512xf32, #tpu.memory_space<vmem>>, vector<1x16xf32>,
        %lt3A_722 = arith.constant 0 : i32
        %lt3A_723 = vector.broadcast %lt3A_722 : i32 to vector<16xi32>
        %lt3A_724 = arith.cmpi slt, %get3A_73, %lt3A_723 : vector<16xi32>
        %add3A_725 = arith.constant 16 : i32
        %add3A_726 = vector.broadcast %add3A_725 : i32 to vector<16xi32>
        %add3A_727 = arith.addi %get3A_73, %add3A_726 : vector<16xi32>
        %select_n3A_728 = arith.select %lt3A_724, %add3A_727, %get3A_73 : vector<16xi1>, vector<16xi32>
        %reshape3A_729 = vector.shape_cast %select_n3A_728 : vector<16xi32> to vector<16x1xi32>
        %gather3A_730 = vector.shape_cast %reshape3A_729 : vector<16x1xi32> to vector<16xi32>
        %gather3A_731 = tpu.dynamic_gather %get3A_526[%gather3A_730] in [0] : vector<16xf32>, vector<16xi32> -> vector<16xf32>
        %swap3A_732 = arith.index_cast %scan3A_520 : i32 to index
        %swap3A_733 = arith.constant 208 : index
        %swap3A_734 = tpu.vector_load %arg8[%swap3A_732, %swap3A_733] {strides = array<i32>} : memref<64x512xf32, #tpu.memory_space<vmem>>, vector<1x16xf32>,
        %swap3A_735 = vector.shape_cast %swap3A_734 : vector<1x16xf32> to vector<16xf32>
        %swap3A_736 = vector.shape_cast %gather3A_731 : vector<16xf32> to vector<1x16xf32>
        tpu.vector_store %arg8[%swap3A_732, %swap3A_733], %swap3A_736 {strides = array<i32>} : memref<64x512xf32, #tpu.memory_space<vmem>>, vector<1x16xf32>,
        %lt3A_737 = arith.constant 0 : i32
        %lt3A_738 = vector.broadcast %lt3A_737 : i32 to vector<16xi32>
        %lt3A_739 = arith.cmpi slt, %get3A_76, %lt3A_738 : vector<16xi32>
        %add3A_740 = arith.constant 16 : i32
        %add3A_741 = vector.broadcast %add3A_740 : i32 to vector<16xi32>
        %add3A_742 = arith.addi %get3A_76, %add3A_741 : vector<16xi32>
        %select_n3A_743 = arith.select %lt3A_739, %add3A_742, %get3A_76 : vector<16xi1>, vector<16xi32>
        %reshape3A_744 = vector.shape_cast %select_n3A_743 : vector<16xi32> to vector<16x1xi32>
        %gather3A_745 = vector.shape_cast %reshape3A_744 : vector<16x1xi32> to vector<16xi32>
        %gather3A_746 = tpu.dynamic_gather %get3A_526[%gather3A_745] in [0] : vector<16xf32>, vector<16xi32> -> vector<16xf32>
        %swap3A_747 = arith.index_cast %scan3A_520 : i32 to index
        %swap3A_748 = arith.constant 224 : index
        %swap3A_749 = tpu.vector_load %arg8[%swap3A_747, %swap3A_748] {strides = array<i32>} : memref<64x512xf32, #tpu.memory_space<vmem>>, vector<1x16xf32>,
        %swap3A_750 = vector.shape_cast %swap3A_749 : vector<1x16xf32> to vector<16xf32>
        %swap3A_751 = vector.shape_cast %gather3A_746 : vector<16xf32> to vector<1x16xf32>
        tpu.vector_store %arg8[%swap3A_747, %swap3A_748], %swap3A_751 {strides = array<i32>} : memref<64x512xf32, #tpu.memory_space<vmem>>, vector<1x16xf32>,
        %lt3A_752 = arith.constant 0 : i32
        %lt3A_753 = vector.broadcast %lt3A_752 : i32 to vector<16xi32>
        %lt3A_754 = arith.cmpi slt, %get3A_79, %lt3A_753 : vector<16xi32>
        %add3A_755 = arith.constant 16 : i32
        %add3A_756 = vector.broadcast %add3A_755 : i32 to vector<16xi32>
        %add3A_757 = arith.addi %get3A_79, %add3A_756 : vector<16xi32>
        %select_n3A_758 = arith.select %lt3A_754, %add3A_757, %get3A_79 : vector<16xi1>, vector<16xi32>
        %reshape3A_759 = vector.shape_cast %select_n3A_758 : vector<16xi32> to vector<16x1xi32>
        %gather3A_760 = vector.shape_cast %reshape3A_759 : vector<16x1xi32> to vector<16xi32>
        %gather3A_761 = tpu.dynamic_gather %get3A_526[%gather3A_760] in [0] : vector<16xf32>, vector<16xi32> -> vector<16xf32>
        %swap3A_762 = arith.index_cast %scan3A_520 : i32 to index
        %swap3A_763 = arith.constant 240 : index
        %swap3A_764 = tpu.vector_load %arg8[%swap3A_762, %swap3A_763] {strides = array<i32>} : memref<64x512xf32, #tpu.memory_space<vmem>>, vector<1x16xf32>,
        %swap3A_765 = vector.shape_cast %swap3A_764 : vector<1x16xf32> to vector<16xf32>
        %swap3A_766 = vector.shape_cast %gather3A_761 : vector<16xf32> to vector<1x16xf32>
        tpu.vector_store %arg8[%swap3A_762, %swap3A_763], %swap3A_766 {strides = array<i32>} : memref<64x512xf32, #tpu.memory_space<vmem>>, vector<1x16xf32>,
      }
      %scan3A_84 = arith.constant 64 : i32
      %get3A_85 = arith.constant 256 : index
      %get3A_86 = tpu.vector_load %arg6[%get3A_85] {strides = array<i32>} : memref<512xi32, #tpu.memory_space<vmem>>, vector<16xi32>,
      %get3A_87 = vector.shape_cast %get3A_86 : vector<16xi32> to vector<16xi32>
      %get3A_88 = arith.constant 272 : index
      %get3A_89 = tpu.vector_load %arg6[%get3A_88] {strides = array<i32>} : memref<512xi32, #tpu.memory_space<vmem>>, vector<16xi32>,
      %get3A_90 = vector.shape_cast %get3A_89 : vector<16xi32> to vector<16xi32>
      %get3A_91 = arith.constant 288 : index
      %get3A_92 = tpu.vector_load %arg6[%get3A_91] {strides = array<i32>} : memref<512xi32, #tpu.memory_space<vmem>>, vector<16xi32>,
      %get3A_93 = vector.shape_cast %get3A_92 : vector<16xi32> to vector<16xi32>
      %get3A_94 = arith.constant 304 : index
      %get3A_95 = tpu.vector_load %arg6[%get3A_94] {strides = array<i32>} : memref<512xi32, #tpu.memory_space<vmem>>, vector<16xi32>,
      %get3A_96 = vector.shape_cast %get3A_95 : vector<16xi32> to vector<16xi32>
      %get3A_97 = arith.constant 320 : index
      %get3A_98 = tpu.vector_load %arg6[%get3A_97] {strides = array<i32>} : memref<512xi32, #tpu.memory_space<vmem>>, vector<16xi32>,
      %get3A_99 = vector.shape_cast %get3A_98 : vector<16xi32> to vector<16xi32>
      %get3A_100 = arith.constant 336 : index
      %get3A_101 = tpu.vector_load %arg6[%get3A_100] {strides = array<i32>} : memref<512xi32, #tpu.memory_space<vmem>>, vector<16xi32>,
      %get3A_102 = vector.shape_cast %get3A_101 : vector<16xi32> to vector<16xi32>
      %get3A_103 = arith.constant 352 : index
      %get3A_104 = tpu.vector_load %arg6[%get3A_103] {strides = array<i32>} : memref<512xi32, #tpu.memory_space<vmem>>, vector<16xi32>,
      %get3A_105 = vector.shape_cast %get3A_104 : vector<16xi32> to vector<16xi32>
      %get3A_106 = arith.constant 368 : index
      %get3A_107 = tpu.vector_load %arg6[%get3A_106] {strides = array<i32>} : memref<512xi32, #tpu.memory_space<vmem>>, vector<16xi32>,
      %get3A_108 = vector.shape_cast %get3A_107 : vector<16xi32> to vector<16xi32>
      %get3A_109 = arith.constant 384 : index
      %get3A_110 = tpu.vector_load %arg6[%get3A_109] {strides = array<i32>} : memref<512xi32, #tpu.memory_space<vmem>>, vector<16xi32>,
      %get3A_111 = vector.shape_cast %get3A_110 : vector<16xi32> to vector<16xi32>
      %get3A_112 = arith.constant 400 : index
      %get3A_113 = tpu.vector_load %arg6[%get3A_112] {strides = array<i32>} : memref<512xi32, #tpu.memory_space<vmem>>, vector<16xi32>,
      %get3A_114 = vector.shape_cast %get3A_113 : vector<16xi32> to vector<16xi32>
      %get3A_115 = arith.constant 416 : index
      %get3A_116 = tpu.vector_load %arg6[%get3A_115] {strides = array<i32>} : memref<512xi32, #tpu.memory_space<vmem>>, vector<16xi32>,
      %get3A_117 = vector.shape_cast %get3A_116 : vector<16xi32> to vector<16xi32>
      %get3A_118 = arith.constant 432 : index
      %get3A_119 = tpu.vector_load %arg6[%get3A_118] {strides = array<i32>} : memref<512xi32, #tpu.memory_space<vmem>>, vector<16xi32>,
      %get3A_120 = vector.shape_cast %get3A_119 : vector<16xi32> to vector<16xi32>
      %get3A_121 = arith.constant 448 : index
      %get3A_122 = tpu.vector_load %arg6[%get3A_121] {strides = array<i32>} : memref<512xi32, #tpu.memory_space<vmem>>, vector<16xi32>,
      %get3A_123 = vector.shape_cast %get3A_122 : vector<16xi32> to vector<16xi32>
      %get3A_124 = arith.constant 464 : index
      %get3A_125 = tpu.vector_load %arg6[%get3A_124] {strides = array<i32>} : memref<512xi32, #tpu.memory_space<vmem>>, vector<16xi32>,
      %get3A_126 = vector.shape_cast %get3A_125 : vector<16xi32> to vector<16xi32>
      %get3A_127 = arith.constant 480 : index
      %get3A_128 = tpu.vector_load %arg6[%get3A_127] {strides = array<i32>} : memref<512xi32, #tpu.memory_space<vmem>>, vector<16xi32>,
      %get3A_129 = vector.shape_cast %get3A_128 : vector<16xi32> to vector<16xi32>
      %get3A_130 = arith.constant 496 : index
      %get3A_131 = tpu.vector_load %arg6[%get3A_130] {strides = array<i32>} : memref<512xi32, #tpu.memory_space<vmem>>, vector<16xi32>,
      %get3A_132 = vector.shape_cast %get3A_131 : vector<16xi32> to vector<16xi32>
      %scan3A_133 = arith.constant 0 : i32
      %scan3A_134 = arith.constant 64 : i32
      %scan3A_135 = arith.addi %scan3A_133, %scan3A_134 : i32
      %scan3A_136 = arith.constant 2 : i32
      scf.for %scan3A_277 = %scan3A_133 to %scan3A_135 step %scan3A_136  : i32 {
        %mul3A_278 = arith.constant 16 : i32
        %mul3A_279 = arith.muli %scan3A_277, %mul3A_278 : i32
        %multiple_of3A = tpu.assume_multiple %mul3A_279, 16 : i32
        %get3A_280 = arith.index_cast %multiple_of3A : i32 to index
        %get3A_281 = tpu.vector_load %arg5[%get3A_280] {strides = array<i32>} : memref<1024xf32, #tpu.memory_space<vmem>>, vector<16xf32>,
        %get3A_282 = vector.shape_cast %get3A_281 : vector<16xf32> to vector<16xf32>
        %lt3A_283 = arith.constant 0 : i32
        %lt3A_284 = vector.broadcast %lt3A_283 : i32 to vector<16xi32>
        %lt3A_285 = arith.cmpi slt, %get3A_87, %lt3A_284 : vector<16xi32>
        %add3A_286 = arith.constant 16 : i32
        %add3A_287 = vector.broadcast %add3A_286 : i32 to vector<16xi32>
        %add3A_288 = arith.addi %get3A_87, %add3A_287 : vector<16xi32>
        %select_n3A = arith.select %lt3A_285, %add3A_288, %get3A_87 : vector<16xi1>, vector<16xi32>
        %reshape3A = vector.shape_cast %select_n3A : vector<16xi32> to vector<16x1xi32>
        %gather3A = vector.shape_cast %reshape3A : vector<16x1xi32> to vector<16xi32>
        %gather3A_289 = tpu.dynamic_gather %get3A_282[%gather3A] in [0] : vector<16xf32>, vector<16xi32> -> vector<16xf32>
        %swap3A = arith.index_cast %scan3A_277 : i32 to index
        %swap3A_290 = arith.constant 256 : index
        %swap3A_291 = tpu.vector_load %arg8[%swap3A, %swap3A_290] {strides = array<i32>} : memref<64x512xf32, #tpu.memory_space<vmem>>, vector<1x16xf32>,
        %swap3A_292 = vector.shape_cast %swap3A_291 : vector<1x16xf32> to vector<16xf32>
        %swap3A_293 = vector.shape_cast %gather3A_289 : vector<16xf32> to vector<1x16xf32>
        tpu.vector_store %arg8[%swap3A, %swap3A_290], %swap3A_293 {strides = array<i32>} : memref<64x512xf32, #tpu.memory_space<vmem>>, vector<1x16xf32>,
        %lt3A_294 = arith.constant 0 : i32
        %lt3A_295 = vector.broadcast %lt3A_294 : i32 to vector<16xi32>
        %lt3A_296 = arith.cmpi slt, %get3A_90, %lt3A_295 : vector<16xi32>
        %add3A_297 = arith.constant 16 : i32
        %add3A_298 = vector.broadcast %add3A_297 : i32 to vector<16xi32>
        %add3A_299 = arith.addi %get3A_90, %add3A_298 : vector<16xi32>
        %select_n3A_300 = arith.select %lt3A_296, %add3A_299, %get3A_90 : vector<16xi1>, vector<16xi32>
        %reshape3A_301 = vector.shape_cast %select_n3A_300 : vector<16xi32> to vector<16x1xi32>
        %gather3A_302 = vector.shape_cast %reshape3A_301 : vector<16x1xi32> to vector<16xi32>
        %gather3A_303 = tpu.dynamic_gather %get3A_282[%gather3A_302] in [0] : vector<16xf32>, vector<16xi32> -> vector<16xf32>
        %swap3A_304 = arith.index_cast %scan3A_277 : i32 to index
        %swap3A_305 = arith.constant 272 : index
        %swap3A_306 = tpu.vector_load %arg8[%swap3A_304, %swap3A_305] {strides = array<i32>} : memref<64x512xf32, #tpu.memory_space<vmem>>, vector<1x16xf32>,
        %swap3A_307 = vector.shape_cast %swap3A_306 : vector<1x16xf32> to vector<16xf32>
        %swap3A_308 = vector.shape_cast %gather3A_303 : vector<16xf32> to vector<1x16xf32>
        tpu.vector_store %arg8[%swap3A_304, %swap3A_305], %swap3A_308 {strides = array<i32>} : memref<64x512xf32, #tpu.memory_space<vmem>>, vector<1x16xf32>,
        %lt3A_309 = arith.constant 0 : i32
        %lt3A_310 = vector.broadcast %lt3A_309 : i32 to vector<16xi32>
        %lt3A_311 = arith.cmpi slt, %get3A_93, %lt3A_310 : vector<16xi32>
        %add3A_312 = arith.constant 16 : i32
        %add3A_313 = vector.broadcast %add3A_312 : i32 to vector<16xi32>
        %add3A_314 = arith.addi %get3A_93, %add3A_313 : vector<16xi32>
        %select_n3A_315 = arith.select %lt3A_311, %add3A_314, %get3A_93 : vector<16xi1>, vector<16xi32>
        %reshape3A_316 = vector.shape_cast %select_n3A_315 : vector<16xi32> to vector<16x1xi32>
        %gather3A_317 = vector.shape_cast %reshape3A_316 : vector<16x1xi32> to vector<16xi32>
        %gather3A_318 = tpu.dynamic_gather %get3A_282[%gather3A_317] in [0] : vector<16xf32>, vector<16xi32> -> vector<16xf32>
        %swap3A_319 = arith.index_cast %scan3A_277 : i32 to index
        %swap3A_320 = arith.constant 288 : index
        %swap3A_321 = tpu.vector_load %arg8[%swap3A_319, %swap3A_320] {strides = array<i32>} : memref<64x512xf32, #tpu.memory_space<vmem>>, vector<1x16xf32>,
        %swap3A_322 = vector.shape_cast %swap3A_321 : vector<1x16xf32> to vector<16xf32>
        %swap3A_323 = vector.shape_cast %gather3A_318 : vector<16xf32> to vector<1x16xf32>
        tpu.vector_store %arg8[%swap3A_319, %swap3A_320], %swap3A_323 {strides = array<i32>} : memref<64x512xf32, #tpu.memory_space<vmem>>, vector<1x16xf32>,
        %lt3A_324 = arith.constant 0 : i32
        %lt3A_325 = vector.broadcast %lt3A_324 : i32 to vector<16xi32>
        %lt3A_326 = arith.cmpi slt, %get3A_96, %lt3A_325 : vector<16xi32>
        %add3A_327 = arith.constant 16 : i32
        %add3A_328 = vector.broadcast %add3A_327 : i32 to vector<16xi32>
        %add3A_329 = arith.addi %get3A_96, %add3A_328 : vector<16xi32>
        %select_n3A_330 = arith.select %lt3A_326, %add3A_329, %get3A_96 : vector<16xi1>, vector<16xi32>
        %reshape3A_331 = vector.shape_cast %select_n3A_330 : vector<16xi32> to vector<16x1xi32>
        %gather3A_332 = vector.shape_cast %reshape3A_331 : vector<16x1xi32> to vector<16xi32>
        %gather3A_333 = tpu.dynamic_gather %get3A_282[%gather3A_332] in [0] : vector<16xf32>, vector<16xi32> -> vector<16xf32>
        %swap3A_334 = arith.index_cast %scan3A_277 : i32 to index
        %swap3A_335 = arith.constant 304 : index
        %swap3A_336 = tpu.vector_load %arg8[%swap3A_334, %swap3A_335] {strides = array<i32>} : memref<64x512xf32, #tpu.memory_space<vmem>>, vector<1x16xf32>,
        %swap3A_337 = vector.shape_cast %swap3A_336 : vector<1x16xf32> to vector<16xf32>
        %swap3A_338 = vector.shape_cast %gather3A_333 : vector<16xf32> to vector<1x16xf32>
        tpu.vector_store %arg8[%swap3A_334, %swap3A_335], %swap3A_338 {strides = array<i32>} : memref<64x512xf32, #tpu.memory_space<vmem>>, vector<1x16xf32>,
        %lt3A_339 = arith.constant 0 : i32
        %lt3A_340 = vector.broadcast %lt3A_339 : i32 to vector<16xi32>
        %lt3A_341 = arith.cmpi slt, %get3A_99, %lt3A_340 : vector<16xi32>
        %add3A_342 = arith.constant 16 : i32
        %add3A_343 = vector.broadcast %add3A_342 : i32 to vector<16xi32>
        %add3A_344 = arith.addi %get3A_99, %add3A_343 : vector<16xi32>
        %select_n3A_345 = arith.select %lt3A_341, %add3A_344, %get3A_99 : vector<16xi1>, vector<16xi32>
        %reshape3A_346 = vector.shape_cast %select_n3A_345 : vector<16xi32> to vector<16x1xi32>
        %gather3A_347 = vector.shape_cast %reshape3A_346 : vector<16x1xi32> to vector<16xi32>
        %gather3A_348 = tpu.dynamic_gather %get3A_282[%gather3A_347] in [0] : vector<16xf32>, vector<16xi32> -> vector<16xf32>
        %swap3A_349 = arith.index_cast %scan3A_277 : i32 to index
        %swap3A_350 = arith.constant 320 : index
        %swap3A_351 = tpu.vector_load %arg8[%swap3A_349, %swap3A_350] {strides = array<i32>} : memref<64x512xf32, #tpu.memory_space<vmem>>, vector<1x16xf32>,
        %swap3A_352 = vector.shape_cast %swap3A_351 : vector<1x16xf32> to vector<16xf32>
        %swap3A_353 = vector.shape_cast %gather3A_348 : vector<16xf32> to vector<1x16xf32>
        tpu.vector_store %arg8[%swap3A_349, %swap3A_350], %swap3A_353 {strides = array<i32>} : memref<64x512xf32, #tpu.memory_space<vmem>>, vector<1x16xf32>,
        %lt3A_354 = arith.constant 0 : i32
        %lt3A_355 = vector.broadcast %lt3A_354 : i32 to vector<16xi32>
        %lt3A_356 = arith.cmpi slt, %get3A_102, %lt3A_355 : vector<16xi32>
        %add3A_357 = arith.constant 16 : i32
        %add3A_358 = vector.broadcast %add3A_357 : i32 to vector<16xi32>
        %add3A_359 = arith.addi %get3A_102, %add3A_358 : vector<16xi32>
        %select_n3A_360 = arith.select %lt3A_356, %add3A_359, %get3A_102 : vector<16xi1>, vector<16xi32>
        %reshape3A_361 = vector.shape_cast %select_n3A_360 : vector<16xi32> to vector<16x1xi32>
        %gather3A_362 = vector.shape_cast %reshape3A_361 : vector<16x1xi32> to vector<16xi32>
        %gather3A_363 = tpu.dynamic_gather %get3A_282[%gather3A_362] in [0] : vector<16xf32>, vector<16xi32> -> vector<16xf32>
        %swap3A_364 = arith.index_cast %scan3A_277 : i32 to index
        %swap3A_365 = arith.constant 336 : index
        %swap3A_366 = tpu.vector_load %arg8[%swap3A_364, %swap3A_365] {strides = array<i32>} : memref<64x512xf32, #tpu.memory_space<vmem>>, vector<1x16xf32>,
        %swap3A_367 = vector.shape_cast %swap3A_366 : vector<1x16xf32> to vector<16xf32>
        %swap3A_368 = vector.shape_cast %gather3A_363 : vector<16xf32> to vector<1x16xf32>
        tpu.vector_store %arg8[%swap3A_364, %swap3A_365], %swap3A_368 {strides = array<i32>} : memref<64x512xf32, #tpu.memory_space<vmem>>, vector<1x16xf32>,
        %lt3A_369 = arith.constant 0 : i32
        %lt3A_370 = vector.broadcast %lt3A_369 : i32 to vector<16xi32>
        %lt3A_371 = arith.cmpi slt, %get3A_105, %lt3A_370 : vector<16xi32>
        %add3A_372 = arith.constant 16 : i32
        %add3A_373 = vector.broadcast %add3A_372 : i32 to vector<16xi32>
        %add3A_374 = arith.addi %get3A_105, %add3A_373 : vector<16xi32>
        %select_n3A_375 = arith.select %lt3A_371, %add3A_374, %get3A_105 : vector<16xi1>, vector<16xi32>
        %reshape3A_376 = vector.shape_cast %select_n3A_375 : vector<16xi32> to vector<16x1xi32>
        %gather3A_377 = vector.shape_cast %reshape3A_376 : vector<16x1xi32> to vector<16xi32>
        %gather3A_378 = tpu.dynamic_gather %get3A_282[%gather3A_377] in [0] : vector<16xf32>, vector<16xi32> -> vector<16xf32>
        %swap3A_379 = arith.index_cast %scan3A_277 : i32 to index
        %swap3A_380 = arith.constant 352 : index
        %swap3A_381 = tpu.vector_load %arg8[%swap3A_379, %swap3A_380] {strides = array<i32>} : memref<64x512xf32, #tpu.memory_space<vmem>>, vector<1x16xf32>,
        %swap3A_382 = vector.shape_cast %swap3A_381 : vector<1x16xf32> to vector<16xf32>
        %swap3A_383 = vector.shape_cast %gather3A_378 : vector<16xf32> to vector<1x16xf32>
        tpu.vector_store %arg8[%swap3A_379, %swap3A_380], %swap3A_383 {strides = array<i32>} : memref<64x512xf32, #tpu.memory_space<vmem>>, vector<1x16xf32>,
        %lt3A_384 = arith.constant 0 : i32
        %lt3A_385 = vector.broadcast %lt3A_384 : i32 to vector<16xi32>
        %lt3A_386 = arith.cmpi slt, %get3A_108, %lt3A_385 : vector<16xi32>
        %add3A_387 = arith.constant 16 : i32
        %add3A_388 = vector.broadcast %add3A_387 : i32 to vector<16xi32>
        %add3A_389 = arith.addi %get3A_108, %add3A_388 : vector<16xi32>
        %select_n3A_390 = arith.select %lt3A_386, %add3A_389, %get3A_108 : vector<16xi1>, vector<16xi32>
        %reshape3A_391 = vector.shape_cast %select_n3A_390 : vector<16xi32> to vector<16x1xi32>
        %gather3A_392 = vector.shape_cast %reshape3A_391 : vector<16x1xi32> to vector<16xi32>
        %gather3A_393 = tpu.dynamic_gather %get3A_282[%gather3A_392] in [0] : vector<16xf32>, vector<16xi32> -> vector<16xf32>
        %swap3A_394 = arith.index_cast %scan3A_277 : i32 to index
        %swap3A_395 = arith.constant 368 : index
        %swap3A_396 = tpu.vector_load %arg8[%swap3A_394, %swap3A_395] {strides = array<i32>} : memref<64x512xf32, #tpu.memory_space<vmem>>, vector<1x16xf32>,
        %swap3A_397 = vector.shape_cast %swap3A_396 : vector<1x16xf32> to vector<16xf32>
        %swap3A_398 = vector.shape_cast %gather3A_393 : vector<16xf32> to vector<1x16xf32>
        tpu.vector_store %arg8[%swap3A_394, %swap3A_395], %swap3A_398 {strides = array<i32>} : memref<64x512xf32, #tpu.memory_space<vmem>>, vector<1x16xf32>,
        %lt3A_399 = arith.constant 0 : i32
        %lt3A_400 = vector.broadcast %lt3A_399 : i32 to vector<16xi32>
        %lt3A_401 = arith.cmpi slt, %get3A_111, %lt3A_400 : vector<16xi32>
        %add3A_402 = arith.constant 16 : i32
        %add3A_403 = vector.broadcast %add3A_402 : i32 to vector<16xi32>
        %add3A_404 = arith.addi %get3A_111, %add3A_403 : vector<16xi32>
        %select_n3A_405 = arith.select %lt3A_401, %add3A_404, %get3A_111 : vector<16xi1>, vector<16xi32>
        %reshape3A_406 = vector.shape_cast %select_n3A_405 : vector<16xi32> to vector<16x1xi32>
        %gather3A_407 = vector.shape_cast %reshape3A_406 : vector<16x1xi32> to vector<16xi32>
        %gather3A_408 = tpu.dynamic_gather %get3A_282[%gather3A_407] in [0] : vector<16xf32>, vector<16xi32> -> vector<16xf32>
        %swap3A_409 = arith.index_cast %scan3A_277 : i32 to index
        %swap3A_410 = arith.constant 384 : index
        %swap3A_411 = tpu.vector_load %arg8[%swap3A_409, %swap3A_410] {strides = array<i32>} : memref<64x512xf32, #tpu.memory_space<vmem>>, vector<1x16xf32>,
        %swap3A_412 = vector.shape_cast %swap3A_411 : vector<1x16xf32> to vector<16xf32>
        %swap3A_413 = vector.shape_cast %gather3A_408 : vector<16xf32> to vector<1x16xf32>
        tpu.vector_store %arg8[%swap3A_409, %swap3A_410], %swap3A_413 {strides = array<i32>} : memref<64x512xf32, #tpu.memory_space<vmem>>, vector<1x16xf32>,
        %lt3A_414 = arith.constant 0 : i32
        %lt3A_415 = vector.broadcast %lt3A_414 : i32 to vector<16xi32>
        %lt3A_416 = arith.cmpi slt, %get3A_114, %lt3A_415 : vector<16xi32>
        %add3A_417 = arith.constant 16 : i32
        %add3A_418 = vector.broadcast %add3A_417 : i32 to vector<16xi32>
        %add3A_419 = arith.addi %get3A_114, %add3A_418 : vector<16xi32>
        %select_n3A_420 = arith.select %lt3A_416, %add3A_419, %get3A_114 : vector<16xi1>, vector<16xi32>
        %reshape3A_421 = vector.shape_cast %select_n3A_420 : vector<16xi32> to vector<16x1xi32>
        %gather3A_422 = vector.shape_cast %reshape3A_421 : vector<16x1xi32> to vector<16xi32>
        %gather3A_423 = tpu.dynamic_gather %get3A_282[%gather3A_422] in [0] : vector<16xf32>, vector<16xi32> -> vector<16xf32>
        %swap3A_424 = arith.index_cast %scan3A_277 : i32 to index
        %swap3A_425 = arith.constant 400 : index
        %swap3A_426 = tpu.vector_load %arg8[%swap3A_424, %swap3A_425] {strides = array<i32>} : memref<64x512xf32, #tpu.memory_space<vmem>>, vector<1x16xf32>,
        %swap3A_427 = vector.shape_cast %swap3A_426 : vector<1x16xf32> to vector<16xf32>
        %swap3A_428 = vector.shape_cast %gather3A_423 : vector<16xf32> to vector<1x16xf32>
        tpu.vector_store %arg8[%swap3A_424, %swap3A_425], %swap3A_428 {strides = array<i32>} : memref<64x512xf32, #tpu.memory_space<vmem>>, vector<1x16xf32>,
        %lt3A_429 = arith.constant 0 : i32
        %lt3A_430 = vector.broadcast %lt3A_429 : i32 to vector<16xi32>
        %lt3A_431 = arith.cmpi slt, %get3A_117, %lt3A_430 : vector<16xi32>
        %add3A_432 = arith.constant 16 : i32
        %add3A_433 = vector.broadcast %add3A_432 : i32 to vector<16xi32>
        %add3A_434 = arith.addi %get3A_117, %add3A_433 : vector<16xi32>
        %select_n3A_435 = arith.select %lt3A_431, %add3A_434, %get3A_117 : vector<16xi1>, vector<16xi32>
        %reshape3A_436 = vector.shape_cast %select_n3A_435 : vector<16xi32> to vector<16x1xi32>
        %gather3A_437 = vector.shape_cast %reshape3A_436 : vector<16x1xi32> to vector<16xi32>
        %gather3A_438 = tpu.dynamic_gather %get3A_282[%gather3A_437] in [0] : vector<16xf32>, vector<16xi32> -> vector<16xf32>
        %swap3A_439 = arith.index_cast %scan3A_277 : i32 to index
        %swap3A_440 = arith.constant 416 : index
        %swap3A_441 = tpu.vector_load %arg8[%swap3A_439, %swap3A_440] {strides = array<i32>} : memref<64x512xf32, #tpu.memory_space<vmem>>, vector<1x16xf32>,
        %swap3A_442 = vector.shape_cast %swap3A_441 : vector<1x16xf32> to vector<16xf32>
        %swap3A_443 = vector.shape_cast %gather3A_438 : vector<16xf32> to vector<1x16xf32>
        tpu.vector_store %arg8[%swap3A_439, %swap3A_440], %swap3A_443 {strides = array<i32>} : memref<64x512xf32, #tpu.memory_space<vmem>>, vector<1x16xf32>,
        %lt3A_444 = arith.constant 0 : i32
        %lt3A_445 = vector.broadcast %lt3A_444 : i32 to vector<16xi32>
        %lt3A_446 = arith.cmpi slt, %get3A_120, %lt3A_445 : vector<16xi32>
        %add3A_447 = arith.constant 16 : i32
        %add3A_448 = vector.broadcast %add3A_447 : i32 to vector<16xi32>
        %add3A_449 = arith.addi %get3A_120, %add3A_448 : vector<16xi32>
        %select_n3A_450 = arith.select %lt3A_446, %add3A_449, %get3A_120 : vector<16xi1>, vector<16xi32>
        %reshape3A_451 = vector.shape_cast %select_n3A_450 : vector<16xi32> to vector<16x1xi32>
        %gather3A_452 = vector.shape_cast %reshape3A_451 : vector<16x1xi32> to vector<16xi32>
        %gather3A_453 = tpu.dynamic_gather %get3A_282[%gather3A_452] in [0] : vector<16xf32>, vector<16xi32> -> vector<16xf32>
        %swap3A_454 = arith.index_cast %scan3A_277 : i32 to index
        %swap3A_455 = arith.constant 432 : index
        %swap3A_456 = tpu.vector_load %arg8[%swap3A_454, %swap3A_455] {strides = array<i32>} : memref<64x512xf32, #tpu.memory_space<vmem>>, vector<1x16xf32>,
        %swap3A_457 = vector.shape_cast %swap3A_456 : vector<1x16xf32> to vector<16xf32>
        %swap3A_458 = vector.shape_cast %gather3A_453 : vector<16xf32> to vector<1x16xf32>
        tpu.vector_store %arg8[%swap3A_454, %swap3A_455], %swap3A_458 {strides = array<i32>} : memref<64x512xf32, #tpu.memory_space<vmem>>, vector<1x16xf32>,
        %lt3A_459 = arith.constant 0 : i32
        %lt3A_460 = vector.broadcast %lt3A_459 : i32 to vector<16xi32>
        %lt3A_461 = arith.cmpi slt, %get3A_123, %lt3A_460 : vector<16xi32>
        %add3A_462 = arith.constant 16 : i32
        %add3A_463 = vector.broadcast %add3A_462 : i32 to vector<16xi32>
        %add3A_464 = arith.addi %get3A_123, %add3A_463 : vector<16xi32>
        %select_n3A_465 = arith.select %lt3A_461, %add3A_464, %get3A_123 : vector<16xi1>, vector<16xi32>
        %reshape3A_466 = vector.shape_cast %select_n3A_465 : vector<16xi32> to vector<16x1xi32>
        %gather3A_467 = vector.shape_cast %reshape3A_466 : vector<16x1xi32> to vector<16xi32>
        %gather3A_468 = tpu.dynamic_gather %get3A_282[%gather3A_467] in [0] : vector<16xf32>, vector<16xi32> -> vector<16xf32>
        %swap3A_469 = arith.index_cast %scan3A_277 : i32 to index
        %swap3A_470 = arith.constant 448 : index
        %swap3A_471 = tpu.vector_load %arg8[%swap3A_469, %swap3A_470] {strides = array<i32>} : memref<64x512xf32, #tpu.memory_space<vmem>>, vector<1x16xf32>,
        %swap3A_472 = vector.shape_cast %swap3A_471 : vector<1x16xf32> to vector<16xf32>
        %swap3A_473 = vector.shape_cast %gather3A_468 : vector<16xf32> to vector<1x16xf32>
        tpu.vector_store %arg8[%swap3A_469, %swap3A_470], %swap3A_473 {strides = array<i32>} : memref<64x512xf32, #tpu.memory_space<vmem>>, vector<1x16xf32>,
        %lt3A_474 = arith.constant 0 : i32
        %lt3A_475 = vector.broadcast %lt3A_474 : i32 to vector<16xi32>
        %lt3A_476 = arith.cmpi slt, %get3A_126, %lt3A_475 : vector<16xi32>
        %add3A_477 = arith.constant 16 : i32
        %add3A_478 = vector.broadcast %add3A_477 : i32 to vector<16xi32>
        %add3A_479 = arith.addi %get3A_126, %add3A_478 : vector<16xi32>
        %select_n3A_480 = arith.select %lt3A_476, %add3A_479, %get3A_126 : vector<16xi1>, vector<16xi32>
        %reshape3A_481 = vector.shape_cast %select_n3A_480 : vector<16xi32> to vector<16x1xi32>
        %gather3A_482 = vector.shape_cast %reshape3A_481 : vector<16x1xi32> to vector<16xi32>
        %gather3A_483 = tpu.dynamic_gather %get3A_282[%gather3A_482] in [0] : vector<16xf32>, vector<16xi32> -> vector<16xf32>
        %swap3A_484 = arith.index_cast %scan3A_277 : i32 to index
        %swap3A_485 = arith.constant 464 : index
        %swap3A_486 = tpu.vector_load %arg8[%swap3A_484, %swap3A_485] {strides = array<i32>} : memref<64x512xf32, #tpu.memory_space<vmem>>, vector<1x16xf32>,
        %swap3A_487 = vector.shape_cast %swap3A_486 : vector<1x16xf32> to vector<16xf32>
        %swap3A_488 = vector.shape_cast %gather3A_483 : vector<16xf32> to vector<1x16xf32>
        tpu.vector_store %arg8[%swap3A_484, %swap3A_485], %swap3A_488 {strides = array<i32>} : memref<64x512xf32, #tpu.memory_space<vmem>>, vector<1x16xf32>,
        %lt3A_489 = arith.constant 0 : i32
        %lt3A_490 = vector.broadcast %lt3A_489 : i32 to vector<16xi32>
        %lt3A_491 = arith.cmpi slt, %get3A_129, %lt3A_490 : vector<16xi32>
        %add3A_492 = arith.constant 16 : i32
        %add3A_493 = vector.broadcast %add3A_492 : i32 to vector<16xi32>
        %add3A_494 = arith.addi %get3A_129, %add3A_493 : vector<16xi32>
        %select_n3A_495 = arith.select %lt3A_491, %add3A_494, %get3A_129 : vector<16xi1>, vector<16xi32>
        %reshape3A_496 = vector.shape_cast %select_n3A_495 : vector<16xi32> to vector<16x1xi32>
        %gather3A_497 = vector.shape_cast %reshape3A_496 : vector<16x1xi32> to vector<16xi32>
        %gather3A_498 = tpu.dynamic_gather %get3A_282[%gather3A_497] in [0] : vector<16xf32>, vector<16xi32> -> vector<16xf32>
        %swap3A_499 = arith.index_cast %scan3A_277 : i32 to index
        %swap3A_500 = arith.constant 480 : index
        %swap3A_501 = tpu.vector_load %arg8[%swap3A_499, %swap3A_500] {strides = array<i32>} : memref<64x512xf32, #tpu.memory_space<vmem>>, vector<1x16xf32>,
        %swap3A_502 = vector.shape_cast %swap3A_501 : vector<1x16xf32> to vector<16xf32>
        %swap3A_503 = vector.shape_cast %gather3A_498 : vector<16xf32> to vector<1x16xf32>
        tpu.vector_store %arg8[%swap3A_499, %swap3A_500], %swap3A_503 {strides = array<i32>} : memref<64x512xf32, #tpu.memory_space<vmem>>, vector<1x16xf32>,
        %lt3A_504 = arith.constant 0 : i32
        %lt3A_505 = vector.broadcast %lt3A_504 : i32 to vector<16xi32>
        %lt3A_506 = arith.cmpi slt, %get3A_132, %lt3A_505 : vector<16xi32>
        %add3A_507 = arith.constant 16 : i32
        %add3A_508 = vector.broadcast %add3A_507 : i32 to vector<16xi32>
        %add3A_509 = arith.addi %get3A_132, %add3A_508 : vector<16xi32>
        %select_n3A_510 = arith.select %lt3A_506, %add3A_509, %get3A_132 : vector<16xi1>, vector<16xi32>
        %reshape3A_511 = vector.shape_cast %select_n3A_510 : vector<16xi32> to vector<16x1xi32>
        %gather3A_512 = vector.shape_cast %reshape3A_511 : vector<16x1xi32> to vector<16xi32>
        %gather3A_513 = tpu.dynamic_gather %get3A_282[%gather3A_512] in [0] : vector<16xf32>, vector<16xi32> -> vector<16xf32>
        %swap3A_514 = arith.index_cast %scan3A_277 : i32 to index
        %swap3A_515 = arith.constant 496 : index
        %swap3A_516 = tpu.vector_load %arg8[%swap3A_514, %swap3A_515] {strides = array<i32>} : memref<64x512xf32, #tpu.memory_space<vmem>>, vector<1x16xf32>,
        %swap3A_517 = vector.shape_cast %swap3A_516 : vector<1x16xf32> to vector<16xf32>
        %swap3A_518 = vector.shape_cast %gather3A_513 : vector<16xf32> to vector<1x16xf32>
        tpu.vector_store %arg8[%swap3A_514, %swap3A_515], %swap3A_518 {strides = array<i32>} : memref<64x512xf32, #tpu.memory_space<vmem>>, vector<1x16xf32>,
        %scan3A_519 = arith.constant 1 : i32
        %scan3A_520 = arith.addi %scan3A_277, %scan3A_519 : i32
        %mul3A_521 = arith.constant 16 : i32
        %mul3A_522 = arith.muli %scan3A_520, %mul3A_521 : i32
        %multiple_of3A_523 = tpu.assume_multiple %mul3A_522, 16 : i32
        %get3A_524 = arith.index_cast %multiple_of3A_523 : i32 to index
        %get3A_525 = tpu.vector_load %arg5[%get3A_524] {strides = array<i32>} : memref<1024xf32, #tpu.memory_space<vmem>>, vector<16xf32>,
        %get3A_526 = vector.shape_cast %get3A_525 : vector<16xf32> to vector<16xf32>
        %lt3A_527 = arith.constant 0 : i32
        %lt3A_528 = vector.broadcast %lt3A_527 : i32 to vector<16xi32>
        %lt3A_529 = arith.cmpi slt, %get3A_87, %lt3A_528 : vector<16xi32>
        %add3A_530 = arith.constant 16 : i32
        %add3A_531 = vector.broadcast %add3A_530 : i32 to vector<16xi32>
        %add3A_532 = arith.addi %get3A_87, %add3A_531 : vector<16xi32>
        %select_n3A_533 = arith.select %lt3A_529, %add3A_532, %get3A_87 : vector<16xi1>, vector<16xi32>
        %reshape3A_534 = vector.shape_cast %select_n3A_533 : vector<16xi32> to vector<16x1xi32>
        %gather3A_535 = vector.shape_cast %reshape3A_534 : vector<16x1xi32> to vector<16xi32>
        %gather3A_536 = tpu.dynamic_gather %get3A_526[%gather3A_535] in [0] : vector<16xf32>, vector<16xi32> -> vector<16xf32>
        %swap3A_537 = arith.index_cast %scan3A_520 : i32 to index
        %swap3A_538 = arith.constant 256 : index
        %swap3A_539 = tpu.vector_load %arg8[%swap3A_537, %swap3A_538] {strides = array<i32>} : memref<64x512xf32, #tpu.memory_space<vmem>>, vector<1x16xf32>,
        %swap3A_540 = vector.shape_cast %swap3A_539 : vector<1x16xf32> to vector<16xf32>
        %swap3A_541 = vector.shape_cast %gather3A_536 : vector<16xf32> to vector<1x16xf32>
        tpu.vector_store %arg8[%swap3A_537, %swap3A_538], %swap3A_541 {strides = array<i32>} : memref<64x512xf32, #tpu.memory_space<vmem>>, vector<1x16xf32>,
        %lt3A_542 = arith.constant 0 : i32
        %lt3A_543 = vector.broadcast %lt3A_542 : i32 to vector<16xi32>
        %lt3A_544 = arith.cmpi slt, %get3A_90, %lt3A_543 : vector<16xi32>
        %add3A_545 = arith.constant 16 : i32
        %add3A_546 = vector.broadcast %add3A_545 : i32 to vector<16xi32>
        %add3A_547 = arith.addi %get3A_90, %add3A_546 : vector<16xi32>
        %select_n3A_548 = arith.select %lt3A_544, %add3A_547, %get3A_90 : vector<16xi1>, vector<16xi32>
        %reshape3A_549 = vector.shape_cast %select_n3A_548 : vector<16xi32> to vector<16x1xi32>
        %gather3A_550 = vector.shape_cast %reshape3A_549 : vector<16x1xi32> to vector<16xi32>
        %gather3A_551 = tpu.dynamic_gather %get3A_526[%gather3A_550] in [0] : vector<16xf32>, vector<16xi32> -> vector<16xf32>
        %swap3A_552 = arith.index_cast %scan3A_520 : i32 to index
        %swap3A_553 = arith.constant 272 : index
        %swap3A_554 = tpu.vector_load %arg8[%swap3A_552, %swap3A_553] {strides = array<i32>} : memref<64x512xf32, #tpu.memory_space<vmem>>, vector<1x16xf32>,
        %swap3A_555 = vector.shape_cast %swap3A_554 : vector<1x16xf32> to vector<16xf32>
        %swap3A_556 = vector.shape_cast %gather3A_551 : vector<16xf32> to vector<1x16xf32>
        tpu.vector_store %arg8[%swap3A_552, %swap3A_553], %swap3A_556 {strides = array<i32>} : memref<64x512xf32, #tpu.memory_space<vmem>>, vector<1x16xf32>,
        %lt3A_557 = arith.constant 0 : i32
        %lt3A_558 = vector.broadcast %lt3A_557 : i32 to vector<16xi32>
        %lt3A_559 = arith.cmpi slt, %get3A_93, %lt3A_558 : vector<16xi32>
        %add3A_560 = arith.constant 16 : i32
        %add3A_561 = vector.broadcast %add3A_560 : i32 to vector<16xi32>
        %add3A_562 = arith.addi %get3A_93, %add3A_561 : vector<16xi32>
        %select_n3A_563 = arith.select %lt3A_559, %add3A_562, %get3A_93 : vector<16xi1>, vector<16xi32>
        %reshape3A_564 = vector.shape_cast %select_n3A_563 : vector<16xi32> to vector<16x1xi32>
        %gather3A_565 = vector.shape_cast %reshape3A_564 : vector<16x1xi32> to vector<16xi32>
        %gather3A_566 = tpu.dynamic_gather %get3A_526[%gather3A_565] in [0] : vector<16xf32>, vector<16xi32> -> vector<16xf32>
        %swap3A_567 = arith.index_cast %scan3A_520 : i32 to index
        %swap3A_568 = arith.constant 288 : index
        %swap3A_569 = tpu.vector_load %arg8[%swap3A_567, %swap3A_568] {strides = array<i32>} : memref<64x512xf32, #tpu.memory_space<vmem>>, vector<1x16xf32>,
        %swap3A_570 = vector.shape_cast %swap3A_569 : vector<1x16xf32> to vector<16xf32>
        %swap3A_571 = vector.shape_cast %gather3A_566 : vector<16xf32> to vector<1x16xf32>
        tpu.vector_store %arg8[%swap3A_567, %swap3A_568], %swap3A_571 {strides = array<i32>} : memref<64x512xf32, #tpu.memory_space<vmem>>, vector<1x16xf32>,
        %lt3A_572 = arith.constant 0 : i32
        %lt3A_573 = vector.broadcast %lt3A_572 : i32 to vector<16xi32>
        %lt3A_574 = arith.cmpi slt, %get3A_96, %lt3A_573 : vector<16xi32>
        %add3A_575 = arith.constant 16 : i32
        %add3A_576 = vector.broadcast %add3A_575 : i32 to vector<16xi32>
        %add3A_577 = arith.addi %get3A_96, %add3A_576 : vector<16xi32>
        %select_n3A_578 = arith.select %lt3A_574, %add3A_577, %get3A_96 : vector<16xi1>, vector<16xi32>
        %reshape3A_579 = vector.shape_cast %select_n3A_578 : vector<16xi32> to vector<16x1xi32>
        %gather3A_580 = vector.shape_cast %reshape3A_579 : vector<16x1xi32> to vector<16xi32>
        %gather3A_581 = tpu.dynamic_gather %get3A_526[%gather3A_580] in [0] : vector<16xf32>, vector<16xi32> -> vector<16xf32>
        %swap3A_582 = arith.index_cast %scan3A_520 : i32 to index
        %swap3A_583 = arith.constant 304 : index
        %swap3A_584 = tpu.vector_load %arg8[%swap3A_582, %swap3A_583] {strides = array<i32>} : memref<64x512xf32, #tpu.memory_space<vmem>>, vector<1x16xf32>,
        %swap3A_585 = vector.shape_cast %swap3A_584 : vector<1x16xf32> to vector<16xf32>
        %swap3A_586 = vector.shape_cast %gather3A_581 : vector<16xf32> to vector<1x16xf32>
        tpu.vector_store %arg8[%swap3A_582, %swap3A_583], %swap3A_586 {strides = array<i32>} : memref<64x512xf32, #tpu.memory_space<vmem>>, vector<1x16xf32>,
        %lt3A_587 = arith.constant 0 : i32
        %lt3A_588 = vector.broadcast %lt3A_587 : i32 to vector<16xi32>
        %lt3A_589 = arith.cmpi slt, %get3A_99, %lt3A_588 : vector<16xi32>
        %add3A_590 = arith.constant 16 : i32
        %add3A_591 = vector.broadcast %add3A_590 : i32 to vector<16xi32>
        %add3A_592 = arith.addi %get3A_99, %add3A_591 : vector<16xi32>
        %select_n3A_593 = arith.select %lt3A_589, %add3A_592, %get3A_99 : vector<16xi1>, vector<16xi32>
        %reshape3A_594 = vector.shape_cast %select_n3A_593 : vector<16xi32> to vector<16x1xi32>
        %gather3A_595 = vector.shape_cast %reshape3A_594 : vector<16x1xi32> to vector<16xi32>
        %gather3A_596 = tpu.dynamic_gather %get3A_526[%gather3A_595] in [0] : vector<16xf32>, vector<16xi32> -> vector<16xf32>
        %swap3A_597 = arith.index_cast %scan3A_520 : i32 to index
        %swap3A_598 = arith.constant 320 : index
        %swap3A_599 = tpu.vector_load %arg8[%swap3A_597, %swap3A_598] {strides = array<i32>} : memref<64x512xf32, #tpu.memory_space<vmem>>, vector<1x16xf32>,
        %swap3A_600 = vector.shape_cast %swap3A_599 : vector<1x16xf32> to vector<16xf32>
        %swap3A_601 = vector.shape_cast %gather3A_596 : vector<16xf32> to vector<1x16xf32>
        tpu.vector_store %arg8[%swap3A_597, %swap3A_598], %swap3A_601 {strides = array<i32>} : memref<64x512xf32, #tpu.memory_space<vmem>>, vector<1x16xf32>,
        %lt3A_602 = arith.constant 0 : i32
        %lt3A_603 = vector.broadcast %lt3A_602 : i32 to vector<16xi32>
        %lt3A_604 = arith.cmpi slt, %get3A_102, %lt3A_603 : vector<16xi32>
        %add3A_605 = arith.constant 16 : i32
        %add3A_606 = vector.broadcast %add3A_605 : i32 to vector<16xi32>
        %add3A_607 = arith.addi %get3A_102, %add3A_606 : vector<16xi32>
        %select_n3A_608 = arith.select %lt3A_604, %add3A_607, %get3A_102 : vector<16xi1>, vector<16xi32>
        %reshape3A_609 = vector.shape_cast %select_n3A_608 : vector<16xi32> to vector<16x1xi32>
        %gather3A_610 = vector.shape_cast %reshape3A_609 : vector<16x1xi32> to vector<16xi32>
        %gather3A_611 = tpu.dynamic_gather %get3A_526[%gather3A_610] in [0] : vector<16xf32>, vector<16xi32> -> vector<16xf32>
        %swap3A_612 = arith.index_cast %scan3A_520 : i32 to index
        %swap3A_613 = arith.constant 336 : index
        %swap3A_614 = tpu.vector_load %arg8[%swap3A_612, %swap3A_613] {strides = array<i32>} : memref<64x512xf32, #tpu.memory_space<vmem>>, vector<1x16xf32>,
        %swap3A_615 = vector.shape_cast %swap3A_614 : vector<1x16xf32> to vector<16xf32>
        %swap3A_616 = vector.shape_cast %gather3A_611 : vector<16xf32> to vector<1x16xf32>
        tpu.vector_store %arg8[%swap3A_612, %swap3A_613], %swap3A_616 {strides = array<i32>} : memref<64x512xf32, #tpu.memory_space<vmem>>, vector<1x16xf32>,
        %lt3A_617 = arith.constant 0 : i32
        %lt3A_618 = vector.broadcast %lt3A_617 : i32 to vector<16xi32>
        %lt3A_619 = arith.cmpi slt, %get3A_105, %lt3A_618 : vector<16xi32>
        %add3A_620 = arith.constant 16 : i32
        %add3A_621 = vector.broadcast %add3A_620 : i32 to vector<16xi32>
        %add3A_622 = arith.addi %get3A_105, %add3A_621 : vector<16xi32>
        %select_n3A_623 = arith.select %lt3A_619, %add3A_622, %get3A_105 : vector<16xi1>, vector<16xi32>
        %reshape3A_624 = vector.shape_cast %select_n3A_623 : vector<16xi32> to vector<16x1xi32>
        %gather3A_625 = vector.shape_cast %reshape3A_624 : vector<16x1xi32> to vector<16xi32>
        %gather3A_626 = tpu.dynamic_gather %get3A_526[%gather3A_625] in [0] : vector<16xf32>, vector<16xi32> -> vector<16xf32>
        %swap3A_627 = arith.index_cast %scan3A_520 : i32 to index
        %swap3A_628 = arith.constant 352 : index
        %swap3A_629 = tpu.vector_load %arg8[%swap3A_627, %swap3A_628] {strides = array<i32>} : memref<64x512xf32, #tpu.memory_space<vmem>>, vector<1x16xf32>,
        %swap3A_630 = vector.shape_cast %swap3A_629 : vector<1x16xf32> to vector<16xf32>
        %swap3A_631 = vector.shape_cast %gather3A_626 : vector<16xf32> to vector<1x16xf32>
        tpu.vector_store %arg8[%swap3A_627, %swap3A_628], %swap3A_631 {strides = array<i32>} : memref<64x512xf32, #tpu.memory_space<vmem>>, vector<1x16xf32>,
        %lt3A_632 = arith.constant 0 : i32
        %lt3A_633 = vector.broadcast %lt3A_632 : i32 to vector<16xi32>
        %lt3A_634 = arith.cmpi slt, %get3A_108, %lt3A_633 : vector<16xi32>
        %add3A_635 = arith.constant 16 : i32
        %add3A_636 = vector.broadcast %add3A_635 : i32 to vector<16xi32>
        %add3A_637 = arith.addi %get3A_108, %add3A_636 : vector<16xi32>
        %select_n3A_638 = arith.select %lt3A_634, %add3A_637, %get3A_108 : vector<16xi1>, vector<16xi32>
        %reshape3A_639 = vector.shape_cast %select_n3A_638 : vector<16xi32> to vector<16x1xi32>
        %gather3A_640 = vector.shape_cast %reshape3A_639 : vector<16x1xi32> to vector<16xi32>
        %gather3A_641 = tpu.dynamic_gather %get3A_526[%gather3A_640] in [0] : vector<16xf32>, vector<16xi32> -> vector<16xf32>
        %swap3A_642 = arith.index_cast %scan3A_520 : i32 to index
        %swap3A_643 = arith.constant 368 : index
        %swap3A_644 = tpu.vector_load %arg8[%swap3A_642, %swap3A_643] {strides = array<i32>} : memref<64x512xf32, #tpu.memory_space<vmem>>, vector<1x16xf32>,
        %swap3A_645 = vector.shape_cast %swap3A_644 : vector<1x16xf32> to vector<16xf32>
        %swap3A_646 = vector.shape_cast %gather3A_641 : vector<16xf32> to vector<1x16xf32>
        tpu.vector_store %arg8[%swap3A_642, %swap3A_643], %swap3A_646 {strides = array<i32>} : memref<64x512xf32, #tpu.memory_space<vmem>>, vector<1x16xf32>,
        %lt3A_647 = arith.constant 0 : i32
        %lt3A_648 = vector.broadcast %lt3A_647 : i32 to vector<16xi32>
        %lt3A_649 = arith.cmpi slt, %get3A_111, %lt3A_648 : vector<16xi32>
        %add3A_650 = arith.constant 16 : i32
        %add3A_651 = vector.broadcast %add3A_650 : i32 to vector<16xi32>
        %add3A_652 = arith.addi %get3A_111, %add3A_651 : vector<16xi32>
        %select_n3A_653 = arith.select %lt3A_649, %add3A_652, %get3A_111 : vector<16xi1>, vector<16xi32>
        %reshape3A_654 = vector.shape_cast %select_n3A_653 : vector<16xi32> to vector<16x1xi32>
        %gather3A_655 = vector.shape_cast %reshape3A_654 : vector<16x1xi32> to vector<16xi32>
        %gather3A_656 = tpu.dynamic_gather %get3A_526[%gather3A_655] in [0] : vector<16xf32>, vector<16xi32> -> vector<16xf32>
        %swap3A_657 = arith.index_cast %scan3A_520 : i32 to index
        %swap3A_658 = arith.constant 384 : index
        %swap3A_659 = tpu.vector_load %arg8[%swap3A_657, %swap3A_658] {strides = array<i32>} : memref<64x512xf32, #tpu.memory_space<vmem>>, vector<1x16xf32>,
        %swap3A_660 = vector.shape_cast %swap3A_659 : vector<1x16xf32> to vector<16xf32>
        %swap3A_661 = vector.shape_cast %gather3A_656 : vector<16xf32> to vector<1x16xf32>
        tpu.vector_store %arg8[%swap3A_657, %swap3A_658], %swap3A_661 {strides = array<i32>} : memref<64x512xf32, #tpu.memory_space<vmem>>, vector<1x16xf32>,
        %lt3A_662 = arith.constant 0 : i32
        %lt3A_663 = vector.broadcast %lt3A_662 : i32 to vector<16xi32>
        %lt3A_664 = arith.cmpi slt, %get3A_114, %lt3A_663 : vector<16xi32>
        %add3A_665 = arith.constant 16 : i32
        %add3A_666 = vector.broadcast %add3A_665 : i32 to vector<16xi32>
        %add3A_667 = arith.addi %get3A_114, %add3A_666 : vector<16xi32>
        %select_n3A_668 = arith.select %lt3A_664, %add3A_667, %get3A_114 : vector<16xi1>, vector<16xi32>
        %reshape3A_669 = vector.shape_cast %select_n3A_668 : vector<16xi32> to vector<16x1xi32>
        %gather3A_670 = vector.shape_cast %reshape3A_669 : vector<16x1xi32> to vector<16xi32>
        %gather3A_671 = tpu.dynamic_gather %get3A_526[%gather3A_670] in [0] : vector<16xf32>, vector<16xi32> -> vector<16xf32>
        %swap3A_672 = arith.index_cast %scan3A_520 : i32 to index
        %swap3A_673 = arith.constant 400 : index
        %swap3A_674 = tpu.vector_load %arg8[%swap3A_672, %swap3A_673] {strides = array<i32>} : memref<64x512xf32, #tpu.memory_space<vmem>>, vector<1x16xf32>,
        %swap3A_675 = vector.shape_cast %swap3A_674 : vector<1x16xf32> to vector<16xf32>
        %swap3A_676 = vector.shape_cast %gather3A_671 : vector<16xf32> to vector<1x16xf32>
        tpu.vector_store %arg8[%swap3A_672, %swap3A_673], %swap3A_676 {strides = array<i32>} : memref<64x512xf32, #tpu.memory_space<vmem>>, vector<1x16xf32>,
        %lt3A_677 = arith.constant 0 : i32
        %lt3A_678 = vector.broadcast %lt3A_677 : i32 to vector<16xi32>
        %lt3A_679 = arith.cmpi slt, %get3A_117, %lt3A_678 : vector<16xi32>
        %add3A_680 = arith.constant 16 : i32
        %add3A_681 = vector.broadcast %add3A_680 : i32 to vector<16xi32>
        %add3A_682 = arith.addi %get3A_117, %add3A_681 : vector<16xi32>
        %select_n3A_683 = arith.select %lt3A_679, %add3A_682, %get3A_117 : vector<16xi1>, vector<16xi32>
        %reshape3A_684 = vector.shape_cast %select_n3A_683 : vector<16xi32> to vector<16x1xi32>
        %gather3A_685 = vector.shape_cast %reshape3A_684 : vector<16x1xi32> to vector<16xi32>
        %gather3A_686 = tpu.dynamic_gather %get3A_526[%gather3A_685] in [0] : vector<16xf32>, vector<16xi32> -> vector<16xf32>
        %swap3A_687 = arith.index_cast %scan3A_520 : i32 to index
        %swap3A_688 = arith.constant 416 : index
        %swap3A_689 = tpu.vector_load %arg8[%swap3A_687, %swap3A_688] {strides = array<i32>} : memref<64x512xf32, #tpu.memory_space<vmem>>, vector<1x16xf32>,
        %swap3A_690 = vector.shape_cast %swap3A_689 : vector<1x16xf32> to vector<16xf32>
        %swap3A_691 = vector.shape_cast %gather3A_686 : vector<16xf32> to vector<1x16xf32>
        tpu.vector_store %arg8[%swap3A_687, %swap3A_688], %swap3A_691 {strides = array<i32>} : memref<64x512xf32, #tpu.memory_space<vmem>>, vector<1x16xf32>,
        %lt3A_692 = arith.constant 0 : i32
        %lt3A_693 = vector.broadcast %lt3A_692 : i32 to vector<16xi32>
        %lt3A_694 = arith.cmpi slt, %get3A_120, %lt3A_693 : vector<16xi32>
        %add3A_695 = arith.constant 16 : i32
        %add3A_696 = vector.broadcast %add3A_695 : i32 to vector<16xi32>
        %add3A_697 = arith.addi %get3A_120, %add3A_696 : vector<16xi32>
        %select_n3A_698 = arith.select %lt3A_694, %add3A_697, %get3A_120 : vector<16xi1>, vector<16xi32>
        %reshape3A_699 = vector.shape_cast %select_n3A_698 : vector<16xi32> to vector<16x1xi32>
        %gather3A_700 = vector.shape_cast %reshape3A_699 : vector<16x1xi32> to vector<16xi32>
        %gather3A_701 = tpu.dynamic_gather %get3A_526[%gather3A_700] in [0] : vector<16xf32>, vector<16xi32> -> vector<16xf32>
        %swap3A_702 = arith.index_cast %scan3A_520 : i32 to index
        %swap3A_703 = arith.constant 432 : index
        %swap3A_704 = tpu.vector_load %arg8[%swap3A_702, %swap3A_703] {strides = array<i32>} : memref<64x512xf32, #tpu.memory_space<vmem>>, vector<1x16xf32>,
        %swap3A_705 = vector.shape_cast %swap3A_704 : vector<1x16xf32> to vector<16xf32>
        %swap3A_706 = vector.shape_cast %gather3A_701 : vector<16xf32> to vector<1x16xf32>
        tpu.vector_store %arg8[%swap3A_702, %swap3A_703], %swap3A_706 {strides = array<i32>} : memref<64x512xf32, #tpu.memory_space<vmem>>, vector<1x16xf32>,
        %lt3A_707 = arith.constant 0 : i32
        %lt3A_708 = vector.broadcast %lt3A_707 : i32 to vector<16xi32>
        %lt3A_709 = arith.cmpi slt, %get3A_123, %lt3A_708 : vector<16xi32>
        %add3A_710 = arith.constant 16 : i32
        %add3A_711 = vector.broadcast %add3A_710 : i32 to vector<16xi32>
        %add3A_712 = arith.addi %get3A_123, %add3A_711 : vector<16xi32>
        %select_n3A_713 = arith.select %lt3A_709, %add3A_712, %get3A_123 : vector<16xi1>, vector<16xi32>
        %reshape3A_714 = vector.shape_cast %select_n3A_713 : vector<16xi32> to vector<16x1xi32>
        %gather3A_715 = vector.shape_cast %reshape3A_714 : vector<16x1xi32> to vector<16xi32>
        %gather3A_716 = tpu.dynamic_gather %get3A_526[%gather3A_715] in [0] : vector<16xf32>, vector<16xi32> -> vector<16xf32>
        %swap3A_717 = arith.index_cast %scan3A_520 : i32 to index
        %swap3A_718 = arith.constant 448 : index
        %swap3A_719 = tpu.vector_load %arg8[%swap3A_717, %swap3A_718] {strides = array<i32>} : memref<64x512xf32, #tpu.memory_space<vmem>>, vector<1x16xf32>,
        %swap3A_720 = vector.shape_cast %swap3A_719 : vector<1x16xf32> to vector<16xf32>
        %swap3A_721 = vector.shape_cast %gather3A_716 : vector<16xf32> to vector<1x16xf32>
        tpu.vector_store %arg8[%swap3A_717, %swap3A_718], %swap3A_721 {strides = array<i32>} : memref<64x512xf32, #tpu.memory_space<vmem>>, vector<1x16xf32>,
        %lt3A_722 = arith.constant 0 : i32
        %lt3A_723 = vector.broadcast %lt3A_722 : i32 to vector<16xi32>
        %lt3A_724 = arith.cmpi slt, %get3A_126, %lt3A_723 : vector<16xi32>
        %add3A_725 = arith.constant 16 : i32
        %add3A_726 = vector.broadcast %add3A_725 : i32 to vector<16xi32>
        %add3A_727 = arith.addi %get3A_126, %add3A_726 : vector<16xi32>
        %select_n3A_728 = arith.select %lt3A_724, %add3A_727, %get3A_126 : vector<16xi1>, vector<16xi32>
        %reshape3A_729 = vector.shape_cast %select_n3A_728 : vector<16xi32> to vector<16x1xi32>
        %gather3A_730 = vector.shape_cast %reshape3A_729 : vector<16x1xi32> to vector<16xi32>
        %gather3A_731 = tpu.dynamic_gather %get3A_526[%gather3A_730] in [0] : vector<16xf32>, vector<16xi32> -> vector<16xf32>
        %swap3A_732 = arith.index_cast %scan3A_520 : i32 to index
        %swap3A_733 = arith.constant 464 : index
        %swap3A_734 = tpu.vector_load %arg8[%swap3A_732, %swap3A_733] {strides = array<i32>} : memref<64x512xf32, #tpu.memory_space<vmem>>, vector<1x16xf32>,
        %swap3A_735 = vector.shape_cast %swap3A_734 : vector<1x16xf32> to vector<16xf32>
        %swap3A_736 = vector.shape_cast %gather3A_731 : vector<16xf32> to vector<1x16xf32>
        tpu.vector_store %arg8[%swap3A_732, %swap3A_733], %swap3A_736 {strides = array<i32>} : memref<64x512xf32, #tpu.memory_space<vmem>>, vector<1x16xf32>,
        %lt3A_737 = arith.constant 0 : i32
        %lt3A_738 = vector.broadcast %lt3A_737 : i32 to vector<16xi32>
        %lt3A_739 = arith.cmpi slt, %get3A_129, %lt3A_738 : vector<16xi32>
        %add3A_740 = arith.constant 16 : i32
        %add3A_741 = vector.broadcast %add3A_740 : i32 to vector<16xi32>
        %add3A_742 = arith.addi %get3A_129, %add3A_741 : vector<16xi32>
        %select_n3A_743 = arith.select %lt3A_739, %add3A_742, %get3A_129 : vector<16xi1>, vector<16xi32>
        %reshape3A_744 = vector.shape_cast %select_n3A_743 : vector<16xi32> to vector<16x1xi32>
        %gather3A_745 = vector.shape_cast %reshape3A_744 : vector<16x1xi32> to vector<16xi32>
        %gather3A_746 = tpu.dynamic_gather %get3A_526[%gather3A_745] in [0] : vector<16xf32>, vector<16xi32> -> vector<16xf32>
        %swap3A_747 = arith.index_cast %scan3A_520 : i32 to index
        %swap3A_748 = arith.constant 480 : index
        %swap3A_749 = tpu.vector_load %arg8[%swap3A_747, %swap3A_748] {strides = array<i32>} : memref<64x512xf32, #tpu.memory_space<vmem>>, vector<1x16xf32>,
        %swap3A_750 = vector.shape_cast %swap3A_749 : vector<1x16xf32> to vector<16xf32>
        %swap3A_751 = vector.shape_cast %gather3A_746 : vector<16xf32> to vector<1x16xf32>
        tpu.vector_store %arg8[%swap3A_747, %swap3A_748], %swap3A_751 {strides = array<i32>} : memref<64x512xf32, #tpu.memory_space<vmem>>, vector<1x16xf32>,
        %lt3A_752 = arith.constant 0 : i32
        %lt3A_753 = vector.broadcast %lt3A_752 : i32 to vector<16xi32>
        %lt3A_754 = arith.cmpi slt, %get3A_132, %lt3A_753 : vector<16xi32>
        %add3A_755 = arith.constant 16 : i32
        %add3A_756 = vector.broadcast %add3A_755 : i32 to vector<16xi32>
        %add3A_757 = arith.addi %get3A_132, %add3A_756 : vector<16xi32>
        %select_n3A_758 = arith.select %lt3A_754, %add3A_757, %get3A_132 : vector<16xi1>, vector<16xi32>
        %reshape3A_759 = vector.shape_cast %select_n3A_758 : vector<16xi32> to vector<16x1xi32>
        %gather3A_760 = vector.shape_cast %reshape3A_759 : vector<16x1xi32> to vector<16xi32>
        %gather3A_761 = tpu.dynamic_gather %get3A_526[%gather3A_760] in [0] : vector<16xf32>, vector<16xi32> -> vector<16xf32>
        %swap3A_762 = arith.index_cast %scan3A_520 : i32 to index
        %swap3A_763 = arith.constant 496 : index
        %swap3A_764 = tpu.vector_load %arg8[%swap3A_762, %swap3A_763] {strides = array<i32>} : memref<64x512xf32, #tpu.memory_space<vmem>>, vector<1x16xf32>,
        %swap3A_765 = vector.shape_cast %swap3A_764 : vector<1x16xf32> to vector<16xf32>
        %swap3A_766 = vector.shape_cast %gather3A_761 : vector<16xf32> to vector<1x16xf32>
        tpu.vector_store %arg8[%swap3A_762, %swap3A_763], %swap3A_766 {strides = array<i32>} : memref<64x512xf32, #tpu.memory_space<vmem>>, vector<1x16xf32>,
      }
      %scan3A_137 = arith.constant 64 : i32
      %mul3A_138 = arith.constant 64 : i32
      %mul3A_139 = arith.muli %add3A_25, %mul3A_138 : i32
      %dma_start3A_140 = tpu.memref_slice %arg4[%mul3A_139, %mul3A_2] : memref<12800x16384xf32, #tpu.memory_space<hbm>> -> memref<64x512xf32, #tpu.memory_space<hbm>>
      %dma_start3A_141 = tpu.memref_slice %arg4[%mul3A_139, %mul3A_2] : memref<12800x16384xf32, #tpu.memory_space<hbm>> -> memref<64x512xf32, #tpu.memory_space<hbm>>
      tpu.enqueue_dma source(%arg8 : memref<64x512xf32, #tpu.memory_space<vmem>>) target(%dma_start3A_141 : memref<64x512xf32, #tpu.memory_space<hbm>>) target_semaphore(%arg13 : memref<!tpu.dma_semaphore, #tpu.memory_space<semaphore_mem>>)
      %add3A_142 = arith.constant 2 : i32
      %add3A_143 = arith.addi %add3A_25, %add3A_142 : i32
      %lt3A = arith.constant 200 : i32
      %lt3A_144 = arith.cmpi slt, %add3A_143, %lt3A : i32
      %convert_element_type3A_145 = arith.extui %lt3A_144 : i1 to i32
      %cond3A_146 = arith.constant 0 : i32
      %cond3A_147 = arith.cmpi ne, %convert_element_type3A_145, %cond3A_146 : i32
      scf.if %cond3A_147 {
        %add3A_277 = arith.constant 2 : i32
        %add3A_278 = arith.addi %add3A_25, %add3A_277 : i32
        %mul3A_279 = arith.constant 16384 : i32
        %mul3A_280 = arith.muli %add3A_278, %mul3A_279 : i32
        %add3A_281 = arith.addi %mul3A_280, %mul3A_2 : i32
        %dma_start3A_282 = tpu.memref_slice %arg2[%add3A_281] : memref<3276800xi32, #tpu.memory_space<hbm>> -> memref<512xi32, #tpu.memory_space<hbm>>
        %dma_start3A_283 = tpu.memref_slice %arg2[%add3A_281] : memref<3276800xi32, #tpu.memory_space<hbm>> -> memref<512xi32, #tpu.memory_space<hbm>>
        tpu.enqueue_dma source(%dma_start3A_283 : memref<512xi32, #tpu.memory_space<hbm>>) target(%arg6 : memref<512xi32, #tpu.memory_space<vmem>>) target_semaphore(%arg11 : memref<!tpu.dma_semaphore, #tpu.memory_space<semaphore_mem>>)
      } else {
      }
      %add3A_148 = arith.constant 1 : i32
      %add3A_149 = arith.addi %mul3A_23, %add3A_148 : i32
      %mul3A_150 = arith.constant 16384 : i32
      %mul3A_151 = arith.muli %add3A_149, %mul3A_150 : i32
      %add3A_152 = arith.addi %mul3A_151, %mul3A_2 : i32
      %dma_wait3A_153 = tpu.memref_slice %arg2[%add3A_152] : memref<3276800xi32, #tpu.memory_space<hbm>> -> memref<512xi32, #tpu.memory_space<hbm>>
      %dma_wait3A_154 = tpu.memref_slice %arg2[%add3A_152] : memref<3276800xi32, #tpu.memory_space<hbm>> -> memref<512xi32, #tpu.memory_space<hbm>>
      tpu.wait_dma2 semaphore(%arg12 : memref<!tpu.dma_semaphore, #tpu.memory_space<semaphore_mem>>) src(%dma_wait3A_154 : memref<512xi32, #tpu.memory_space<hbm>>) dst(%arg7 : memref<512xi32, #tpu.memory_space<vmem>>)
      %ge3A_155 = arith.constant 2 : i32
      %ge3A_156 = arith.cmpi sge, %add3A_149, %ge3A_155 : i32
      %convert_element_type3A_157 = arith.extui %ge3A_156 : i1 to i32
      %cond3A_158 = arith.constant 0 : i32
      %cond3A_159 = arith.cmpi ne, %convert_element_type3A_157, %cond3A_158 : i32
      scf.if %cond3A_159 {
        %sub3A = arith.constant 2 : i32
        %sub3A_277 = arith.subi %add3A_149, %sub3A : i32
        %mul3A_278 = arith.constant 64 : i32
        %mul3A_279 = arith.muli %sub3A_277, %mul3A_278 : i32
        %dma_wait3A_280 = tpu.memref_slice %arg4[%mul3A_279, %mul3A_2] : memref<12800x16384xf32, #tpu.memory_space<hbm>> -> memref<64x512xf32, #tpu.memory_space<hbm>>
        %dma_wait3A_281 = tpu.memref_slice %arg4[%mul3A_279, %mul3A_2] : memref<12800x16384xf32, #tpu.memory_space<hbm>> -> memref<64x512xf32, #tpu.memory_space<hbm>>
        tpu.wait_dma2 semaphore(%arg14 : memref<!tpu.dma_semaphore, #tpu.memory_space<semaphore_mem>>) src(%arg9 : memref<64x512xf32, #tpu.memory_space<vmem>>) dst(%dma_wait3A_281 : memref<64x512xf32, #tpu.memory_space<hbm>>)
      } else {
      }
      %get3A_160 = arith.constant 0 : index
      %get3A_161 = tpu.vector_load %arg7[%get3A_160] {strides = array<i32>} : memref<512xi32, #tpu.memory_space<vmem>>, vector<16xi32>,
      %get3A_162 = vector.shape_cast %get3A_161 : vector<16xi32> to vector<16xi32>
      %get3A_163 = arith.constant 16 : index
      %get3A_164 = tpu.vector_load %arg7[%get3A_163] {strides = array<i32>} : memref<512xi32, #tpu.memory_space<vmem>>, vector<16xi32>,
      %get3A_165 = vector.shape_cast %get3A_164 : vector<16xi32> to vector<16xi32>
      %get3A_166 = arith.constant 32 : index
      %get3A_167 = tpu.vector_load %arg7[%get3A_166] {strides = array<i32>} : memref<512xi32, #tpu.memory_space<vmem>>, vector<16xi32>,
      %get3A_168 = vector.shape_cast %get3A_167 : vector<16xi32> to vector<16xi32>
      %get3A_169 = arith.constant 48 : index
      %get3A_170 = tpu.vector_load %arg7[%get3A_169] {strides = array<i32>} : memref<512xi32, #tpu.memory_space<vmem>>, vector<16xi32>,
      %get3A_171 = vector.shape_cast %get3A_170 : vector<16xi32> to vector<16xi32>
      %get3A_172 = arith.constant 64 : index
      %get3A_173 = tpu.vector_load %arg7[%get3A_172] {strides = array<i32>} : memref<512xi32, #tpu.memory_space<vmem>>, vector<16xi32>,
      %get3A_174 = vector.shape_cast %get3A_173 : vector<16xi32> to vector<16xi32>
      %get3A_175 = arith.constant 80 : index
      %get3A_176 = tpu.vector_load %arg7[%get3A_175] {strides = array<i32>} : memref<512xi32, #tpu.memory_space<vmem>>, vector<16xi32>,
      %get3A_177 = vector.shape_cast %get3A_176 : vector<16xi32> to vector<16xi32>
      %get3A_178 = arith.constant 96 : index
      %get3A_179 = tpu.vector_load %arg7[%get3A_178] {strides = array<i32>} : memref<512xi32, #tpu.memory_space<vmem>>, vector<16xi32>,
      %get3A_180 = vector.shape_cast %get3A_179 : vector<16xi32> to vector<16xi32>
      %get3A_181 = arith.constant 112 : index
      %get3A_182 = tpu.vector_load %arg7[%get3A_181] {strides = array<i32>} : memref<512xi32, #tpu.memory_space<vmem>>, vector<16xi32>,
      %get3A_183 = vector.shape_cast %get3A_182 : vector<16xi32> to vector<16xi32>
      %get3A_184 = arith.constant 128 : index
      %get3A_185 = tpu.vector_load %arg7[%get3A_184] {strides = array<i32>} : memref<512xi32, #tpu.memory_space<vmem>>, vector<16xi32>,
      %get3A_186 = vector.shape_cast %get3A_185 : vector<16xi32> to vector<16xi32>
      %get3A_187 = arith.constant 144 : index
      %get3A_188 = tpu.vector_load %arg7[%get3A_187] {strides = array<i32>} : memref<512xi32, #tpu.memory_space<vmem>>, vector<16xi32>,
      %get3A_189 = vector.shape_cast %get3A_188 : vector<16xi32> to vector<16xi32>
      %get3A_190 = arith.constant 160 : index
      %get3A_191 = tpu.vector_load %arg7[%get3A_190] {strides = array<i32>} : memref<512xi32, #tpu.memory_space<vmem>>, vector<16xi32>,
      %get3A_192 = vector.shape_cast %get3A_191 : vector<16xi32> to vector<16xi32>
      %get3A_193 = arith.constant 176 : index
      %get3A_194 = tpu.vector_load %arg7[%get3A_193] {strides = array<i32>} : memref<512xi32, #tpu.memory_space<vmem>>, vector<16xi32>,
      %get3A_195 = vector.shape_cast %get3A_194 : vector<16xi32> to vector<16xi32>
      %get3A_196 = arith.constant 192 : index
      %get3A_197 = tpu.vector_load %arg7[%get3A_196] {strides = array<i32>} : memref<512xi32, #tpu.memory_space<vmem>>, vector<16xi32>,
      %get3A_198 = vector.shape_cast %get3A_197 : vector<16xi32> to vector<16xi32>
      %get3A_199 = arith.constant 208 : index
      %get3A_200 = tpu.vector_load %arg7[%get3A_199] {strides = array<i32>} : memref<512xi32, #tpu.memory_space<vmem>>, vector<16xi32>,
      %get3A_201 = vector.shape_cast %get3A_200 : vector<16xi32> to vector<16xi32>
      %get3A_202 = arith.constant 224 : index
      %get3A_203 = tpu.vector_load %arg7[%get3A_202] {strides = array<i32>} : memref<512xi32, #tpu.memory_space<vmem>>, vector<16xi32>,
      %get3A_204 = vector.shape_cast %get3A_203 : vector<16xi32> to vector<16xi32>
      %get3A_205 = arith.constant 240 : index
      %get3A_206 = tpu.vector_load %arg7[%get3A_205] {strides = array<i32>} : memref<512xi32, #tpu.memory_space<vmem>>, vector<16xi32>,
      %get3A_207 = vector.shape_cast %get3A_206 : vector<16xi32> to vector<16xi32>
      %scan3A_208 = arith.constant 0 : i32
      %scan3A_209 = arith.constant 64 : i32
      %scan3A_210 = arith.addi %scan3A_208, %scan3A_209 : i32
      %scan3A_211 = arith.constant 2 : i32
      scf.for %scan3A_277 = %scan3A_208 to %scan3A_210 step %scan3A_211  : i32 {
        %mul3A_278 = arith.constant 16 : i32
        %mul3A_279 = arith.muli %scan3A_277, %mul3A_278 : i32
        %multiple_of3A = tpu.assume_multiple %mul3A_279, 16 : i32
        %get3A_280 = arith.index_cast %multiple_of3A : i32 to index
        %get3A_281 = tpu.vector_load %arg5[%get3A_280] {strides = array<i32>} : memref<1024xf32, #tpu.memory_space<vmem>>, vector<16xf32>,
        %get3A_282 = vector.shape_cast %get3A_281 : vector<16xf32> to vector<16xf32>
        %lt3A_283 = arith.constant 0 : i32
        %lt3A_284 = vector.broadcast %lt3A_283 : i32 to vector<16xi32>
        %lt3A_285 = arith.cmpi slt, %get3A_162, %lt3A_284 : vector<16xi32>
        %add3A_286 = arith.constant 16 : i32
        %add3A_287 = vector.broadcast %add3A_286 : i32 to vector<16xi32>
        %add3A_288 = arith.addi %get3A_162, %add3A_287 : vector<16xi32>
        %select_n3A = arith.select %lt3A_285, %add3A_288, %get3A_162 : vector<16xi1>, vector<16xi32>
        %reshape3A = vector.shape_cast %select_n3A : vector<16xi32> to vector<16x1xi32>
        %gather3A = vector.shape_cast %reshape3A : vector<16x1xi32> to vector<16xi32>
        %gather3A_289 = tpu.dynamic_gather %get3A_282[%gather3A] in [0] : vector<16xf32>, vector<16xi32> -> vector<16xf32>
        %swap3A = arith.index_cast %scan3A_277 : i32 to index
        %swap3A_290 = arith.constant 0 : index
        %swap3A_291 = tpu.vector_load %arg9[%swap3A, %swap3A_290] {strides = array<i32>} : memref<64x512xf32, #tpu.memory_space<vmem>>, vector<1x16xf32>,
        %swap3A_292 = vector.shape_cast %swap3A_291 : vector<1x16xf32> to vector<16xf32>
        %swap3A_293 = vector.shape_cast %gather3A_289 : vector<16xf32> to vector<1x16xf32>
        tpu.vector_store %arg9[%swap3A, %swap3A_290], %swap3A_293 {strides = array<i32>} : memref<64x512xf32, #tpu.memory_space<vmem>>, vector<1x16xf32>,
        %lt3A_294 = arith.constant 0 : i32
        %lt3A_295 = vector.broadcast %lt3A_294 : i32 to vector<16xi32>
        %lt3A_296 = arith.cmpi slt, %get3A_165, %lt3A_295 : vector<16xi32>
        %add3A_297 = arith.constant 16 : i32
        %add3A_298 = vector.broadcast %add3A_297 : i32 to vector<16xi32>
        %add3A_299 = arith.addi %get3A_165, %add3A_298 : vector<16xi32>
        %select_n3A_300 = arith.select %lt3A_296, %add3A_299, %get3A_165 : vector<16xi1>, vector<16xi32>
        %reshape3A_301 = vector.shape_cast %select_n3A_300 : vector<16xi32> to vector<16x1xi32>
        %gather3A_302 = vector.shape_cast %reshape3A_301 : vector<16x1xi32> to vector<16xi32>
        %gather3A_303 = tpu.dynamic_gather %get3A_282[%gather3A_302] in [0] : vector<16xf32>, vector<16xi32> -> vector<16xf32>
        %swap3A_304 = arith.index_cast %scan3A_277 : i32 to index
        %swap3A_305 = arith.constant 16 : index
        %swap3A_306 = tpu.vector_load %arg9[%swap3A_304, %swap3A_305] {strides = array<i32>} : memref<64x512xf32, #tpu.memory_space<vmem>>, vector<1x16xf32>,
        %swap3A_307 = vector.shape_cast %swap3A_306 : vector<1x16xf32> to vector<16xf32>
        %swap3A_308 = vector.shape_cast %gather3A_303 : vector<16xf32> to vector<1x16xf32>
        tpu.vector_store %arg9[%swap3A_304, %swap3A_305], %swap3A_308 {strides = array<i32>} : memref<64x512xf32, #tpu.memory_space<vmem>>, vector<1x16xf32>,
        %lt3A_309 = arith.constant 0 : i32
        %lt3A_310 = vector.broadcast %lt3A_309 : i32 to vector<16xi32>
        %lt3A_311 = arith.cmpi slt, %get3A_168, %lt3A_310 : vector<16xi32>
        %add3A_312 = arith.constant 16 : i32
        %add3A_313 = vector.broadcast %add3A_312 : i32 to vector<16xi32>
        %add3A_314 = arith.addi %get3A_168, %add3A_313 : vector<16xi32>
        %select_n3A_315 = arith.select %lt3A_311, %add3A_314, %get3A_168 : vector<16xi1>, vector<16xi32>
        %reshape3A_316 = vector.shape_cast %select_n3A_315 : vector<16xi32> to vector<16x1xi32>
        %gather3A_317 = vector.shape_cast %reshape3A_316 : vector<16x1xi32> to vector<16xi32>
        %gather3A_318 = tpu.dynamic_gather %get3A_282[%gather3A_317] in [0] : vector<16xf32>, vector<16xi32> -> vector<16xf32>
        %swap3A_319 = arith.index_cast %scan3A_277 : i32 to index
        %swap3A_320 = arith.constant 32 : index
        %swap3A_321 = tpu.vector_load %arg9[%swap3A_319, %swap3A_320] {strides = array<i32>} : memref<64x512xf32, #tpu.memory_space<vmem>>, vector<1x16xf32>,
        %swap3A_322 = vector.shape_cast %swap3A_321 : vector<1x16xf32> to vector<16xf32>
        %swap3A_323 = vector.shape_cast %gather3A_318 : vector<16xf32> to vector<1x16xf32>
        tpu.vector_store %arg9[%swap3A_319, %swap3A_320], %swap3A_323 {strides = array<i32>} : memref<64x512xf32, #tpu.memory_space<vmem>>, vector<1x16xf32>,
        %lt3A_324 = arith.constant 0 : i32
        %lt3A_325 = vector.broadcast %lt3A_324 : i32 to vector<16xi32>
        %lt3A_326 = arith.cmpi slt, %get3A_171, %lt3A_325 : vector<16xi32>
        %add3A_327 = arith.constant 16 : i32
        %add3A_328 = vector.broadcast %add3A_327 : i32 to vector<16xi32>
        %add3A_329 = arith.addi %get3A_171, %add3A_328 : vector<16xi32>
        %select_n3A_330 = arith.select %lt3A_326, %add3A_329, %get3A_171 : vector<16xi1>, vector<16xi32>
        %reshape3A_331 = vector.shape_cast %select_n3A_330 : vector<16xi32> to vector<16x1xi32>
        %gather3A_332 = vector.shape_cast %reshape3A_331 : vector<16x1xi32> to vector<16xi32>
        %gather3A_333 = tpu.dynamic_gather %get3A_282[%gather3A_332] in [0] : vector<16xf32>, vector<16xi32> -> vector<16xf32>
        %swap3A_334 = arith.index_cast %scan3A_277 : i32 to index
        %swap3A_335 = arith.constant 48 : index
        %swap3A_336 = tpu.vector_load %arg9[%swap3A_334, %swap3A_335] {strides = array<i32>} : memref<64x512xf32, #tpu.memory_space<vmem>>, vector<1x16xf32>,
        %swap3A_337 = vector.shape_cast %swap3A_336 : vector<1x16xf32> to vector<16xf32>
        %swap3A_338 = vector.shape_cast %gather3A_333 : vector<16xf32> to vector<1x16xf32>
        tpu.vector_store %arg9[%swap3A_334, %swap3A_335], %swap3A_338 {strides = array<i32>} : memref<64x512xf32, #tpu.memory_space<vmem>>, vector<1x16xf32>,
        %lt3A_339 = arith.constant 0 : i32
        %lt3A_340 = vector.broadcast %lt3A_339 : i32 to vector<16xi32>
        %lt3A_341 = arith.cmpi slt, %get3A_174, %lt3A_340 : vector<16xi32>
        %add3A_342 = arith.constant 16 : i32
        %add3A_343 = vector.broadcast %add3A_342 : i32 to vector<16xi32>
        %add3A_344 = arith.addi %get3A_174, %add3A_343 : vector<16xi32>
        %select_n3A_345 = arith.select %lt3A_341, %add3A_344, %get3A_174 : vector<16xi1>, vector<16xi32>
        %reshape3A_346 = vector.shape_cast %select_n3A_345 : vector<16xi32> to vector<16x1xi32>
        %gather3A_347 = vector.shape_cast %reshape3A_346 : vector<16x1xi32> to vector<16xi32>
        %gather3A_348 = tpu.dynamic_gather %get3A_282[%gather3A_347] in [0] : vector<16xf32>, vector<16xi32> -> vector<16xf32>
        %swap3A_349 = arith.index_cast %scan3A_277 : i32 to index
        %swap3A_350 = arith.constant 64 : index
        %swap3A_351 = tpu.vector_load %arg9[%swap3A_349, %swap3A_350] {strides = array<i32>} : memref<64x512xf32, #tpu.memory_space<vmem>>, vector<1x16xf32>,
        %swap3A_352 = vector.shape_cast %swap3A_351 : vector<1x16xf32> to vector<16xf32>
        %swap3A_353 = vector.shape_cast %gather3A_348 : vector<16xf32> to vector<1x16xf32>
        tpu.vector_store %arg9[%swap3A_349, %swap3A_350], %swap3A_353 {strides = array<i32>} : memref<64x512xf32, #tpu.memory_space<vmem>>, vector<1x16xf32>,
        %lt3A_354 = arith.constant 0 : i32
        %lt3A_355 = vector.broadcast %lt3A_354 : i32 to vector<16xi32>
        %lt3A_356 = arith.cmpi slt, %get3A_177, %lt3A_355 : vector<16xi32>
        %add3A_357 = arith.constant 16 : i32
        %add3A_358 = vector.broadcast %add3A_357 : i32 to vector<16xi32>
        %add3A_359 = arith.addi %get3A_177, %add3A_358 : vector<16xi32>
        %select_n3A_360 = arith.select %lt3A_356, %add3A_359, %get3A_177 : vector<16xi1>, vector<16xi32>
        %reshape3A_361 = vector.shape_cast %select_n3A_360 : vector<16xi32> to vector<16x1xi32>
        %gather3A_362 = vector.shape_cast %reshape3A_361 : vector<16x1xi32> to vector<16xi32>
        %gather3A_363 = tpu.dynamic_gather %get3A_282[%gather3A_362] in [0] : vector<16xf32>, vector<16xi32> -> vector<16xf32>
        %swap3A_364 = arith.index_cast %scan3A_277 : i32 to index
        %swap3A_365 = arith.constant 80 : index
        %swap3A_366 = tpu.vector_load %arg9[%swap3A_364, %swap3A_365] {strides = array<i32>} : memref<64x512xf32, #tpu.memory_space<vmem>>, vector<1x16xf32>,
        %swap3A_367 = vector.shape_cast %swap3A_366 : vector<1x16xf32> to vector<16xf32>
        %swap3A_368 = vector.shape_cast %gather3A_363 : vector<16xf32> to vector<1x16xf32>
        tpu.vector_store %arg9[%swap3A_364, %swap3A_365], %swap3A_368 {strides = array<i32>} : memref<64x512xf32, #tpu.memory_space<vmem>>, vector<1x16xf32>,
        %lt3A_369 = arith.constant 0 : i32
        %lt3A_370 = vector.broadcast %lt3A_369 : i32 to vector<16xi32>
        %lt3A_371 = arith.cmpi slt, %get3A_180, %lt3A_370 : vector<16xi32>
        %add3A_372 = arith.constant 16 : i32
        %add3A_373 = vector.broadcast %add3A_372 : i32 to vector<16xi32>
        %add3A_374 = arith.addi %get3A_180, %add3A_373 : vector<16xi32>
        %select_n3A_375 = arith.select %lt3A_371, %add3A_374, %get3A_180 : vector<16xi1>, vector<16xi32>
        %reshape3A_376 = vector.shape_cast %select_n3A_375 : vector<16xi32> to vector<16x1xi32>
        %gather3A_377 = vector.shape_cast %reshape3A_376 : vector<16x1xi32> to vector<16xi32>
        %gather3A_378 = tpu.dynamic_gather %get3A_282[%gather3A_377] in [0] : vector<16xf32>, vector<16xi32> -> vector<16xf32>
        %swap3A_379 = arith.index_cast %scan3A_277 : i32 to index
        %swap3A_380 = arith.constant 96 : index
        %swap3A_381 = tpu.vector_load %arg9[%swap3A_379, %swap3A_380] {strides = array<i32>} : memref<64x512xf32, #tpu.memory_space<vmem>>, vector<1x16xf32>,
        %swap3A_382 = vector.shape_cast %swap3A_381 : vector<1x16xf32> to vector<16xf32>
        %swap3A_383 = vector.shape_cast %gather3A_378 : vector<16xf32> to vector<1x16xf32>
        tpu.vector_store %arg9[%swap3A_379, %swap3A_380], %swap3A_383 {strides = array<i32>} : memref<64x512xf32, #tpu.memory_space<vmem>>, vector<1x16xf32>,
        %lt3A_384 = arith.constant 0 : i32
        %lt3A_385 = vector.broadcast %lt3A_384 : i32 to vector<16xi32>
        %lt3A_386 = arith.cmpi slt, %get3A_183, %lt3A_385 : vector<16xi32>
        %add3A_387 = arith.constant 16 : i32
        %add3A_388 = vector.broadcast %add3A_387 : i32 to vector<16xi32>
        %add3A_389 = arith.addi %get3A_183, %add3A_388 : vector<16xi32>
        %select_n3A_390 = arith.select %lt3A_386, %add3A_389, %get3A_183 : vector<16xi1>, vector<16xi32>
        %reshape3A_391 = vector.shape_cast %select_n3A_390 : vector<16xi32> to vector<16x1xi32>
        %gather3A_392 = vector.shape_cast %reshape3A_391 : vector<16x1xi32> to vector<16xi32>
        %gather3A_393 = tpu.dynamic_gather %get3A_282[%gather3A_392] in [0] : vector<16xf32>, vector<16xi32> -> vector<16xf32>
        %swap3A_394 = arith.index_cast %scan3A_277 : i32 to index
        %swap3A_395 = arith.constant 112 : index
        %swap3A_396 = tpu.vector_load %arg9[%swap3A_394, %swap3A_395] {strides = array<i32>} : memref<64x512xf32, #tpu.memory_space<vmem>>, vector<1x16xf32>,
        %swap3A_397 = vector.shape_cast %swap3A_396 : vector<1x16xf32> to vector<16xf32>
        %swap3A_398 = vector.shape_cast %gather3A_393 : vector<16xf32> to vector<1x16xf32>
        tpu.vector_store %arg9[%swap3A_394, %swap3A_395], %swap3A_398 {strides = array<i32>} : memref<64x512xf32, #tpu.memory_space<vmem>>, vector<1x16xf32>,
        %lt3A_399 = arith.constant 0 : i32
        %lt3A_400 = vector.broadcast %lt3A_399 : i32 to vector<16xi32>
        %lt3A_401 = arith.cmpi slt, %get3A_186, %lt3A_400 : vector<16xi32>
        %add3A_402 = arith.constant 16 : i32
        %add3A_403 = vector.broadcast %add3A_402 : i32 to vector<16xi32>
        %add3A_404 = arith.addi %get3A_186, %add3A_403 : vector<16xi32>
        %select_n3A_405 = arith.select %lt3A_401, %add3A_404, %get3A_186 : vector<16xi1>, vector<16xi32>
        %reshape3A_406 = vector.shape_cast %select_n3A_405 : vector<16xi32> to vector<16x1xi32>
        %gather3A_407 = vector.shape_cast %reshape3A_406 : vector<16x1xi32> to vector<16xi32>
        %gather3A_408 = tpu.dynamic_gather %get3A_282[%gather3A_407] in [0] : vector<16xf32>, vector<16xi32> -> vector<16xf32>
        %swap3A_409 = arith.index_cast %scan3A_277 : i32 to index
        %swap3A_410 = arith.constant 128 : index
        %swap3A_411 = tpu.vector_load %arg9[%swap3A_409, %swap3A_410] {strides = array<i32>} : memref<64x512xf32, #tpu.memory_space<vmem>>, vector<1x16xf32>,
        %swap3A_412 = vector.shape_cast %swap3A_411 : vector<1x16xf32> to vector<16xf32>
        %swap3A_413 = vector.shape_cast %gather3A_408 : vector<16xf32> to vector<1x16xf32>
        tpu.vector_store %arg9[%swap3A_409, %swap3A_410], %swap3A_413 {strides = array<i32>} : memref<64x512xf32, #tpu.memory_space<vmem>>, vector<1x16xf32>,
        %lt3A_414 = arith.constant 0 : i32
        %lt3A_415 = vector.broadcast %lt3A_414 : i32 to vector<16xi32>
        %lt3A_416 = arith.cmpi slt, %get3A_189, %lt3A_415 : vector<16xi32>
        %add3A_417 = arith.constant 16 : i32
        %add3A_418 = vector.broadcast %add3A_417 : i32 to vector<16xi32>
        %add3A_419 = arith.addi %get3A_189, %add3A_418 : vector<16xi32>
        %select_n3A_420 = arith.select %lt3A_416, %add3A_419, %get3A_189 : vector<16xi1>, vector<16xi32>
        %reshape3A_421 = vector.shape_cast %select_n3A_420 : vector<16xi32> to vector<16x1xi32>
        %gather3A_422 = vector.shape_cast %reshape3A_421 : vector<16x1xi32> to vector<16xi32>
        %gather3A_423 = tpu.dynamic_gather %get3A_282[%gather3A_422] in [0] : vector<16xf32>, vector<16xi32> -> vector<16xf32>
        %swap3A_424 = arith.index_cast %scan3A_277 : i32 to index
        %swap3A_425 = arith.constant 144 : index
        %swap3A_426 = tpu.vector_load %arg9[%swap3A_424, %swap3A_425] {strides = array<i32>} : memref<64x512xf32, #tpu.memory_space<vmem>>, vector<1x16xf32>,
        %swap3A_427 = vector.shape_cast %swap3A_426 : vector<1x16xf32> to vector<16xf32>
        %swap3A_428 = vector.shape_cast %gather3A_423 : vector<16xf32> to vector<1x16xf32>
        tpu.vector_store %arg9[%swap3A_424, %swap3A_425], %swap3A_428 {strides = array<i32>} : memref<64x512xf32, #tpu.memory_space<vmem>>, vector<1x16xf32>,
        %lt3A_429 = arith.constant 0 : i32
        %lt3A_430 = vector.broadcast %lt3A_429 : i32 to vector<16xi32>
        %lt3A_431 = arith.cmpi slt, %get3A_192, %lt3A_430 : vector<16xi32>
        %add3A_432 = arith.constant 16 : i32
        %add3A_433 = vector.broadcast %add3A_432 : i32 to vector<16xi32>
        %add3A_434 = arith.addi %get3A_192, %add3A_433 : vector<16xi32>
        %select_n3A_435 = arith.select %lt3A_431, %add3A_434, %get3A_192 : vector<16xi1>, vector<16xi32>
        %reshape3A_436 = vector.shape_cast %select_n3A_435 : vector<16xi32> to vector<16x1xi32>
        %gather3A_437 = vector.shape_cast %reshape3A_436 : vector<16x1xi32> to vector<16xi32>
        %gather3A_438 = tpu.dynamic_gather %get3A_282[%gather3A_437] in [0] : vector<16xf32>, vector<16xi32> -> vector<16xf32>
        %swap3A_439 = arith.index_cast %scan3A_277 : i32 to index
        %swap3A_440 = arith.constant 160 : index
        %swap3A_441 = tpu.vector_load %arg9[%swap3A_439, %swap3A_440] {strides = array<i32>} : memref<64x512xf32, #tpu.memory_space<vmem>>, vector<1x16xf32>,
        %swap3A_442 = vector.shape_cast %swap3A_441 : vector<1x16xf32> to vector<16xf32>
        %swap3A_443 = vector.shape_cast %gather3A_438 : vector<16xf32> to vector<1x16xf32>
        tpu.vector_store %arg9[%swap3A_439, %swap3A_440], %swap3A_443 {strides = array<i32>} : memref<64x512xf32, #tpu.memory_space<vmem>>, vector<1x16xf32>,
        %lt3A_444 = arith.constant 0 : i32
        %lt3A_445 = vector.broadcast %lt3A_444 : i32 to vector<16xi32>
        %lt3A_446 = arith.cmpi slt, %get3A_195, %lt3A_445 : vector<16xi32>
        %add3A_447 = arith.constant 16 : i32
        %add3A_448 = vector.broadcast %add3A_447 : i32 to vector<16xi32>
        %add3A_449 = arith.addi %get3A_195, %add3A_448 : vector<16xi32>
        %select_n3A_450 = arith.select %lt3A_446, %add3A_449, %get3A_195 : vector<16xi1>, vector<16xi32>
        %reshape3A_451 = vector.shape_cast %select_n3A_450 : vector<16xi32> to vector<16x1xi32>
        %gather3A_452 = vector.shape_cast %reshape3A_451 : vector<16x1xi32> to vector<16xi32>
        %gather3A_453 = tpu.dynamic_gather %get3A_282[%gather3A_452] in [0] : vector<16xf32>, vector<16xi32> -> vector<16xf32>
        %swap3A_454 = arith.index_cast %scan3A_277 : i32 to index
        %swap3A_455 = arith.constant 176 : index
        %swap3A_456 = tpu.vector_load %arg9[%swap3A_454, %swap3A_455] {strides = array<i32>} : memref<64x512xf32, #tpu.memory_space<vmem>>, vector<1x16xf32>,
        %swap3A_457 = vector.shape_cast %swap3A_456 : vector<1x16xf32> to vector<16xf32>
        %swap3A_458 = vector.shape_cast %gather3A_453 : vector<16xf32> to vector<1x16xf32>
        tpu.vector_store %arg9[%swap3A_454, %swap3A_455], %swap3A_458 {strides = array<i32>} : memref<64x512xf32, #tpu.memory_space<vmem>>, vector<1x16xf32>,
        %lt3A_459 = arith.constant 0 : i32
        %lt3A_460 = vector.broadcast %lt3A_459 : i32 to vector<16xi32>
        %lt3A_461 = arith.cmpi slt, %get3A_198, %lt3A_460 : vector<16xi32>
        %add3A_462 = arith.constant 16 : i32
        %add3A_463 = vector.broadcast %add3A_462 : i32 to vector<16xi32>
        %add3A_464 = arith.addi %get3A_198, %add3A_463 : vector<16xi32>
        %select_n3A_465 = arith.select %lt3A_461, %add3A_464, %get3A_198 : vector<16xi1>, vector<16xi32>
        %reshape3A_466 = vector.shape_cast %select_n3A_465 : vector<16xi32> to vector<16x1xi32>
        %gather3A_467 = vector.shape_cast %reshape3A_466 : vector<16x1xi32> to vector<16xi32>
        %gather3A_468 = tpu.dynamic_gather %get3A_282[%gather3A_467] in [0] : vector<16xf32>, vector<16xi32> -> vector<16xf32>
        %swap3A_469 = arith.index_cast %scan3A_277 : i32 to index
        %swap3A_470 = arith.constant 192 : index
        %swap3A_471 = tpu.vector_load %arg9[%swap3A_469, %swap3A_470] {strides = array<i32>} : memref<64x512xf32, #tpu.memory_space<vmem>>, vector<1x16xf32>,
        %swap3A_472 = vector.shape_cast %swap3A_471 : vector<1x16xf32> to vector<16xf32>
        %swap3A_473 = vector.shape_cast %gather3A_468 : vector<16xf32> to vector<1x16xf32>
        tpu.vector_store %arg9[%swap3A_469, %swap3A_470], %swap3A_473 {strides = array<i32>} : memref<64x512xf32, #tpu.memory_space<vmem>>, vector<1x16xf32>,
        %lt3A_474 = arith.constant 0 : i32
        %lt3A_475 = vector.broadcast %lt3A_474 : i32 to vector<16xi32>
        %lt3A_476 = arith.cmpi slt, %get3A_201, %lt3A_475 : vector<16xi32>
        %add3A_477 = arith.constant 16 : i32
        %add3A_478 = vector.broadcast %add3A_477 : i32 to vector<16xi32>
        %add3A_479 = arith.addi %get3A_201, %add3A_478 : vector<16xi32>
        %select_n3A_480 = arith.select %lt3A_476, %add3A_479, %get3A_201 : vector<16xi1>, vector<16xi32>
        %reshape3A_481 = vector.shape_cast %select_n3A_480 : vector<16xi32> to vector<16x1xi32>
        %gather3A_482 = vector.shape_cast %reshape3A_481 : vector<16x1xi32> to vector<16xi32>
        %gather3A_483 = tpu.dynamic_gather %get3A_282[%gather3A_482] in [0] : vector<16xf32>, vector<16xi32> -> vector<16xf32>
        %swap3A_484 = arith.index_cast %scan3A_277 : i32 to index
        %swap3A_485 = arith.constant 208 : index
        %swap3A_486 = tpu.vector_load %arg9[%swap3A_484, %swap3A_485] {strides = array<i32>} : memref<64x512xf32, #tpu.memory_space<vmem>>, vector<1x16xf32>,
        %swap3A_487 = vector.shape_cast %swap3A_486 : vector<1x16xf32> to vector<16xf32>
        %swap3A_488 = vector.shape_cast %gather3A_483 : vector<16xf32> to vector<1x16xf32>
        tpu.vector_store %arg9[%swap3A_484, %swap3A_485], %swap3A_488 {strides = array<i32>} : memref<64x512xf32, #tpu.memory_space<vmem>>, vector<1x16xf32>,
        %lt3A_489 = arith.constant 0 : i32
        %lt3A_490 = vector.broadcast %lt3A_489 : i32 to vector<16xi32>
        %lt3A_491 = arith.cmpi slt, %get3A_204, %lt3A_490 : vector<16xi32>
        %add3A_492 = arith.constant 16 : i32
        %add3A_493 = vector.broadcast %add3A_492 : i32 to vector<16xi32>
        %add3A_494 = arith.addi %get3A_204, %add3A_493 : vector<16xi32>
        %select_n3A_495 = arith.select %lt3A_491, %add3A_494, %get3A_204 : vector<16xi1>, vector<16xi32>
        %reshape3A_496 = vector.shape_cast %select_n3A_495 : vector<16xi32> to vector<16x1xi32>
        %gather3A_497 = vector.shape_cast %reshape3A_496 : vector<16x1xi32> to vector<16xi32>
        %gather3A_498 = tpu.dynamic_gather %get3A_282[%gather3A_497] in [0] : vector<16xf32>, vector<16xi32> -> vector<16xf32>
        %swap3A_499 = arith.index_cast %scan3A_277 : i32 to index
        %swap3A_500 = arith.constant 224 : index
        %swap3A_501 = tpu.vector_load %arg9[%swap3A_499, %swap3A_500] {strides = array<i32>} : memref<64x512xf32, #tpu.memory_space<vmem>>, vector<1x16xf32>,
        %swap3A_502 = vector.shape_cast %swap3A_501 : vector<1x16xf32> to vector<16xf32>
        %swap3A_503 = vector.shape_cast %gather3A_498 : vector<16xf32> to vector<1x16xf32>
        tpu.vector_store %arg9[%swap3A_499, %swap3A_500], %swap3A_503 {strides = array<i32>} : memref<64x512xf32, #tpu.memory_space<vmem>>, vector<1x16xf32>,
        %lt3A_504 = arith.constant 0 : i32
        %lt3A_505 = vector.broadcast %lt3A_504 : i32 to vector<16xi32>
        %lt3A_506 = arith.cmpi slt, %get3A_207, %lt3A_505 : vector<16xi32>
        %add3A_507 = arith.constant 16 : i32
        %add3A_508 = vector.broadcast %add3A_507 : i32 to vector<16xi32>
        %add3A_509 = arith.addi %get3A_207, %add3A_508 : vector<16xi32>
        %select_n3A_510 = arith.select %lt3A_506, %add3A_509, %get3A_207 : vector<16xi1>, vector<16xi32>
        %reshape3A_511 = vector.shape_cast %select_n3A_510 : vector<16xi32> to vector<16x1xi32>
        %gather3A_512 = vector.shape_cast %reshape3A_511 : vector<16x1xi32> to vector<16xi32>
        %gather3A_513 = tpu.dynamic_gather %get3A_282[%gather3A_512] in [0] : vector<16xf32>, vector<16xi32> -> vector<16xf32>
        %swap3A_514 = arith.index_cast %scan3A_277 : i32 to index
        %swap3A_515 = arith.constant 240 : index
        %swap3A_516 = tpu.vector_load %arg9[%swap3A_514, %swap3A_515] {strides = array<i32>} : memref<64x512xf32, #tpu.memory_space<vmem>>, vector<1x16xf32>,
        %swap3A_517 = vector.shape_cast %swap3A_516 : vector<1x16xf32> to vector<16xf32>
        %swap3A_518 = vector.shape_cast %gather3A_513 : vector<16xf32> to vector<1x16xf32>
        tpu.vector_store %arg9[%swap3A_514, %swap3A_515], %swap3A_518 {strides = array<i32>} : memref<64x512xf32, #tpu.memory_space<vmem>>, vector<1x16xf32>,
        %scan3A_519 = arith.constant 1 : i32
        %scan3A_520 = arith.addi %scan3A_277, %scan3A_519 : i32
        %mul3A_521 = arith.constant 16 : i32
        %mul3A_522 = arith.muli %scan3A_520, %mul3A_521 : i32
        %multiple_of3A_523 = tpu.assume_multiple %mul3A_522, 16 : i32
        %get3A_524 = arith.index_cast %multiple_of3A_523 : i32 to index
        %get3A_525 = tpu.vector_load %arg5[%get3A_524] {strides = array<i32>} : memref<1024xf32, #tpu.memory_space<vmem>>, vector<16xf32>,
        %get3A_526 = vector.shape_cast %get3A_525 : vector<16xf32> to vector<16xf32>
        %lt3A_527 = arith.constant 0 : i32
        %lt3A_528 = vector.broadcast %lt3A_527 : i32 to vector<16xi32>
        %lt3A_529 = arith.cmpi slt, %get3A_162, %lt3A_528 : vector<16xi32>
        %add3A_530 = arith.constant 16 : i32
        %add3A_531 = vector.broadcast %add3A_530 : i32 to vector<16xi32>
        %add3A_532 = arith.addi %get3A_162, %add3A_531 : vector<16xi32>
        %select_n3A_533 = arith.select %lt3A_529, %add3A_532, %get3A_162 : vector<16xi1>, vector<16xi32>
        %reshape3A_534 = vector.shape_cast %select_n3A_533 : vector<16xi32> to vector<16x1xi32>
        %gather3A_535 = vector.shape_cast %reshape3A_534 : vector<16x1xi32> to vector<16xi32>
        %gather3A_536 = tpu.dynamic_gather %get3A_526[%gather3A_535] in [0] : vector<16xf32>, vector<16xi32> -> vector<16xf32>
        %swap3A_537 = arith.index_cast %scan3A_520 : i32 to index
        %swap3A_538 = arith.constant 0 : index
        %swap3A_539 = tpu.vector_load %arg9[%swap3A_537, %swap3A_538] {strides = array<i32>} : memref<64x512xf32, #tpu.memory_space<vmem>>, vector<1x16xf32>,
        %swap3A_540 = vector.shape_cast %swap3A_539 : vector<1x16xf32> to vector<16xf32>
        %swap3A_541 = vector.shape_cast %gather3A_536 : vector<16xf32> to vector<1x16xf32>
        tpu.vector_store %arg9[%swap3A_537, %swap3A_538], %swap3A_541 {strides = array<i32>} : memref<64x512xf32, #tpu.memory_space<vmem>>, vector<1x16xf32>,
        %lt3A_542 = arith.constant 0 : i32
        %lt3A_543 = vector.broadcast %lt3A_542 : i32 to vector<16xi32>
        %lt3A_544 = arith.cmpi slt, %get3A_165, %lt3A_543 : vector<16xi32>
        %add3A_545 = arith.constant 16 : i32
        %add3A_546 = vector.broadcast %add3A_545 : i32 to vector<16xi32>
        %add3A_547 = arith.addi %get3A_165, %add3A_546 : vector<16xi32>
        %select_n3A_548 = arith.select %lt3A_544, %add3A_547, %get3A_165 : vector<16xi1>, vector<16xi32>
        %reshape3A_549 = vector.shape_cast %select_n3A_548 : vector<16xi32> to vector<16x1xi32>
        %gather3A_550 = vector.shape_cast %reshape3A_549 : vector<16x1xi32> to vector<16xi32>
        %gather3A_551 = tpu.dynamic_gather %get3A_526[%gather3A_550] in [0] : vector<16xf32>, vector<16xi32> -> vector<16xf32>
        %swap3A_552 = arith.index_cast %scan3A_520 : i32 to index
        %swap3A_553 = arith.constant 16 : index
        %swap3A_554 = tpu.vector_load %arg9[%swap3A_552, %swap3A_553] {strides = array<i32>} : memref<64x512xf32, #tpu.memory_space<vmem>>, vector<1x16xf32>,
        %swap3A_555 = vector.shape_cast %swap3A_554 : vector<1x16xf32> to vector<16xf32>
        %swap3A_556 = vector.shape_cast %gather3A_551 : vector<16xf32> to vector<1x16xf32>
        tpu.vector_store %arg9[%swap3A_552, %swap3A_553], %swap3A_556 {strides = array<i32>} : memref<64x512xf32, #tpu.memory_space<vmem>>, vector<1x16xf32>,
        %lt3A_557 = arith.constant 0 : i32
        %lt3A_558 = vector.broadcast %lt3A_557 : i32 to vector<16xi32>
        %lt3A_559 = arith.cmpi slt, %get3A_168, %lt3A_558 : vector<16xi32>
        %add3A_560 = arith.constant 16 : i32
        %add3A_561 = vector.broadcast %add3A_560 : i32 to vector<16xi32>
        %add3A_562 = arith.addi %get3A_168, %add3A_561 : vector<16xi32>
        %select_n3A_563 = arith.select %lt3A_559, %add3A_562, %get3A_168 : vector<16xi1>, vector<16xi32>
        %reshape3A_564 = vector.shape_cast %select_n3A_563 : vector<16xi32> to vector<16x1xi32>
        %gather3A_565 = vector.shape_cast %reshape3A_564 : vector<16x1xi32> to vector<16xi32>
        %gather3A_566 = tpu.dynamic_gather %get3A_526[%gather3A_565] in [0] : vector<16xf32>, vector<16xi32> -> vector<16xf32>
        %swap3A_567 = arith.index_cast %scan3A_520 : i32 to index
        %swap3A_568 = arith.constant 32 : index
        %swap3A_569 = tpu.vector_load %arg9[%swap3A_567, %swap3A_568] {strides = array<i32>} : memref<64x512xf32, #tpu.memory_space<vmem>>, vector<1x16xf32>,
        %swap3A_570 = vector.shape_cast %swap3A_569 : vector<1x16xf32> to vector<16xf32>
        %swap3A_571 = vector.shape_cast %gather3A_566 : vector<16xf32> to vector<1x16xf32>
        tpu.vector_store %arg9[%swap3A_567, %swap3A_568], %swap3A_571 {strides = array<i32>} : memref<64x512xf32, #tpu.memory_space<vmem>>, vector<1x16xf32>,
        %lt3A_572 = arith.constant 0 : i32
        %lt3A_573 = vector.broadcast %lt3A_572 : i32 to vector<16xi32>
        %lt3A_574 = arith.cmpi slt, %get3A_171, %lt3A_573 : vector<16xi32>
        %add3A_575 = arith.constant 16 : i32
        %add3A_576 = vector.broadcast %add3A_575 : i32 to vector<16xi32>
        %add3A_577 = arith.addi %get3A_171, %add3A_576 : vector<16xi32>
        %select_n3A_578 = arith.select %lt3A_574, %add3A_577, %get3A_171 : vector<16xi1>, vector<16xi32>
        %reshape3A_579 = vector.shape_cast %select_n3A_578 : vector<16xi32> to vector<16x1xi32>
        %gather3A_580 = vector.shape_cast %reshape3A_579 : vector<16x1xi32> to vector<16xi32>
        %gather3A_581 = tpu.dynamic_gather %get3A_526[%gather3A_580] in [0] : vector<16xf32>, vector<16xi32> -> vector<16xf32>
        %swap3A_582 = arith.index_cast %scan3A_520 : i32 to index
        %swap3A_583 = arith.constant 48 : index
        %swap3A_584 = tpu.vector_load %arg9[%swap3A_582, %swap3A_583] {strides = array<i32>} : memref<64x512xf32, #tpu.memory_space<vmem>>, vector<1x16xf32>,
        %swap3A_585 = vector.shape_cast %swap3A_584 : vector<1x16xf32> to vector<16xf32>
        %swap3A_586 = vector.shape_cast %gather3A_581 : vector<16xf32> to vector<1x16xf32>
        tpu.vector_store %arg9[%swap3A_582, %swap3A_583], %swap3A_586 {strides = array<i32>} : memref<64x512xf32, #tpu.memory_space<vmem>>, vector<1x16xf32>,
        %lt3A_587 = arith.constant 0 : i32
        %lt3A_588 = vector.broadcast %lt3A_587 : i32 to vector<16xi32>
        %lt3A_589 = arith.cmpi slt, %get3A_174, %lt3A_588 : vector<16xi32>
        %add3A_590 = arith.constant 16 : i32
        %add3A_591 = vector.broadcast %add3A_590 : i32 to vector<16xi32>
        %add3A_592 = arith.addi %get3A_174, %add3A_591 : vector<16xi32>
        %select_n3A_593 = arith.select %lt3A_589, %add3A_592, %get3A_174 : vector<16xi1>, vector<16xi32>
        %reshape3A_594 = vector.shape_cast %select_n3A_593 : vector<16xi32> to vector<16x1xi32>
        %gather3A_595 = vector.shape_cast %reshape3A_594 : vector<16x1xi32> to vector<16xi32>
        %gather3A_596 = tpu.dynamic_gather %get3A_526[%gather3A_595] in [0] : vector<16xf32>, vector<16xi32> -> vector<16xf32>
        %swap3A_597 = arith.index_cast %scan3A_520 : i32 to index
        %swap3A_598 = arith.constant 64 : index
        %swap3A_599 = tpu.vector_load %arg9[%swap3A_597, %swap3A_598] {strides = array<i32>} : memref<64x512xf32, #tpu.memory_space<vmem>>, vector<1x16xf32>,
        %swap3A_600 = vector.shape_cast %swap3A_599 : vector<1x16xf32> to vector<16xf32>
        %swap3A_601 = vector.shape_cast %gather3A_596 : vector<16xf32> to vector<1x16xf32>
        tpu.vector_store %arg9[%swap3A_597, %swap3A_598], %swap3A_601 {strides = array<i32>} : memref<64x512xf32, #tpu.memory_space<vmem>>, vector<1x16xf32>,
        %lt3A_602 = arith.constant 0 : i32
        %lt3A_603 = vector.broadcast %lt3A_602 : i32 to vector<16xi32>
        %lt3A_604 = arith.cmpi slt, %get3A_177, %lt3A_603 : vector<16xi32>
        %add3A_605 = arith.constant 16 : i32
        %add3A_606 = vector.broadcast %add3A_605 : i32 to vector<16xi32>
        %add3A_607 = arith.addi %get3A_177, %add3A_606 : vector<16xi32>
        %select_n3A_608 = arith.select %lt3A_604, %add3A_607, %get3A_177 : vector<16xi1>, vector<16xi32>
        %reshape3A_609 = vector.shape_cast %select_n3A_608 : vector<16xi32> to vector<16x1xi32>
        %gather3A_610 = vector.shape_cast %reshape3A_609 : vector<16x1xi32> to vector<16xi32>
        %gather3A_611 = tpu.dynamic_gather %get3A_526[%gather3A_610] in [0] : vector<16xf32>, vector<16xi32> -> vector<16xf32>
        %swap3A_612 = arith.index_cast %scan3A_520 : i32 to index
        %swap3A_613 = arith.constant 80 : index
        %swap3A_614 = tpu.vector_load %arg9[%swap3A_612, %swap3A_613] {strides = array<i32>} : memref<64x512xf32, #tpu.memory_space<vmem>>, vector<1x16xf32>,
        %swap3A_615 = vector.shape_cast %swap3A_614 : vector<1x16xf32> to vector<16xf32>
        %swap3A_616 = vector.shape_cast %gather3A_611 : vector<16xf32> to vector<1x16xf32>
        tpu.vector_store %arg9[%swap3A_612, %swap3A_613], %swap3A_616 {strides = array<i32>} : memref<64x512xf32, #tpu.memory_space<vmem>>, vector<1x16xf32>,
        %lt3A_617 = arith.constant 0 : i32
        %lt3A_618 = vector.broadcast %lt3A_617 : i32 to vector<16xi32>
        %lt3A_619 = arith.cmpi slt, %get3A_180, %lt3A_618 : vector<16xi32>
        %add3A_620 = arith.constant 16 : i32
        %add3A_621 = vector.broadcast %add3A_620 : i32 to vector<16xi32>
        %add3A_622 = arith.addi %get3A_180, %add3A_621 : vector<16xi32>
        %select_n3A_623 = arith.select %lt3A_619, %add3A_622, %get3A_180 : vector<16xi1>, vector<16xi32>
        %reshape3A_624 = vector.shape_cast %select_n3A_623 : vector<16xi32> to vector<16x1xi32>
        %gather3A_625 = vector.shape_cast %reshape3A_624 : vector<16x1xi32> to vector<16xi32>
        %gather3A_626 = tpu.dynamic_gather %get3A_526[%gather3A_625] in [0] : vector<16xf32>, vector<16xi32> -> vector<16xf32>
        %swap3A_627 = arith.index_cast %scan3A_520 : i32 to index
        %swap3A_628 = arith.constant 96 : index
        %swap3A_629 = tpu.vector_load %arg9[%swap3A_627, %swap3A_628] {strides = array<i32>} : memref<64x512xf32, #tpu.memory_space<vmem>>, vector<1x16xf32>,
        %swap3A_630 = vector.shape_cast %swap3A_629 : vector<1x16xf32> to vector<16xf32>
        %swap3A_631 = vector.shape_cast %gather3A_626 : vector<16xf32> to vector<1x16xf32>
        tpu.vector_store %arg9[%swap3A_627, %swap3A_628], %swap3A_631 {strides = array<i32>} : memref<64x512xf32, #tpu.memory_space<vmem>>, vector<1x16xf32>,
        %lt3A_632 = arith.constant 0 : i32
        %lt3A_633 = vector.broadcast %lt3A_632 : i32 to vector<16xi32>
        %lt3A_634 = arith.cmpi slt, %get3A_183, %lt3A_633 : vector<16xi32>
        %add3A_635 = arith.constant 16 : i32
        %add3A_636 = vector.broadcast %add3A_635 : i32 to vector<16xi32>
        %add3A_637 = arith.addi %get3A_183, %add3A_636 : vector<16xi32>
        %select_n3A_638 = arith.select %lt3A_634, %add3A_637, %get3A_183 : vector<16xi1>, vector<16xi32>
        %reshape3A_639 = vector.shape_cast %select_n3A_638 : vector<16xi32> to vector<16x1xi32>
        %gather3A_640 = vector.shape_cast %reshape3A_639 : vector<16x1xi32> to vector<16xi32>
        %gather3A_641 = tpu.dynamic_gather %get3A_526[%gather3A_640] in [0] : vector<16xf32>, vector<16xi32> -> vector<16xf32>
        %swap3A_642 = arith.index_cast %scan3A_520 : i32 to index
        %swap3A_643 = arith.constant 112 : index
        %swap3A_644 = tpu.vector_load %arg9[%swap3A_642, %swap3A_643] {strides = array<i32>} : memref<64x512xf32, #tpu.memory_space<vmem>>, vector<1x16xf32>,
        %swap3A_645 = vector.shape_cast %swap3A_644 : vector<1x16xf32> to vector<16xf32>
        %swap3A_646 = vector.shape_cast %gather3A_641 : vector<16xf32> to vector<1x16xf32>
        tpu.vector_store %arg9[%swap3A_642, %swap3A_643], %swap3A_646 {strides = array<i32>} : memref<64x512xf32, #tpu.memory_space<vmem>>, vector<1x16xf32>,
        %lt3A_647 = arith.constant 0 : i32
        %lt3A_648 = vector.broadcast %lt3A_647 : i32 to vector<16xi32>
        %lt3A_649 = arith.cmpi slt, %get3A_186, %lt3A_648 : vector<16xi32>
        %add3A_650 = arith.constant 16 : i32
        %add3A_651 = vector.broadcast %add3A_650 : i32 to vector<16xi32>
        %add3A_652 = arith.addi %get3A_186, %add3A_651 : vector<16xi32>
        %select_n3A_653 = arith.select %lt3A_649, %add3A_652, %get3A_186 : vector<16xi1>, vector<16xi32>
        %reshape3A_654 = vector.shape_cast %select_n3A_653 : vector<16xi32> to vector<16x1xi32>
        %gather3A_655 = vector.shape_cast %reshape3A_654 : vector<16x1xi32> to vector<16xi32>
        %gather3A_656 = tpu.dynamic_gather %get3A_526[%gather3A_655] in [0] : vector<16xf32>, vector<16xi32> -> vector<16xf32>
        %swap3A_657 = arith.index_cast %scan3A_520 : i32 to index
        %swap3A_658 = arith.constant 128 : index
        %swap3A_659 = tpu.vector_load %arg9[%swap3A_657, %swap3A_658] {strides = array<i32>} : memref<64x512xf32, #tpu.memory_space<vmem>>, vector<1x16xf32>,
        %swap3A_660 = vector.shape_cast %swap3A_659 : vector<1x16xf32> to vector<16xf32>
        %swap3A_661 = vector.shape_cast %gather3A_656 : vector<16xf32> to vector<1x16xf32>
        tpu.vector_store %arg9[%swap3A_657, %swap3A_658], %swap3A_661 {strides = array<i32>} : memref<64x512xf32, #tpu.memory_space<vmem>>, vector<1x16xf32>,
        %lt3A_662 = arith.constant 0 : i32
        %lt3A_663 = vector.broadcast %lt3A_662 : i32 to vector<16xi32>
        %lt3A_664 = arith.cmpi slt, %get3A_189, %lt3A_663 : vector<16xi32>
        %add3A_665 = arith.constant 16 : i32
        %add3A_666 = vector.broadcast %add3A_665 : i32 to vector<16xi32>
        %add3A_667 = arith.addi %get3A_189, %add3A_666 : vector<16xi32>
        %select_n3A_668 = arith.select %lt3A_664, %add3A_667, %get3A_189 : vector<16xi1>, vector<16xi32>
        %reshape3A_669 = vector.shape_cast %select_n3A_668 : vector<16xi32> to vector<16x1xi32>
        %gather3A_670 = vector.shape_cast %reshape3A_669 : vector<16x1xi32> to vector<16xi32>
        %gather3A_671 = tpu.dynamic_gather %get3A_526[%gather3A_670] in [0] : vector<16xf32>, vector<16xi32> -> vector<16xf32>
        %swap3A_672 = arith.index_cast %scan3A_520 : i32 to index
        %swap3A_673 = arith.constant 144 : index
        %swap3A_674 = tpu.vector_load %arg9[%swap3A_672, %swap3A_673] {strides = array<i32>} : memref<64x512xf32, #tpu.memory_space<vmem>>, vector<1x16xf32>,
        %swap3A_675 = vector.shape_cast %swap3A_674 : vector<1x16xf32> to vector<16xf32>
        %swap3A_676 = vector.shape_cast %gather3A_671 : vector<16xf32> to vector<1x16xf32>
        tpu.vector_store %arg9[%swap3A_672, %swap3A_673], %swap3A_676 {strides = array<i32>} : memref<64x512xf32, #tpu.memory_space<vmem>>, vector<1x16xf32>,
        %lt3A_677 = arith.constant 0 : i32
        %lt3A_678 = vector.broadcast %lt3A_677 : i32 to vector<16xi32>
        %lt3A_679 = arith.cmpi slt, %get3A_192, %lt3A_678 : vector<16xi32>
        %add3A_680 = arith.constant 16 : i32
        %add3A_681 = vector.broadcast %add3A_680 : i32 to vector<16xi32>
        %add3A_682 = arith.addi %get3A_192, %add3A_681 : vector<16xi32>
        %select_n3A_683 = arith.select %lt3A_679, %add3A_682, %get3A_192 : vector<16xi1>, vector<16xi32>
        %reshape3A_684 = vector.shape_cast %select_n3A_683 : vector<16xi32> to vector<16x1xi32>
        %gather3A_685 = vector.shape_cast %reshape3A_684 : vector<16x1xi32> to vector<16xi32>
        %gather3A_686 = tpu.dynamic_gather %get3A_526[%gather3A_685] in [0] : vector<16xf32>, vector<16xi32> -> vector<16xf32>
        %swap3A_687 = arith.index_cast %scan3A_520 : i32 to index
        %swap3A_688 = arith.constant 160 : index
        %swap3A_689 = tpu.vector_load %arg9[%swap3A_687, %swap3A_688] {strides = array<i32>} : memref<64x512xf32, #tpu.memory_space<vmem>>, vector<1x16xf32>,
        %swap3A_690 = vector.shape_cast %swap3A_689 : vector<1x16xf32> to vector<16xf32>
        %swap3A_691 = vector.shape_cast %gather3A_686 : vector<16xf32> to vector<1x16xf32>
        tpu.vector_store %arg9[%swap3A_687, %swap3A_688], %swap3A_691 {strides = array<i32>} : memref<64x512xf32, #tpu.memory_space<vmem>>, vector<1x16xf32>,
        %lt3A_692 = arith.constant 0 : i32
        %lt3A_693 = vector.broadcast %lt3A_692 : i32 to vector<16xi32>
        %lt3A_694 = arith.cmpi slt, %get3A_195, %lt3A_693 : vector<16xi32>
        %add3A_695 = arith.constant 16 : i32
        %add3A_696 = vector.broadcast %add3A_695 : i32 to vector<16xi32>
        %add3A_697 = arith.addi %get3A_195, %add3A_696 : vector<16xi32>
        %select_n3A_698 = arith.select %lt3A_694, %add3A_697, %get3A_195 : vector<16xi1>, vector<16xi32>
        %reshape3A_699 = vector.shape_cast %select_n3A_698 : vector<16xi32> to vector<16x1xi32>
        %gather3A_700 = vector.shape_cast %reshape3A_699 : vector<16x1xi32> to vector<16xi32>
        %gather3A_701 = tpu.dynamic_gather %get3A_526[%gather3A_700] in [0] : vector<16xf32>, vector<16xi32> -> vector<16xf32>
        %swap3A_702 = arith.index_cast %scan3A_520 : i32 to index
        %swap3A_703 = arith.constant 176 : index
        %swap3A_704 = tpu.vector_load %arg9[%swap3A_702, %swap3A_703] {strides = array<i32>} : memref<64x512xf32, #tpu.memory_space<vmem>>, vector<1x16xf32>,
        %swap3A_705 = vector.shape_cast %swap3A_704 : vector<1x16xf32> to vector<16xf32>
        %swap3A_706 = vector.shape_cast %gather3A_701 : vector<16xf32> to vector<1x16xf32>
        tpu.vector_store %arg9[%swap3A_702, %swap3A_703], %swap3A_706 {strides = array<i32>} : memref<64x512xf32, #tpu.memory_space<vmem>>, vector<1x16xf32>,
        %lt3A_707 = arith.constant 0 : i32
        %lt3A_708 = vector.broadcast %lt3A_707 : i32 to vector<16xi32>
        %lt3A_709 = arith.cmpi slt, %get3A_198, %lt3A_708 : vector<16xi32>
        %add3A_710 = arith.constant 16 : i32
        %add3A_711 = vector.broadcast %add3A_710 : i32 to vector<16xi32>
        %add3A_712 = arith.addi %get3A_198, %add3A_711 : vector<16xi32>
        %select_n3A_713 = arith.select %lt3A_709, %add3A_712, %get3A_198 : vector<16xi1>, vector<16xi32>
        %reshape3A_714 = vector.shape_cast %select_n3A_713 : vector<16xi32> to vector<16x1xi32>
        %gather3A_715 = vector.shape_cast %reshape3A_714 : vector<16x1xi32> to vector<16xi32>
        %gather3A_716 = tpu.dynamic_gather %get3A_526[%gather3A_715] in [0] : vector<16xf32>, vector<16xi32> -> vector<16xf32>
        %swap3A_717 = arith.index_cast %scan3A_520 : i32 to index
        %swap3A_718 = arith.constant 192 : index
        %swap3A_719 = tpu.vector_load %arg9[%swap3A_717, %swap3A_718] {strides = array<i32>} : memref<64x512xf32, #tpu.memory_space<vmem>>, vector<1x16xf32>,
        %swap3A_720 = vector.shape_cast %swap3A_719 : vector<1x16xf32> to vector<16xf32>
        %swap3A_721 = vector.shape_cast %gather3A_716 : vector<16xf32> to vector<1x16xf32>
        tpu.vector_store %arg9[%swap3A_717, %swap3A_718], %swap3A_721 {strides = array<i32>} : memref<64x512xf32, #tpu.memory_space<vmem>>, vector<1x16xf32>,
        %lt3A_722 = arith.constant 0 : i32
        %lt3A_723 = vector.broadcast %lt3A_722 : i32 to vector<16xi32>
        %lt3A_724 = arith.cmpi slt, %get3A_201, %lt3A_723 : vector<16xi32>
        %add3A_725 = arith.constant 16 : i32
        %add3A_726 = vector.broadcast %add3A_725 : i32 to vector<16xi32>
        %add3A_727 = arith.addi %get3A_201, %add3A_726 : vector<16xi32>
        %select_n3A_728 = arith.select %lt3A_724, %add3A_727, %get3A_201 : vector<16xi1>, vector<16xi32>
        %reshape3A_729 = vector.shape_cast %select_n3A_728 : vector<16xi32> to vector<16x1xi32>
        %gather3A_730 = vector.shape_cast %reshape3A_729 : vector<16x1xi32> to vector<16xi32>
        %gather3A_731 = tpu.dynamic_gather %get3A_526[%gather3A_730] in [0] : vector<16xf32>, vector<16xi32> -> vector<16xf32>
        %swap3A_732 = arith.index_cast %scan3A_520 : i32 to index
        %swap3A_733 = arith.constant 208 : index
        %swap3A_734 = tpu.vector_load %arg9[%swap3A_732, %swap3A_733] {strides = array<i32>} : memref<64x512xf32, #tpu.memory_space<vmem>>, vector<1x16xf32>,
        %swap3A_735 = vector.shape_cast %swap3A_734 : vector<1x16xf32> to vector<16xf32>
        %swap3A_736 = vector.shape_cast %gather3A_731 : vector<16xf32> to vector<1x16xf32>
        tpu.vector_store %arg9[%swap3A_732, %swap3A_733], %swap3A_736 {strides = array<i32>} : memref<64x512xf32, #tpu.memory_space<vmem>>, vector<1x16xf32>,
        %lt3A_737 = arith.constant 0 : i32
        %lt3A_738 = vector.broadcast %lt3A_737 : i32 to vector<16xi32>
        %lt3A_739 = arith.cmpi slt, %get3A_204, %lt3A_738 : vector<16xi32>
        %add3A_740 = arith.constant 16 : i32
        %add3A_741 = vector.broadcast %add3A_740 : i32 to vector<16xi32>
        %add3A_742 = arith.addi %get3A_204, %add3A_741 : vector<16xi32>
        %select_n3A_743 = arith.select %lt3A_739, %add3A_742, %get3A_204 : vector<16xi1>, vector<16xi32>
        %reshape3A_744 = vector.shape_cast %select_n3A_743 : vector<16xi32> to vector<16x1xi32>
        %gather3A_745 = vector.shape_cast %reshape3A_744 : vector<16x1xi32> to vector<16xi32>
        %gather3A_746 = tpu.dynamic_gather %get3A_526[%gather3A_745] in [0] : vector<16xf32>, vector<16xi32> -> vector<16xf32>
        %swap3A_747 = arith.index_cast %scan3A_520 : i32 to index
        %swap3A_748 = arith.constant 224 : index
        %swap3A_749 = tpu.vector_load %arg9[%swap3A_747, %swap3A_748] {strides = array<i32>} : memref<64x512xf32, #tpu.memory_space<vmem>>, vector<1x16xf32>,
        %swap3A_750 = vector.shape_cast %swap3A_749 : vector<1x16xf32> to vector<16xf32>
        %swap3A_751 = vector.shape_cast %gather3A_746 : vector<16xf32> to vector<1x16xf32>
        tpu.vector_store %arg9[%swap3A_747, %swap3A_748], %swap3A_751 {strides = array<i32>} : memref<64x512xf32, #tpu.memory_space<vmem>>, vector<1x16xf32>,
        %lt3A_752 = arith.constant 0 : i32
        %lt3A_753 = vector.broadcast %lt3A_752 : i32 to vector<16xi32>
        %lt3A_754 = arith.cmpi slt, %get3A_207, %lt3A_753 : vector<16xi32>
        %add3A_755 = arith.constant 16 : i32
        %add3A_756 = vector.broadcast %add3A_755 : i32 to vector<16xi32>
        %add3A_757 = arith.addi %get3A_207, %add3A_756 : vector<16xi32>
        %select_n3A_758 = arith.select %lt3A_754, %add3A_757, %get3A_207 : vector<16xi1>, vector<16xi32>
        %reshape3A_759 = vector.shape_cast %select_n3A_758 : vector<16xi32> to vector<16x1xi32>
        %gather3A_760 = vector.shape_cast %reshape3A_759 : vector<16x1xi32> to vector<16xi32>
        %gather3A_761 = tpu.dynamic_gather %get3A_526[%gather3A_760] in [0] : vector<16xf32>, vector<16xi32> -> vector<16xf32>
        %swap3A_762 = arith.index_cast %scan3A_520 : i32 to index
        %swap3A_763 = arith.constant 240 : index
        %swap3A_764 = tpu.vector_load %arg9[%swap3A_762, %swap3A_763] {strides = array<i32>} : memref<64x512xf32, #tpu.memory_space<vmem>>, vector<1x16xf32>,
        %swap3A_765 = vector.shape_cast %swap3A_764 : vector<1x16xf32> to vector<16xf32>
        %swap3A_766 = vector.shape_cast %gather3A_761 : vector<16xf32> to vector<1x16xf32>
        tpu.vector_store %arg9[%swap3A_762, %swap3A_763], %swap3A_766 {strides = array<i32>} : memref<64x512xf32, #tpu.memory_space<vmem>>, vector<1x16xf32>,
      }
      %scan3A_212 = arith.constant 64 : i32
      %get3A_213 = arith.constant 256 : index
      %get3A_214 = tpu.vector_load %arg7[%get3A_213] {strides = array<i32>} : memref<512xi32, #tpu.memory_space<vmem>>, vector<16xi32>,
      %get3A_215 = vector.shape_cast %get3A_214 : vector<16xi32> to vector<16xi32>
      %get3A_216 = arith.constant 272 : index
      %get3A_217 = tpu.vector_load %arg7[%get3A_216] {strides = array<i32>} : memref<512xi32, #tpu.memory_space<vmem>>, vector<16xi32>,
      %get3A_218 = vector.shape_cast %get3A_217 : vector<16xi32> to vector<16xi32>
      %get3A_219 = arith.constant 288 : index
      %get3A_220 = tpu.vector_load %arg7[%get3A_219] {strides = array<i32>} : memref<512xi32, #tpu.memory_space<vmem>>, vector<16xi32>,
      %get3A_221 = vector.shape_cast %get3A_220 : vector<16xi32> to vector<16xi32>
      %get3A_222 = arith.constant 304 : index
      %get3A_223 = tpu.vector_load %arg7[%get3A_222] {strides = array<i32>} : memref<512xi32, #tpu.memory_space<vmem>>, vector<16xi32>,
      %get3A_224 = vector.shape_cast %get3A_223 : vector<16xi32> to vector<16xi32>
      %get3A_225 = arith.constant 320 : index
      %get3A_226 = tpu.vector_load %arg7[%get3A_225] {strides = array<i32>} : memref<512xi32, #tpu.memory_space<vmem>>, vector<16xi32>,
      %get3A_227 = vector.shape_cast %get3A_226 : vector<16xi32> to vector<16xi32>
      %get3A_228 = arith.constant 336 : index
      %get3A_229 = tpu.vector_load %arg7[%get3A_228] {strides = array<i32>} : memref<512xi32, #tpu.memory_space<vmem>>, vector<16xi32>,
      %get3A_230 = vector.shape_cast %get3A_229 : vector<16xi32> to vector<16xi32>
      %get3A_231 = arith.constant 352 : index
      %get3A_232 = tpu.vector_load %arg7[%get3A_231] {strides = array<i32>} : memref<512xi32, #tpu.memory_space<vmem>>, vector<16xi32>,
      %get3A_233 = vector.shape_cast %get3A_232 : vector<16xi32> to vector<16xi32>
      %get3A_234 = arith.constant 368 : index
      %get3A_235 = tpu.vector_load %arg7[%get3A_234] {strides = array<i32>} : memref<512xi32, #tpu.memory_space<vmem>>, vector<16xi32>,
      %get3A_236 = vector.shape_cast %get3A_235 : vector<16xi32> to vector<16xi32>
      %get3A_237 = arith.constant 384 : index
      %get3A_238 = tpu.vector_load %arg7[%get3A_237] {strides = array<i32>} : memref<512xi32, #tpu.memory_space<vmem>>, vector<16xi32>,
      %get3A_239 = vector.shape_cast %get3A_238 : vector<16xi32> to vector<16xi32>
      %get3A_240 = arith.constant 400 : index
      %get3A_241 = tpu.vector_load %arg7[%get3A_240] {strides = array<i32>} : memref<512xi32, #tpu.memory_space<vmem>>, vector<16xi32>,
      %get3A_242 = vector.shape_cast %get3A_241 : vector<16xi32> to vector<16xi32>
      %get3A_243 = arith.constant 416 : index
      %get3A_244 = tpu.vector_load %arg7[%get3A_243] {strides = array<i32>} : memref<512xi32, #tpu.memory_space<vmem>>, vector<16xi32>,
      %get3A_245 = vector.shape_cast %get3A_244 : vector<16xi32> to vector<16xi32>
      %get3A_246 = arith.constant 432 : index
      %get3A_247 = tpu.vector_load %arg7[%get3A_246] {strides = array<i32>} : memref<512xi32, #tpu.memory_space<vmem>>, vector<16xi32>,
      %get3A_248 = vector.shape_cast %get3A_247 : vector<16xi32> to vector<16xi32>
      %get3A_249 = arith.constant 448 : index
      %get3A_250 = tpu.vector_load %arg7[%get3A_249] {strides = array<i32>} : memref<512xi32, #tpu.memory_space<vmem>>, vector<16xi32>,
      %get3A_251 = vector.shape_cast %get3A_250 : vector<16xi32> to vector<16xi32>
      %get3A_252 = arith.constant 464 : index
      %get3A_253 = tpu.vector_load %arg7[%get3A_252] {strides = array<i32>} : memref<512xi32, #tpu.memory_space<vmem>>, vector<16xi32>,
      %get3A_254 = vector.shape_cast %get3A_253 : vector<16xi32> to vector<16xi32>
      %get3A_255 = arith.constant 480 : index
      %get3A_256 = tpu.vector_load %arg7[%get3A_255] {strides = array<i32>} : memref<512xi32, #tpu.memory_space<vmem>>, vector<16xi32>,
      %get3A_257 = vector.shape_cast %get3A_256 : vector<16xi32> to vector<16xi32>
      %get3A_258 = arith.constant 496 : index
      %get3A_259 = tpu.vector_load %arg7[%get3A_258] {strides = array<i32>} : memref<512xi32, #tpu.memory_space<vmem>>, vector<16xi32>,
      %get3A_260 = vector.shape_cast %get3A_259 : vector<16xi32> to vector<16xi32>
      %scan3A_261 = arith.constant 0 : i32
      %scan3A_262 = arith.constant 64 : i32
      %scan3A_263 = arith.addi %scan3A_261, %scan3A_262 : i32
      %scan3A_264 = arith.constant 2 : i32
      scf.for %scan3A_277 = %scan3A_261 to %scan3A_263 step %scan3A_264  : i32 {
        %mul3A_278 = arith.constant 16 : i32
        %mul3A_279 = arith.muli %scan3A_277, %mul3A_278 : i32
        %multiple_of3A = tpu.assume_multiple %mul3A_279, 16 : i32
        %get3A_280 = arith.index_cast %multiple_of3A : i32 to index
        %get3A_281 = tpu.vector_load %arg5[%get3A_280] {strides = array<i32>} : memref<1024xf32, #tpu.memory_space<vmem>>, vector<16xf32>,
        %get3A_282 = vector.shape_cast %get3A_281 : vector<16xf32> to vector<16xf32>
        %lt3A_283 = arith.constant 0 : i32
        %lt3A_284 = vector.broadcast %lt3A_283 : i32 to vector<16xi32>
        %lt3A_285 = arith.cmpi slt, %get3A_215, %lt3A_284 : vector<16xi32>
        %add3A_286 = arith.constant 16 : i32
        %add3A_287 = vector.broadcast %add3A_286 : i32 to vector<16xi32>
        %add3A_288 = arith.addi %get3A_215, %add3A_287 : vector<16xi32>
        %select_n3A = arith.select %lt3A_285, %add3A_288, %get3A_215 : vector<16xi1>, vector<16xi32>
        %reshape3A = vector.shape_cast %select_n3A : vector<16xi32> to vector<16x1xi32>
        %gather3A = vector.shape_cast %reshape3A : vector<16x1xi32> to vector<16xi32>
        %gather3A_289 = tpu.dynamic_gather %get3A_282[%gather3A] in [0] : vector<16xf32>, vector<16xi32> -> vector<16xf32>
        %swap3A = arith.index_cast %scan3A_277 : i32 to index
        %swap3A_290 = arith.constant 256 : index
        %swap3A_291 = tpu.vector_load %arg9[%swap3A, %swap3A_290] {strides = array<i32>} : memref<64x512xf32, #tpu.memory_space<vmem>>, vector<1x16xf32>,
        %swap3A_292 = vector.shape_cast %swap3A_291 : vector<1x16xf32> to vector<16xf32>
        %swap3A_293 = vector.shape_cast %gather3A_289 : vector<16xf32> to vector<1x16xf32>
        tpu.vector_store %arg9[%swap3A, %swap3A_290], %swap3A_293 {strides = array<i32>} : memref<64x512xf32, #tpu.memory_space<vmem>>, vector<1x16xf32>,
        %lt3A_294 = arith.constant 0 : i32
        %lt3A_295 = vector.broadcast %lt3A_294 : i32 to vector<16xi32>
        %lt3A_296 = arith.cmpi slt, %get3A_218, %lt3A_295 : vector<16xi32>
        %add3A_297 = arith.constant 16 : i32
        %add3A_298 = vector.broadcast %add3A_297 : i32 to vector<16xi32>
        %add3A_299 = arith.addi %get3A_218, %add3A_298 : vector<16xi32>
        %select_n3A_300 = arith.select %lt3A_296, %add3A_299, %get3A_218 : vector<16xi1>, vector<16xi32>
        %reshape3A_301 = vector.shape_cast %select_n3A_300 : vector<16xi32> to vector<16x1xi32>
        %gather3A_302 = vector.shape_cast %reshape3A_301 : vector<16x1xi32> to vector<16xi32>
        %gather3A_303 = tpu.dynamic_gather %get3A_282[%gather3A_302] in [0] : vector<16xf32>, vector<16xi32> -> vector<16xf32>
        %swap3A_304 = arith.index_cast %scan3A_277 : i32 to index
        %swap3A_305 = arith.constant 272 : index
        %swap3A_306 = tpu.vector_load %arg9[%swap3A_304, %swap3A_305] {strides = array<i32>} : memref<64x512xf32, #tpu.memory_space<vmem>>, vector<1x16xf32>,
        %swap3A_307 = vector.shape_cast %swap3A_306 : vector<1x16xf32> to vector<16xf32>
        %swap3A_308 = vector.shape_cast %gather3A_303 : vector<16xf32> to vector<1x16xf32>
        tpu.vector_store %arg9[%swap3A_304, %swap3A_305], %swap3A_308 {strides = array<i32>} : memref<64x512xf32, #tpu.memory_space<vmem>>, vector<1x16xf32>,
        %lt3A_309 = arith.constant 0 : i32
        %lt3A_310 = vector.broadcast %lt3A_309 : i32 to vector<16xi32>
        %lt3A_311 = arith.cmpi slt, %get3A_221, %lt3A_310 : vector<16xi32>
        %add3A_312 = arith.constant 16 : i32
        %add3A_313 = vector.broadcast %add3A_312 : i32 to vector<16xi32>
        %add3A_314 = arith.addi %get3A_221, %add3A_313 : vector<16xi32>
        %select_n3A_315 = arith.select %lt3A_311, %add3A_314, %get3A_221 : vector<16xi1>, vector<16xi32>
        %reshape3A_316 = vector.shape_cast %select_n3A_315 : vector<16xi32> to vector<16x1xi32>
        %gather3A_317 = vector.shape_cast %reshape3A_316 : vector<16x1xi32> to vector<16xi32>
        %gather3A_318 = tpu.dynamic_gather %get3A_282[%gather3A_317] in [0] : vector<16xf32>, vector<16xi32> -> vector<16xf32>
        %swap3A_319 = arith.index_cast %scan3A_277 : i32 to index
        %swap3A_320 = arith.constant 288 : index
        %swap3A_321 = tpu.vector_load %arg9[%swap3A_319, %swap3A_320] {strides = array<i32>} : memref<64x512xf32, #tpu.memory_space<vmem>>, vector<1x16xf32>,
        %swap3A_322 = vector.shape_cast %swap3A_321 : vector<1x16xf32> to vector<16xf32>
        %swap3A_323 = vector.shape_cast %gather3A_318 : vector<16xf32> to vector<1x16xf32>
        tpu.vector_store %arg9[%swap3A_319, %swap3A_320], %swap3A_323 {strides = array<i32>} : memref<64x512xf32, #tpu.memory_space<vmem>>, vector<1x16xf32>,
        %lt3A_324 = arith.constant 0 : i32
        %lt3A_325 = vector.broadcast %lt3A_324 : i32 to vector<16xi32>
        %lt3A_326 = arith.cmpi slt, %get3A_224, %lt3A_325 : vector<16xi32>
        %add3A_327 = arith.constant 16 : i32
        %add3A_328 = vector.broadcast %add3A_327 : i32 to vector<16xi32>
        %add3A_329 = arith.addi %get3A_224, %add3A_328 : vector<16xi32>
        %select_n3A_330 = arith.select %lt3A_326, %add3A_329, %get3A_224 : vector<16xi1>, vector<16xi32>
        %reshape3A_331 = vector.shape_cast %select_n3A_330 : vector<16xi32> to vector<16x1xi32>
        %gather3A_332 = vector.shape_cast %reshape3A_331 : vector<16x1xi32> to vector<16xi32>
        %gather3A_333 = tpu.dynamic_gather %get3A_282[%gather3A_332] in [0] : vector<16xf32>, vector<16xi32> -> vector<16xf32>
        %swap3A_334 = arith.index_cast %scan3A_277 : i32 to index
        %swap3A_335 = arith.constant 304 : index
        %swap3A_336 = tpu.vector_load %arg9[%swap3A_334, %swap3A_335] {strides = array<i32>} : memref<64x512xf32, #tpu.memory_space<vmem>>, vector<1x16xf32>,
        %swap3A_337 = vector.shape_cast %swap3A_336 : vector<1x16xf32> to vector<16xf32>
        %swap3A_338 = vector.shape_cast %gather3A_333 : vector<16xf32> to vector<1x16xf32>
        tpu.vector_store %arg9[%swap3A_334, %swap3A_335], %swap3A_338 {strides = array<i32>} : memref<64x512xf32, #tpu.memory_space<vmem>>, vector<1x16xf32>,
        %lt3A_339 = arith.constant 0 : i32
        %lt3A_340 = vector.broadcast %lt3A_339 : i32 to vector<16xi32>
        %lt3A_341 = arith.cmpi slt, %get3A_227, %lt3A_340 : vector<16xi32>
        %add3A_342 = arith.constant 16 : i32
        %add3A_343 = vector.broadcast %add3A_342 : i32 to vector<16xi32>
        %add3A_344 = arith.addi %get3A_227, %add3A_343 : vector<16xi32>
        %select_n3A_345 = arith.select %lt3A_341, %add3A_344, %get3A_227 : vector<16xi1>, vector<16xi32>
        %reshape3A_346 = vector.shape_cast %select_n3A_345 : vector<16xi32> to vector<16x1xi32>
        %gather3A_347 = vector.shape_cast %reshape3A_346 : vector<16x1xi32> to vector<16xi32>
        %gather3A_348 = tpu.dynamic_gather %get3A_282[%gather3A_347] in [0] : vector<16xf32>, vector<16xi32> -> vector<16xf32>
        %swap3A_349 = arith.index_cast %scan3A_277 : i32 to index
        %swap3A_350 = arith.constant 320 : index
        %swap3A_351 = tpu.vector_load %arg9[%swap3A_349, %swap3A_350] {strides = array<i32>} : memref<64x512xf32, #tpu.memory_space<vmem>>, vector<1x16xf32>,
        %swap3A_352 = vector.shape_cast %swap3A_351 : vector<1x16xf32> to vector<16xf32>
        %swap3A_353 = vector.shape_cast %gather3A_348 : vector<16xf32> to vector<1x16xf32>
        tpu.vector_store %arg9[%swap3A_349, %swap3A_350], %swap3A_353 {strides = array<i32>} : memref<64x512xf32, #tpu.memory_space<vmem>>, vector<1x16xf32>,
        %lt3A_354 = arith.constant 0 : i32
        %lt3A_355 = vector.broadcast %lt3A_354 : i32 to vector<16xi32>
        %lt3A_356 = arith.cmpi slt, %get3A_230, %lt3A_355 : vector<16xi32>
        %add3A_357 = arith.constant 16 : i32
        %add3A_358 = vector.broadcast %add3A_357 : i32 to vector<16xi32>
        %add3A_359 = arith.addi %get3A_230, %add3A_358 : vector<16xi32>
        %select_n3A_360 = arith.select %lt3A_356, %add3A_359, %get3A_230 : vector<16xi1>, vector<16xi32>
        %reshape3A_361 = vector.shape_cast %select_n3A_360 : vector<16xi32> to vector<16x1xi32>
        %gather3A_362 = vector.shape_cast %reshape3A_361 : vector<16x1xi32> to vector<16xi32>
        %gather3A_363 = tpu.dynamic_gather %get3A_282[%gather3A_362] in [0] : vector<16xf32>, vector<16xi32> -> vector<16xf32>
        %swap3A_364 = arith.index_cast %scan3A_277 : i32 to index
        %swap3A_365 = arith.constant 336 : index
        %swap3A_366 = tpu.vector_load %arg9[%swap3A_364, %swap3A_365] {strides = array<i32>} : memref<64x512xf32, #tpu.memory_space<vmem>>, vector<1x16xf32>,
        %swap3A_367 = vector.shape_cast %swap3A_366 : vector<1x16xf32> to vector<16xf32>
        %swap3A_368 = vector.shape_cast %gather3A_363 : vector<16xf32> to vector<1x16xf32>
        tpu.vector_store %arg9[%swap3A_364, %swap3A_365], %swap3A_368 {strides = array<i32>} : memref<64x512xf32, #tpu.memory_space<vmem>>, vector<1x16xf32>,
        %lt3A_369 = arith.constant 0 : i32
        %lt3A_370 = vector.broadcast %lt3A_369 : i32 to vector<16xi32>
        %lt3A_371 = arith.cmpi slt, %get3A_233, %lt3A_370 : vector<16xi32>
        %add3A_372 = arith.constant 16 : i32
        %add3A_373 = vector.broadcast %add3A_372 : i32 to vector<16xi32>
        %add3A_374 = arith.addi %get3A_233, %add3A_373 : vector<16xi32>
        %select_n3A_375 = arith.select %lt3A_371, %add3A_374, %get3A_233 : vector<16xi1>, vector<16xi32>
        %reshape3A_376 = vector.shape_cast %select_n3A_375 : vector<16xi32> to vector<16x1xi32>
        %gather3A_377 = vector.shape_cast %reshape3A_376 : vector<16x1xi32> to vector<16xi32>
        %gather3A_378 = tpu.dynamic_gather %get3A_282[%gather3A_377] in [0] : vector<16xf32>, vector<16xi32> -> vector<16xf32>
        %swap3A_379 = arith.index_cast %scan3A_277 : i32 to index
        %swap3A_380 = arith.constant 352 : index
        %swap3A_381 = tpu.vector_load %arg9[%swap3A_379, %swap3A_380] {strides = array<i32>} : memref<64x512xf32, #tpu.memory_space<vmem>>, vector<1x16xf32>,
        %swap3A_382 = vector.shape_cast %swap3A_381 : vector<1x16xf32> to vector<16xf32>
        %swap3A_383 = vector.shape_cast %gather3A_378 : vector<16xf32> to vector<1x16xf32>
        tpu.vector_store %arg9[%swap3A_379, %swap3A_380], %swap3A_383 {strides = array<i32>} : memref<64x512xf32, #tpu.memory_space<vmem>>, vector<1x16xf32>,
        %lt3A_384 = arith.constant 0 : i32
        %lt3A_385 = vector.broadcast %lt3A_384 : i32 to vector<16xi32>
        %lt3A_386 = arith.cmpi slt, %get3A_236, %lt3A_385 : vector<16xi32>
        %add3A_387 = arith.constant 16 : i32
        %add3A_388 = vector.broadcast %add3A_387 : i32 to vector<16xi32>
        %add3A_389 = arith.addi %get3A_236, %add3A_388 : vector<16xi32>
        %select_n3A_390 = arith.select %lt3A_386, %add3A_389, %get3A_236 : vector<16xi1>, vector<16xi32>
        %reshape3A_391 = vector.shape_cast %select_n3A_390 : vector<16xi32> to vector<16x1xi32>
        %gather3A_392 = vector.shape_cast %reshape3A_391 : vector<16x1xi32> to vector<16xi32>
        %gather3A_393 = tpu.dynamic_gather %get3A_282[%gather3A_392] in [0] : vector<16xf32>, vector<16xi32> -> vector<16xf32>
        %swap3A_394 = arith.index_cast %scan3A_277 : i32 to index
        %swap3A_395 = arith.constant 368 : index
        %swap3A_396 = tpu.vector_load %arg9[%swap3A_394, %swap3A_395] {strides = array<i32>} : memref<64x512xf32, #tpu.memory_space<vmem>>, vector<1x16xf32>,
        %swap3A_397 = vector.shape_cast %swap3A_396 : vector<1x16xf32> to vector<16xf32>
        %swap3A_398 = vector.shape_cast %gather3A_393 : vector<16xf32> to vector<1x16xf32>
        tpu.vector_store %arg9[%swap3A_394, %swap3A_395], %swap3A_398 {strides = array<i32>} : memref<64x512xf32, #tpu.memory_space<vmem>>, vector<1x16xf32>,
        %lt3A_399 = arith.constant 0 : i32
        %lt3A_400 = vector.broadcast %lt3A_399 : i32 to vector<16xi32>
        %lt3A_401 = arith.cmpi slt, %get3A_239, %lt3A_400 : vector<16xi32>
        %add3A_402 = arith.constant 16 : i32
        %add3A_403 = vector.broadcast %add3A_402 : i32 to vector<16xi32>
        %add3A_404 = arith.addi %get3A_239, %add3A_403 : vector<16xi32>
        %select_n3A_405 = arith.select %lt3A_401, %add3A_404, %get3A_239 : vector<16xi1>, vector<16xi32>
        %reshape3A_406 = vector.shape_cast %select_n3A_405 : vector<16xi32> to vector<16x1xi32>
        %gather3A_407 = vector.shape_cast %reshape3A_406 : vector<16x1xi32> to vector<16xi32>
        %gather3A_408 = tpu.dynamic_gather %get3A_282[%gather3A_407] in [0] : vector<16xf32>, vector<16xi32> -> vector<16xf32>
        %swap3A_409 = arith.index_cast %scan3A_277 : i32 to index
        %swap3A_410 = arith.constant 384 : index
        %swap3A_411 = tpu.vector_load %arg9[%swap3A_409, %swap3A_410] {strides = array<i32>} : memref<64x512xf32, #tpu.memory_space<vmem>>, vector<1x16xf32>,
        %swap3A_412 = vector.shape_cast %swap3A_411 : vector<1x16xf32> to vector<16xf32>
        %swap3A_413 = vector.shape_cast %gather3A_408 : vector<16xf32> to vector<1x16xf32>
        tpu.vector_store %arg9[%swap3A_409, %swap3A_410], %swap3A_413 {strides = array<i32>} : memref<64x512xf32, #tpu.memory_space<vmem>>, vector<1x16xf32>,
        %lt3A_414 = arith.constant 0 : i32
        %lt3A_415 = vector.broadcast %lt3A_414 : i32 to vector<16xi32>
        %lt3A_416 = arith.cmpi slt, %get3A_242, %lt3A_415 : vector<16xi32>
        %add3A_417 = arith.constant 16 : i32
        %add3A_418 = vector.broadcast %add3A_417 : i32 to vector<16xi32>
        %add3A_419 = arith.addi %get3A_242, %add3A_418 : vector<16xi32>
        %select_n3A_420 = arith.select %lt3A_416, %add3A_419, %get3A_242 : vector<16xi1>, vector<16xi32>
        %reshape3A_421 = vector.shape_cast %select_n3A_420 : vector<16xi32> to vector<16x1xi32>
        %gather3A_422 = vector.shape_cast %reshape3A_421 : vector<16x1xi32> to vector<16xi32>
        %gather3A_423 = tpu.dynamic_gather %get3A_282[%gather3A_422] in [0] : vector<16xf32>, vector<16xi32> -> vector<16xf32>
        %swap3A_424 = arith.index_cast %scan3A_277 : i32 to index
        %swap3A_425 = arith.constant 400 : index
        %swap3A_426 = tpu.vector_load %arg9[%swap3A_424, %swap3A_425] {strides = array<i32>} : memref<64x512xf32, #tpu.memory_space<vmem>>, vector<1x16xf32>,
        %swap3A_427 = vector.shape_cast %swap3A_426 : vector<1x16xf32> to vector<16xf32>
        %swap3A_428 = vector.shape_cast %gather3A_423 : vector<16xf32> to vector<1x16xf32>
        tpu.vector_store %arg9[%swap3A_424, %swap3A_425], %swap3A_428 {strides = array<i32>} : memref<64x512xf32, #tpu.memory_space<vmem>>, vector<1x16xf32>,
        %lt3A_429 = arith.constant 0 : i32
        %lt3A_430 = vector.broadcast %lt3A_429 : i32 to vector<16xi32>
        %lt3A_431 = arith.cmpi slt, %get3A_245, %lt3A_430 : vector<16xi32>
        %add3A_432 = arith.constant 16 : i32
        %add3A_433 = vector.broadcast %add3A_432 : i32 to vector<16xi32>
        %add3A_434 = arith.addi %get3A_245, %add3A_433 : vector<16xi32>
        %select_n3A_435 = arith.select %lt3A_431, %add3A_434, %get3A_245 : vector<16xi1>, vector<16xi32>
        %reshape3A_436 = vector.shape_cast %select_n3A_435 : vector<16xi32> to vector<16x1xi32>
        %gather3A_437 = vector.shape_cast %reshape3A_436 : vector<16x1xi32> to vector<16xi32>
        %gather3A_438 = tpu.dynamic_gather %get3A_282[%gather3A_437] in [0] : vector<16xf32>, vector<16xi32> -> vector<16xf32>
        %swap3A_439 = arith.index_cast %scan3A_277 : i32 to index
        %swap3A_440 = arith.constant 416 : index
        %swap3A_441 = tpu.vector_load %arg9[%swap3A_439, %swap3A_440] {strides = array<i32>} : memref<64x512xf32, #tpu.memory_space<vmem>>, vector<1x16xf32>,
        %swap3A_442 = vector.shape_cast %swap3A_441 : vector<1x16xf32> to vector<16xf32>
        %swap3A_443 = vector.shape_cast %gather3A_438 : vector<16xf32> to vector<1x16xf32>
        tpu.vector_store %arg9[%swap3A_439, %swap3A_440], %swap3A_443 {strides = array<i32>} : memref<64x512xf32, #tpu.memory_space<vmem>>, vector<1x16xf32>,
        %lt3A_444 = arith.constant 0 : i32
        %lt3A_445 = vector.broadcast %lt3A_444 : i32 to vector<16xi32>
        %lt3A_446 = arith.cmpi slt, %get3A_248, %lt3A_445 : vector<16xi32>
        %add3A_447 = arith.constant 16 : i32
        %add3A_448 = vector.broadcast %add3A_447 : i32 to vector<16xi32>
        %add3A_449 = arith.addi %get3A_248, %add3A_448 : vector<16xi32>
        %select_n3A_450 = arith.select %lt3A_446, %add3A_449, %get3A_248 : vector<16xi1>, vector<16xi32>
        %reshape3A_451 = vector.shape_cast %select_n3A_450 : vector<16xi32> to vector<16x1xi32>
        %gather3A_452 = vector.shape_cast %reshape3A_451 : vector<16x1xi32> to vector<16xi32>
        %gather3A_453 = tpu.dynamic_gather %get3A_282[%gather3A_452] in [0] : vector<16xf32>, vector<16xi32> -> vector<16xf32>
        %swap3A_454 = arith.index_cast %scan3A_277 : i32 to index
        %swap3A_455 = arith.constant 432 : index
        %swap3A_456 = tpu.vector_load %arg9[%swap3A_454, %swap3A_455] {strides = array<i32>} : memref<64x512xf32, #tpu.memory_space<vmem>>, vector<1x16xf32>,
        %swap3A_457 = vector.shape_cast %swap3A_456 : vector<1x16xf32> to vector<16xf32>
        %swap3A_458 = vector.shape_cast %gather3A_453 : vector<16xf32> to vector<1x16xf32>
        tpu.vector_store %arg9[%swap3A_454, %swap3A_455], %swap3A_458 {strides = array<i32>} : memref<64x512xf32, #tpu.memory_space<vmem>>, vector<1x16xf32>,
        %lt3A_459 = arith.constant 0 : i32
        %lt3A_460 = vector.broadcast %lt3A_459 : i32 to vector<16xi32>
        %lt3A_461 = arith.cmpi slt, %get3A_251, %lt3A_460 : vector<16xi32>
        %add3A_462 = arith.constant 16 : i32
        %add3A_463 = vector.broadcast %add3A_462 : i32 to vector<16xi32>
        %add3A_464 = arith.addi %get3A_251, %add3A_463 : vector<16xi32>
        %select_n3A_465 = arith.select %lt3A_461, %add3A_464, %get3A_251 : vector<16xi1>, vector<16xi32>
        %reshape3A_466 = vector.shape_cast %select_n3A_465 : vector<16xi32> to vector<16x1xi32>
        %gather3A_467 = vector.shape_cast %reshape3A_466 : vector<16x1xi32> to vector<16xi32>
        %gather3A_468 = tpu.dynamic_gather %get3A_282[%gather3A_467] in [0] : vector<16xf32>, vector<16xi32> -> vector<16xf32>
        %swap3A_469 = arith.index_cast %scan3A_277 : i32 to index
        %swap3A_470 = arith.constant 448 : index
        %swap3A_471 = tpu.vector_load %arg9[%swap3A_469, %swap3A_470] {strides = array<i32>} : memref<64x512xf32, #tpu.memory_space<vmem>>, vector<1x16xf32>,
        %swap3A_472 = vector.shape_cast %swap3A_471 : vector<1x16xf32> to vector<16xf32>
        %swap3A_473 = vector.shape_cast %gather3A_468 : vector<16xf32> to vector<1x16xf32>
        tpu.vector_store %arg9[%swap3A_469, %swap3A_470], %swap3A_473 {strides = array<i32>} : memref<64x512xf32, #tpu.memory_space<vmem>>, vector<1x16xf32>,
        %lt3A_474 = arith.constant 0 : i32
        %lt3A_475 = vector.broadcast %lt3A_474 : i32 to vector<16xi32>
        %lt3A_476 = arith.cmpi slt, %get3A_254, %lt3A_475 : vector<16xi32>
        %add3A_477 = arith.constant 16 : i32
        %add3A_478 = vector.broadcast %add3A_477 : i32 to vector<16xi32>
        %add3A_479 = arith.addi %get3A_254, %add3A_478 : vector<16xi32>
        %select_n3A_480 = arith.select %lt3A_476, %add3A_479, %get3A_254 : vector<16xi1>, vector<16xi32>
        %reshape3A_481 = vector.shape_cast %select_n3A_480 : vector<16xi32> to vector<16x1xi32>
        %gather3A_482 = vector.shape_cast %reshape3A_481 : vector<16x1xi32> to vector<16xi32>
        %gather3A_483 = tpu.dynamic_gather %get3A_282[%gather3A_482] in [0] : vector<16xf32>, vector<16xi32> -> vector<16xf32>
        %swap3A_484 = arith.index_cast %scan3A_277 : i32 to index
        %swap3A_485 = arith.constant 464 : index
        %swap3A_486 = tpu.vector_load %arg9[%swap3A_484, %swap3A_485] {strides = array<i32>} : memref<64x512xf32, #tpu.memory_space<vmem>>, vector<1x16xf32>,
        %swap3A_487 = vector.shape_cast %swap3A_486 : vector<1x16xf32> to vector<16xf32>
        %swap3A_488 = vector.shape_cast %gather3A_483 : vector<16xf32> to vector<1x16xf32>
        tpu.vector_store %arg9[%swap3A_484, %swap3A_485], %swap3A_488 {strides = array<i32>} : memref<64x512xf32, #tpu.memory_space<vmem>>, vector<1x16xf32>,
        %lt3A_489 = arith.constant 0 : i32
        %lt3A_490 = vector.broadcast %lt3A_489 : i32 to vector<16xi32>
        %lt3A_491 = arith.cmpi slt, %get3A_257, %lt3A_490 : vector<16xi32>
        %add3A_492 = arith.constant 16 : i32
        %add3A_493 = vector.broadcast %add3A_492 : i32 to vector<16xi32>
        %add3A_494 = arith.addi %get3A_257, %add3A_493 : vector<16xi32>
        %select_n3A_495 = arith.select %lt3A_491, %add3A_494, %get3A_257 : vector<16xi1>, vector<16xi32>
        %reshape3A_496 = vector.shape_cast %select_n3A_495 : vector<16xi32> to vector<16x1xi32>
        %gather3A_497 = vector.shape_cast %reshape3A_496 : vector<16x1xi32> to vector<16xi32>
        %gather3A_498 = tpu.dynamic_gather %get3A_282[%gather3A_497] in [0] : vector<16xf32>, vector<16xi32> -> vector<16xf32>
        %swap3A_499 = arith.index_cast %scan3A_277 : i32 to index
        %swap3A_500 = arith.constant 480 : index
        %swap3A_501 = tpu.vector_load %arg9[%swap3A_499, %swap3A_500] {strides = array<i32>} : memref<64x512xf32, #tpu.memory_space<vmem>>, vector<1x16xf32>,
        %swap3A_502 = vector.shape_cast %swap3A_501 : vector<1x16xf32> to vector<16xf32>
        %swap3A_503 = vector.shape_cast %gather3A_498 : vector<16xf32> to vector<1x16xf32>
        tpu.vector_store %arg9[%swap3A_499, %swap3A_500], %swap3A_503 {strides = array<i32>} : memref<64x512xf32, #tpu.memory_space<vmem>>, vector<1x16xf32>,
        %lt3A_504 = arith.constant 0 : i32
        %lt3A_505 = vector.broadcast %lt3A_504 : i32 to vector<16xi32>
        %lt3A_506 = arith.cmpi slt, %get3A_260, %lt3A_505 : vector<16xi32>
        %add3A_507 = arith.constant 16 : i32
        %add3A_508 = vector.broadcast %add3A_507 : i32 to vector<16xi32>
        %add3A_509 = arith.addi %get3A_260, %add3A_508 : vector<16xi32>
        %select_n3A_510 = arith.select %lt3A_506, %add3A_509, %get3A_260 : vector<16xi1>, vector<16xi32>
        %reshape3A_511 = vector.shape_cast %select_n3A_510 : vector<16xi32> to vector<16x1xi32>
        %gather3A_512 = vector.shape_cast %reshape3A_511 : vector<16x1xi32> to vector<16xi32>
        %gather3A_513 = tpu.dynamic_gather %get3A_282[%gather3A_512] in [0] : vector<16xf32>, vector<16xi32> -> vector<16xf32>
        %swap3A_514 = arith.index_cast %scan3A_277 : i32 to index
        %swap3A_515 = arith.constant 496 : index
        %swap3A_516 = tpu.vector_load %arg9[%swap3A_514, %swap3A_515] {strides = array<i32>} : memref<64x512xf32, #tpu.memory_space<vmem>>, vector<1x16xf32>,
        %swap3A_517 = vector.shape_cast %swap3A_516 : vector<1x16xf32> to vector<16xf32>
        %swap3A_518 = vector.shape_cast %gather3A_513 : vector<16xf32> to vector<1x16xf32>
        tpu.vector_store %arg9[%swap3A_514, %swap3A_515], %swap3A_518 {strides = array<i32>} : memref<64x512xf32, #tpu.memory_space<vmem>>, vector<1x16xf32>,
        %scan3A_519 = arith.constant 1 : i32
        %scan3A_520 = arith.addi %scan3A_277, %scan3A_519 : i32
        %mul3A_521 = arith.constant 16 : i32
        %mul3A_522 = arith.muli %scan3A_520, %mul3A_521 : i32
        %multiple_of3A_523 = tpu.assume_multiple %mul3A_522, 16 : i32
        %get3A_524 = arith.index_cast %multiple_of3A_523 : i32 to index
        %get3A_525 = tpu.vector_load %arg5[%get3A_524] {strides = array<i32>} : memref<1024xf32, #tpu.memory_space<vmem>>, vector<16xf32>,
        %get3A_526 = vector.shape_cast %get3A_525 : vector<16xf32> to vector<16xf32>
        %lt3A_527 = arith.constant 0 : i32
        %lt3A_528 = vector.broadcast %lt3A_527 : i32 to vector<16xi32>
        %lt3A_529 = arith.cmpi slt, %get3A_215, %lt3A_528 : vector<16xi32>
        %add3A_530 = arith.constant 16 : i32
        %add3A_531 = vector.broadcast %add3A_530 : i32 to vector<16xi32>
        %add3A_532 = arith.addi %get3A_215, %add3A_531 : vector<16xi32>
        %select_n3A_533 = arith.select %lt3A_529, %add3A_532, %get3A_215 : vector<16xi1>, vector<16xi32>
        %reshape3A_534 = vector.shape_cast %select_n3A_533 : vector<16xi32> to vector<16x1xi32>
        %gather3A_535 = vector.shape_cast %reshape3A_534 : vector<16x1xi32> to vector<16xi32>
        %gather3A_536 = tpu.dynamic_gather %get3A_526[%gather3A_535] in [0] : vector<16xf32>, vector<16xi32> -> vector<16xf32>
        %swap3A_537 = arith.index_cast %scan3A_520 : i32 to index
        %swap3A_538 = arith.constant 256 : index
        %swap3A_539 = tpu.vector_load %arg9[%swap3A_537, %swap3A_538] {strides = array<i32>} : memref<64x512xf32, #tpu.memory_space<vmem>>, vector<1x16xf32>,
        %swap3A_540 = vector.shape_cast %swap3A_539 : vector<1x16xf32> to vector<16xf32>
        %swap3A_541 = vector.shape_cast %gather3A_536 : vector<16xf32> to vector<1x16xf32>
        tpu.vector_store %arg9[%swap3A_537, %swap3A_538], %swap3A_541 {strides = array<i32>} : memref<64x512xf32, #tpu.memory_space<vmem>>, vector<1x16xf32>,
        %lt3A_542 = arith.constant 0 : i32
        %lt3A_543 = vector.broadcast %lt3A_542 : i32 to vector<16xi32>
        %lt3A_544 = arith.cmpi slt, %get3A_218, %lt3A_543 : vector<16xi32>
        %add3A_545 = arith.constant 16 : i32
        %add3A_546 = vector.broadcast %add3A_545 : i32 to vector<16xi32>
        %add3A_547 = arith.addi %get3A_218, %add3A_546 : vector<16xi32>
        %select_n3A_548 = arith.select %lt3A_544, %add3A_547, %get3A_218 : vector<16xi1>, vector<16xi32>
        %reshape3A_549 = vector.shape_cast %select_n3A_548 : vector<16xi32> to vector<16x1xi32>
        %gather3A_550 = vector.shape_cast %reshape3A_549 : vector<16x1xi32> to vector<16xi32>
        %gather3A_551 = tpu.dynamic_gather %get3A_526[%gather3A_550] in [0] : vector<16xf32>, vector<16xi32> -> vector<16xf32>
        %swap3A_552 = arith.index_cast %scan3A_520 : i32 to index
        %swap3A_553 = arith.constant 272 : index
        %swap3A_554 = tpu.vector_load %arg9[%swap3A_552, %swap3A_553] {strides = array<i32>} : memref<64x512xf32, #tpu.memory_space<vmem>>, vector<1x16xf32>,
        %swap3A_555 = vector.shape_cast %swap3A_554 : vector<1x16xf32> to vector<16xf32>
        %swap3A_556 = vector.shape_cast %gather3A_551 : vector<16xf32> to vector<1x16xf32>
        tpu.vector_store %arg9[%swap3A_552, %swap3A_553], %swap3A_556 {strides = array<i32>} : memref<64x512xf32, #tpu.memory_space<vmem>>, vector<1x16xf32>,
        %lt3A_557 = arith.constant 0 : i32
        %lt3A_558 = vector.broadcast %lt3A_557 : i32 to vector<16xi32>
        %lt3A_559 = arith.cmpi slt, %get3A_221, %lt3A_558 : vector<16xi32>
        %add3A_560 = arith.constant 16 : i32
        %add3A_561 = vector.broadcast %add3A_560 : i32 to vector<16xi32>
        %add3A_562 = arith.addi %get3A_221, %add3A_561 : vector<16xi32>
        %select_n3A_563 = arith.select %lt3A_559, %add3A_562, %get3A_221 : vector<16xi1>, vector<16xi32>
        %reshape3A_564 = vector.shape_cast %select_n3A_563 : vector<16xi32> to vector<16x1xi32>
        %gather3A_565 = vector.shape_cast %reshape3A_564 : vector<16x1xi32> to vector<16xi32>
        %gather3A_566 = tpu.dynamic_gather %get3A_526[%gather3A_565] in [0] : vector<16xf32>, vector<16xi32> -> vector<16xf32>
        %swap3A_567 = arith.index_cast %scan3A_520 : i32 to index
        %swap3A_568 = arith.constant 288 : index
        %swap3A_569 = tpu.vector_load %arg9[%swap3A_567, %swap3A_568] {strides = array<i32>} : memref<64x512xf32, #tpu.memory_space<vmem>>, vector<1x16xf32>,
        %swap3A_570 = vector.shape_cast %swap3A_569 : vector<1x16xf32> to vector<16xf32>
        %swap3A_571 = vector.shape_cast %gather3A_566 : vector<16xf32> to vector<1x16xf32>
        tpu.vector_store %arg9[%swap3A_567, %swap3A_568], %swap3A_571 {strides = array<i32>} : memref<64x512xf32, #tpu.memory_space<vmem>>, vector<1x16xf32>,
        %lt3A_572 = arith.constant 0 : i32
        %lt3A_573 = vector.broadcast %lt3A_572 : i32 to vector<16xi32>
        %lt3A_574 = arith.cmpi slt, %get3A_224, %lt3A_573 : vector<16xi32>
        %add3A_575 = arith.constant 16 : i32
        %add3A_576 = vector.broadcast %add3A_575 : i32 to vector<16xi32>
        %add3A_577 = arith.addi %get3A_224, %add3A_576 : vector<16xi32>
        %select_n3A_578 = arith.select %lt3A_574, %add3A_577, %get3A_224 : vector<16xi1>, vector<16xi32>
        %reshape3A_579 = vector.shape_cast %select_n3A_578 : vector<16xi32> to vector<16x1xi32>
        %gather3A_580 = vector.shape_cast %reshape3A_579 : vector<16x1xi32> to vector<16xi32>
        %gather3A_581 = tpu.dynamic_gather %get3A_526[%gather3A_580] in [0] : vector<16xf32>, vector<16xi32> -> vector<16xf32>
        %swap3A_582 = arith.index_cast %scan3A_520 : i32 to index
        %swap3A_583 = arith.constant 304 : index
        %swap3A_584 = tpu.vector_load %arg9[%swap3A_582, %swap3A_583] {strides = array<i32>} : memref<64x512xf32, #tpu.memory_space<vmem>>, vector<1x16xf32>,
        %swap3A_585 = vector.shape_cast %swap3A_584 : vector<1x16xf32> to vector<16xf32>
        %swap3A_586 = vector.shape_cast %gather3A_581 : vector<16xf32> to vector<1x16xf32>
        tpu.vector_store %arg9[%swap3A_582, %swap3A_583], %swap3A_586 {strides = array<i32>} : memref<64x512xf32, #tpu.memory_space<vmem>>, vector<1x16xf32>,
        %lt3A_587 = arith.constant 0 : i32
        %lt3A_588 = vector.broadcast %lt3A_587 : i32 to vector<16xi32>
        %lt3A_589 = arith.cmpi slt, %get3A_227, %lt3A_588 : vector<16xi32>
        %add3A_590 = arith.constant 16 : i32
        %add3A_591 = vector.broadcast %add3A_590 : i32 to vector<16xi32>
        %add3A_592 = arith.addi %get3A_227, %add3A_591 : vector<16xi32>
        %select_n3A_593 = arith.select %lt3A_589, %add3A_592, %get3A_227 : vector<16xi1>, vector<16xi32>
        %reshape3A_594 = vector.shape_cast %select_n3A_593 : vector<16xi32> to vector<16x1xi32>
        %gather3A_595 = vector.shape_cast %reshape3A_594 : vector<16x1xi32> to vector<16xi32>
        %gather3A_596 = tpu.dynamic_gather %get3A_526[%gather3A_595] in [0] : vector<16xf32>, vector<16xi32> -> vector<16xf32>
        %swap3A_597 = arith.index_cast %scan3A_520 : i32 to index
        %swap3A_598 = arith.constant 320 : index
        %swap3A_599 = tpu.vector_load %arg9[%swap3A_597, %swap3A_598] {strides = array<i32>} : memref<64x512xf32, #tpu.memory_space<vmem>>, vector<1x16xf32>,
        %swap3A_600 = vector.shape_cast %swap3A_599 : vector<1x16xf32> to vector<16xf32>
        %swap3A_601 = vector.shape_cast %gather3A_596 : vector<16xf32> to vector<1x16xf32>
        tpu.vector_store %arg9[%swap3A_597, %swap3A_598], %swap3A_601 {strides = array<i32>} : memref<64x512xf32, #tpu.memory_space<vmem>>, vector<1x16xf32>,
        %lt3A_602 = arith.constant 0 : i32
        %lt3A_603 = vector.broadcast %lt3A_602 : i32 to vector<16xi32>
        %lt3A_604 = arith.cmpi slt, %get3A_230, %lt3A_603 : vector<16xi32>
        %add3A_605 = arith.constant 16 : i32
        %add3A_606 = vector.broadcast %add3A_605 : i32 to vector<16xi32>
        %add3A_607 = arith.addi %get3A_230, %add3A_606 : vector<16xi32>
        %select_n3A_608 = arith.select %lt3A_604, %add3A_607, %get3A_230 : vector<16xi1>, vector<16xi32>
        %reshape3A_609 = vector.shape_cast %select_n3A_608 : vector<16xi32> to vector<16x1xi32>
        %gather3A_610 = vector.shape_cast %reshape3A_609 : vector<16x1xi32> to vector<16xi32>
        %gather3A_611 = tpu.dynamic_gather %get3A_526[%gather3A_610] in [0] : vector<16xf32>, vector<16xi32> -> vector<16xf32>
        %swap3A_612 = arith.index_cast %scan3A_520 : i32 to index
        %swap3A_613 = arith.constant 336 : index
        %swap3A_614 = tpu.vector_load %arg9[%swap3A_612, %swap3A_613] {strides = array<i32>} : memref<64x512xf32, #tpu.memory_space<vmem>>, vector<1x16xf32>,
        %swap3A_615 = vector.shape_cast %swap3A_614 : vector<1x16xf32> to vector<16xf32>
        %swap3A_616 = vector.shape_cast %gather3A_611 : vector<16xf32> to vector<1x16xf32>
        tpu.vector_store %arg9[%swap3A_612, %swap3A_613], %swap3A_616 {strides = array<i32>} : memref<64x512xf32, #tpu.memory_space<vmem>>, vector<1x16xf32>,
        %lt3A_617 = arith.constant 0 : i32
        %lt3A_618 = vector.broadcast %lt3A_617 : i32 to vector<16xi32>
        %lt3A_619 = arith.cmpi slt, %get3A_233, %lt3A_618 : vector<16xi32>
        %add3A_620 = arith.constant 16 : i32
        %add3A_621 = vector.broadcast %add3A_620 : i32 to vector<16xi32>
        %add3A_622 = arith.addi %get3A_233, %add3A_621 : vector<16xi32>
        %select_n3A_623 = arith.select %lt3A_619, %add3A_622, %get3A_233 : vector<16xi1>, vector<16xi32>
        %reshape3A_624 = vector.shape_cast %select_n3A_623 : vector<16xi32> to vector<16x1xi32>
        %gather3A_625 = vector.shape_cast %reshape3A_624 : vector<16x1xi32> to vector<16xi32>
        %gather3A_626 = tpu.dynamic_gather %get3A_526[%gather3A_625] in [0] : vector<16xf32>, vector<16xi32> -> vector<16xf32>
        %swap3A_627 = arith.index_cast %scan3A_520 : i32 to index
        %swap3A_628 = arith.constant 352 : index
        %swap3A_629 = tpu.vector_load %arg9[%swap3A_627, %swap3A_628] {strides = array<i32>} : memref<64x512xf32, #tpu.memory_space<vmem>>, vector<1x16xf32>,
        %swap3A_630 = vector.shape_cast %swap3A_629 : vector<1x16xf32> to vector<16xf32>
        %swap3A_631 = vector.shape_cast %gather3A_626 : vector<16xf32> to vector<1x16xf32>
        tpu.vector_store %arg9[%swap3A_627, %swap3A_628], %swap3A_631 {strides = array<i32>} : memref<64x512xf32, #tpu.memory_space<vmem>>, vector<1x16xf32>,
        %lt3A_632 = arith.constant 0 : i32
        %lt3A_633 = vector.broadcast %lt3A_632 : i32 to vector<16xi32>
        %lt3A_634 = arith.cmpi slt, %get3A_236, %lt3A_633 : vector<16xi32>
        %add3A_635 = arith.constant 16 : i32
        %add3A_636 = vector.broadcast %add3A_635 : i32 to vector<16xi32>
        %add3A_637 = arith.addi %get3A_236, %add3A_636 : vector<16xi32>
        %select_n3A_638 = arith.select %lt3A_634, %add3A_637, %get3A_236 : vector<16xi1>, vector<16xi32>
        %reshape3A_639 = vector.shape_cast %select_n3A_638 : vector<16xi32> to vector<16x1xi32>
        %gather3A_640 = vector.shape_cast %reshape3A_639 : vector<16x1xi32> to vector<16xi32>
        %gather3A_641 = tpu.dynamic_gather %get3A_526[%gather3A_640] in [0] : vector<16xf32>, vector<16xi32> -> vector<16xf32>
        %swap3A_642 = arith.index_cast %scan3A_520 : i32 to index
        %swap3A_643 = arith.constant 368 : index
        %swap3A_644 = tpu.vector_load %arg9[%swap3A_642, %swap3A_643] {strides = array<i32>} : memref<64x512xf32, #tpu.memory_space<vmem>>, vector<1x16xf32>,
        %swap3A_645 = vector.shape_cast %swap3A_644 : vector<1x16xf32> to vector<16xf32>
        %swap3A_646 = vector.shape_cast %gather3A_641 : vector<16xf32> to vector<1x16xf32>
        tpu.vector_store %arg9[%swap3A_642, %swap3A_643], %swap3A_646 {strides = array<i32>} : memref<64x512xf32, #tpu.memory_space<vmem>>, vector<1x16xf32>,
        %lt3A_647 = arith.constant 0 : i32
        %lt3A_648 = vector.broadcast %lt3A_647 : i32 to vector<16xi32>
        %lt3A_649 = arith.cmpi slt, %get3A_239, %lt3A_648 : vector<16xi32>
        %add3A_650 = arith.constant 16 : i32
        %add3A_651 = vector.broadcast %add3A_650 : i32 to vector<16xi32>
        %add3A_652 = arith.addi %get3A_239, %add3A_651 : vector<16xi32>
        %select_n3A_653 = arith.select %lt3A_649, %add3A_652, %get3A_239 : vector<16xi1>, vector<16xi32>
        %reshape3A_654 = vector.shape_cast %select_n3A_653 : vector<16xi32> to vector<16x1xi32>
        %gather3A_655 = vector.shape_cast %reshape3A_654 : vector<16x1xi32> to vector<16xi32>
        %gather3A_656 = tpu.dynamic_gather %get3A_526[%gather3A_655] in [0] : vector<16xf32>, vector<16xi32> -> vector<16xf32>
        %swap3A_657 = arith.index_cast %scan3A_520 : i32 to index
        %swap3A_658 = arith.constant 384 : index
        %swap3A_659 = tpu.vector_load %arg9[%swap3A_657, %swap3A_658] {strides = array<i32>} : memref<64x512xf32, #tpu.memory_space<vmem>>, vector<1x16xf32>,
        %swap3A_660 = vector.shape_cast %swap3A_659 : vector<1x16xf32> to vector<16xf32>
        %swap3A_661 = vector.shape_cast %gather3A_656 : vector<16xf32> to vector<1x16xf32>
        tpu.vector_store %arg9[%swap3A_657, %swap3A_658], %swap3A_661 {strides = array<i32>} : memref<64x512xf32, #tpu.memory_space<vmem>>, vector<1x16xf32>,
        %lt3A_662 = arith.constant 0 : i32
        %lt3A_663 = vector.broadcast %lt3A_662 : i32 to vector<16xi32>
        %lt3A_664 = arith.cmpi slt, %get3A_242, %lt3A_663 : vector<16xi32>
        %add3A_665 = arith.constant 16 : i32
        %add3A_666 = vector.broadcast %add3A_665 : i32 to vector<16xi32>
        %add3A_667 = arith.addi %get3A_242, %add3A_666 : vector<16xi32>
        %select_n3A_668 = arith.select %lt3A_664, %add3A_667, %get3A_242 : vector<16xi1>, vector<16xi32>
        %reshape3A_669 = vector.shape_cast %select_n3A_668 : vector<16xi32> to vector<16x1xi32>
        %gather3A_670 = vector.shape_cast %reshape3A_669 : vector<16x1xi32> to vector<16xi32>
        %gather3A_671 = tpu.dynamic_gather %get3A_526[%gather3A_670] in [0] : vector<16xf32>, vector<16xi32> -> vector<16xf32>
        %swap3A_672 = arith.index_cast %scan3A_520 : i32 to index
        %swap3A_673 = arith.constant 400 : index
        %swap3A_674 = tpu.vector_load %arg9[%swap3A_672, %swap3A_673] {strides = array<i32>} : memref<64x512xf32, #tpu.memory_space<vmem>>, vector<1x16xf32>,
        %swap3A_675 = vector.shape_cast %swap3A_674 : vector<1x16xf32> to vector<16xf32>
        %swap3A_676 = vector.shape_cast %gather3A_671 : vector<16xf32> to vector<1x16xf32>
        tpu.vector_store %arg9[%swap3A_672, %swap3A_673], %swap3A_676 {strides = array<i32>} : memref<64x512xf32, #tpu.memory_space<vmem>>, vector<1x16xf32>,
        %lt3A_677 = arith.constant 0 : i32
        %lt3A_678 = vector.broadcast %lt3A_677 : i32 to vector<16xi32>
        %lt3A_679 = arith.cmpi slt, %get3A_245, %lt3A_678 : vector<16xi32>
        %add3A_680 = arith.constant 16 : i32
        %add3A_681 = vector.broadcast %add3A_680 : i32 to vector<16xi32>
        %add3A_682 = arith.addi %get3A_245, %add3A_681 : vector<16xi32>
        %select_n3A_683 = arith.select %lt3A_679, %add3A_682, %get3A_245 : vector<16xi1>, vector<16xi32>
        %reshape3A_684 = vector.shape_cast %select_n3A_683 : vector<16xi32> to vector<16x1xi32>
        %gather3A_685 = vector.shape_cast %reshape3A_684 : vector<16x1xi32> to vector<16xi32>
        %gather3A_686 = tpu.dynamic_gather %get3A_526[%gather3A_685] in [0] : vector<16xf32>, vector<16xi32> -> vector<16xf32>
        %swap3A_687 = arith.index_cast %scan3A_520 : i32 to index
        %swap3A_688 = arith.constant 416 : index
        %swap3A_689 = tpu.vector_load %arg9[%swap3A_687, %swap3A_688] {strides = array<i32>} : memref<64x512xf32, #tpu.memory_space<vmem>>, vector<1x16xf32>,
        %swap3A_690 = vector.shape_cast %swap3A_689 : vector<1x16xf32> to vector<16xf32>
        %swap3A_691 = vector.shape_cast %gather3A_686 : vector<16xf32> to vector<1x16xf32>
        tpu.vector_store %arg9[%swap3A_687, %swap3A_688], %swap3A_691 {strides = array<i32>} : memref<64x512xf32, #tpu.memory_space<vmem>>, vector<1x16xf32>,
        %lt3A_692 = arith.constant 0 : i32
        %lt3A_693 = vector.broadcast %lt3A_692 : i32 to vector<16xi32>
        %lt3A_694 = arith.cmpi slt, %get3A_248, %lt3A_693 : vector<16xi32>
        %add3A_695 = arith.constant 16 : i32
        %add3A_696 = vector.broadcast %add3A_695 : i32 to vector<16xi32>
        %add3A_697 = arith.addi %get3A_248, %add3A_696 : vector<16xi32>
        %select_n3A_698 = arith.select %lt3A_694, %add3A_697, %get3A_248 : vector<16xi1>, vector<16xi32>
        %reshape3A_699 = vector.shape_cast %select_n3A_698 : vector<16xi32> to vector<16x1xi32>
        %gather3A_700 = vector.shape_cast %reshape3A_699 : vector<16x1xi32> to vector<16xi32>
        %gather3A_701 = tpu.dynamic_gather %get3A_526[%gather3A_700] in [0] : vector<16xf32>, vector<16xi32> -> vector<16xf32>
        %swap3A_702 = arith.index_cast %scan3A_520 : i32 to index
        %swap3A_703 = arith.constant 432 : index
        %swap3A_704 = tpu.vector_load %arg9[%swap3A_702, %swap3A_703] {strides = array<i32>} : memref<64x512xf32, #tpu.memory_space<vmem>>, vector<1x16xf32>,
        %swap3A_705 = vector.shape_cast %swap3A_704 : vector<1x16xf32> to vector<16xf32>
        %swap3A_706 = vector.shape_cast %gather3A_701 : vector<16xf32> to vector<1x16xf32>
        tpu.vector_store %arg9[%swap3A_702, %swap3A_703], %swap3A_706 {strides = array<i32>} : memref<64x512xf32, #tpu.memory_space<vmem>>, vector<1x16xf32>,
        %lt3A_707 = arith.constant 0 : i32
        %lt3A_708 = vector.broadcast %lt3A_707 : i32 to vector<16xi32>
        %lt3A_709 = arith.cmpi slt, %get3A_251, %lt3A_708 : vector<16xi32>
        %add3A_710 = arith.constant 16 : i32
        %add3A_711 = vector.broadcast %add3A_710 : i32 to vector<16xi32>
        %add3A_712 = arith.addi %get3A_251, %add3A_711 : vector<16xi32>
        %select_n3A_713 = arith.select %lt3A_709, %add3A_712, %get3A_251 : vector<16xi1>, vector<16xi32>
        %reshape3A_714 = vector.shape_cast %select_n3A_713 : vector<16xi32> to vector<16x1xi32>
        %gather3A_715 = vector.shape_cast %reshape3A_714 : vector<16x1xi32> to vector<16xi32>
        %gather3A_716 = tpu.dynamic_gather %get3A_526[%gather3A_715] in [0] : vector<16xf32>, vector<16xi32> -> vector<16xf32>
        %swap3A_717 = arith.index_cast %scan3A_520 : i32 to index
        %swap3A_718 = arith.constant 448 : index
        %swap3A_719 = tpu.vector_load %arg9[%swap3A_717, %swap3A_718] {strides = array<i32>} : memref<64x512xf32, #tpu.memory_space<vmem>>, vector<1x16xf32>,
        %swap3A_720 = vector.shape_cast %swap3A_719 : vector<1x16xf32> to vector<16xf32>
        %swap3A_721 = vector.shape_cast %gather3A_716 : vector<16xf32> to vector<1x16xf32>
        tpu.vector_store %arg9[%swap3A_717, %swap3A_718], %swap3A_721 {strides = array<i32>} : memref<64x512xf32, #tpu.memory_space<vmem>>, vector<1x16xf32>,
        %lt3A_722 = arith.constant 0 : i32
        %lt3A_723 = vector.broadcast %lt3A_722 : i32 to vector<16xi32>
        %lt3A_724 = arith.cmpi slt, %get3A_254, %lt3A_723 : vector<16xi32>
        %add3A_725 = arith.constant 16 : i32
        %add3A_726 = vector.broadcast %add3A_725 : i32 to vector<16xi32>
        %add3A_727 = arith.addi %get3A_254, %add3A_726 : vector<16xi32>
        %select_n3A_728 = arith.select %lt3A_724, %add3A_727, %get3A_254 : vector<16xi1>, vector<16xi32>
        %reshape3A_729 = vector.shape_cast %select_n3A_728 : vector<16xi32> to vector<16x1xi32>
        %gather3A_730 = vector.shape_cast %reshape3A_729 : vector<16x1xi32> to vector<16xi32>
        %gather3A_731 = tpu.dynamic_gather %get3A_526[%gather3A_730] in [0] : vector<16xf32>, vector<16xi32> -> vector<16xf32>
        %swap3A_732 = arith.index_cast %scan3A_520 : i32 to index
        %swap3A_733 = arith.constant 464 : index
        %swap3A_734 = tpu.vector_load %arg9[%swap3A_732, %swap3A_733] {strides = array<i32>} : memref<64x512xf32, #tpu.memory_space<vmem>>, vector<1x16xf32>,
        %swap3A_735 = vector.shape_cast %swap3A_734 : vector<1x16xf32> to vector<16xf32>
        %swap3A_736 = vector.shape_cast %gather3A_731 : vector<16xf32> to vector<1x16xf32>
        tpu.vector_store %arg9[%swap3A_732, %swap3A_733], %swap3A_736 {strides = array<i32>} : memref<64x512xf32, #tpu.memory_space<vmem>>, vector<1x16xf32>,
        %lt3A_737 = arith.constant 0 : i32
        %lt3A_738 = vector.broadcast %lt3A_737 : i32 to vector<16xi32>
        %lt3A_739 = arith.cmpi slt, %get3A_257, %lt3A_738 : vector<16xi32>
        %add3A_740 = arith.constant 16 : i32
        %add3A_741 = vector.broadcast %add3A_740 : i32 to vector<16xi32>
        %add3A_742 = arith.addi %get3A_257, %add3A_741 : vector<16xi32>
        %select_n3A_743 = arith.select %lt3A_739, %add3A_742, %get3A_257 : vector<16xi1>, vector<16xi32>
        %reshape3A_744 = vector.shape_cast %select_n3A_743 : vector<16xi32> to vector<16x1xi32>
        %gather3A_745 = vector.shape_cast %reshape3A_744 : vector<16x1xi32> to vector<16xi32>
        %gather3A_746 = tpu.dynamic_gather %get3A_526[%gather3A_745] in [0] : vector<16xf32>, vector<16xi32> -> vector<16xf32>
        %swap3A_747 = arith.index_cast %scan3A_520 : i32 to index
        %swap3A_748 = arith.constant 480 : index
        %swap3A_749 = tpu.vector_load %arg9[%swap3A_747, %swap3A_748] {strides = array<i32>} : memref<64x512xf32, #tpu.memory_space<vmem>>, vector<1x16xf32>,
        %swap3A_750 = vector.shape_cast %swap3A_749 : vector<1x16xf32> to vector<16xf32>
        %swap3A_751 = vector.shape_cast %gather3A_746 : vector<16xf32> to vector<1x16xf32>
        tpu.vector_store %arg9[%swap3A_747, %swap3A_748], %swap3A_751 {strides = array<i32>} : memref<64x512xf32, #tpu.memory_space<vmem>>, vector<1x16xf32>,
        %lt3A_752 = arith.constant 0 : i32
        %lt3A_753 = vector.broadcast %lt3A_752 : i32 to vector<16xi32>
        %lt3A_754 = arith.cmpi slt, %get3A_260, %lt3A_753 : vector<16xi32>
        %add3A_755 = arith.constant 16 : i32
        %add3A_756 = vector.broadcast %add3A_755 : i32 to vector<16xi32>
        %add3A_757 = arith.addi %get3A_260, %add3A_756 : vector<16xi32>
        %select_n3A_758 = arith.select %lt3A_754, %add3A_757, %get3A_260 : vector<16xi1>, vector<16xi32>
        %reshape3A_759 = vector.shape_cast %select_n3A_758 : vector<16xi32> to vector<16x1xi32>
        %gather3A_760 = vector.shape_cast %reshape3A_759 : vector<16x1xi32> to vector<16xi32>
        %gather3A_761 = tpu.dynamic_gather %get3A_526[%gather3A_760] in [0] : vector<16xf32>, vector<16xi32> -> vector<16xf32>
        %swap3A_762 = arith.index_cast %scan3A_520 : i32 to index
        %swap3A_763 = arith.constant 496 : index
        %swap3A_764 = tpu.vector_load %arg9[%swap3A_762, %swap3A_763] {strides = array<i32>} : memref<64x512xf32, #tpu.memory_space<vmem>>, vector<1x16xf32>,
        %swap3A_765 = vector.shape_cast %swap3A_764 : vector<1x16xf32> to vector<16xf32>
        %swap3A_766 = vector.shape_cast %gather3A_761 : vector<16xf32> to vector<1x16xf32>
        tpu.vector_store %arg9[%swap3A_762, %swap3A_763], %swap3A_766 {strides = array<i32>} : memref<64x512xf32, #tpu.memory_space<vmem>>, vector<1x16xf32>,
      }
      %scan3A_265 = arith.constant 64 : i32
      %mul3A_266 = arith.constant 64 : i32
      %mul3A_267 = arith.muli %add3A_149, %mul3A_266 : i32
      %dma_start3A_268 = tpu.memref_slice %arg4[%mul3A_267, %mul3A_2] : memref<12800x16384xf32, #tpu.memory_space<hbm>> -> memref<64x512xf32, #tpu.memory_space<hbm>>
      %dma_start3A_269 = tpu.memref_slice %arg4[%mul3A_267, %mul3A_2] : memref<12800x16384xf32, #tpu.memory_space<hbm>> -> memref<64x512xf32, #tpu.memory_space<hbm>>
      tpu.enqueue_dma source(%arg9 : memref<64x512xf32, #tpu.memory_space<vmem>>) target(%dma_start3A_269 : memref<64x512xf32, #tpu.memory_space<hbm>>) target_semaphore(%arg14 : memref<!tpu.dma_semaphore, #tpu.memory_space<semaphore_mem>>)
      %add3A_270 = arith.constant 2 : i32
      %add3A_271 = arith.addi %add3A_149, %add3A_270 : i32
      %lt3A_272 = arith.constant 200 : i32
      %lt3A_273 = arith.cmpi slt, %add3A_271, %lt3A_272 : i32
      %convert_element_type3A_274 = arith.extui %lt3A_273 : i1 to i32
      %cond3A_275 = arith.constant 0 : i32
      %cond3A_276 = arith.cmpi ne, %convert_element_type3A_274, %cond3A_275 : i32
      scf.if %cond3A_276 {
        %add3A_277 = arith.constant 2 : i32
        %add3A_278 = arith.addi %add3A_149, %add3A_277 : i32
        %mul3A_279 = arith.constant 16384 : i32
        %mul3A_280 = arith.muli %add3A_278, %mul3A_279 : i32
        %add3A_281 = arith.addi %mul3A_280, %mul3A_2 : i32
        %dma_start3A_282 = tpu.memref_slice %arg2[%add3A_281] : memref<3276800xi32, #tpu.memory_space<hbm>> -> memref<512xi32, #tpu.memory_space<hbm>>
        %dma_start3A_283 = tpu.memref_slice %arg2[%add3A_281] : memref<3276800xi32, #tpu.memory_space<hbm>> -> memref<512xi32, #tpu.memory_space<hbm>>
        tpu.enqueue_dma source(%dma_start3A_283 : memref<512xi32, #tpu.memory_space<hbm>>) target(%arg7 : memref<512xi32, #tpu.memory_space<vmem>>) target_semaphore(%arg12 : memref<!tpu.dma_semaphore, #tpu.memory_space<semaphore_mem>>)
      } else {
      }
    }
    %scan3A_13 = arith.constant 100 : i32
    %dma_wait3A = arith.constant 12672 : i32
    %dma_wait3A_14 = tpu.memref_slice %arg4[%dma_wait3A, %mul3A_2] : memref<12800x16384xf32, #tpu.memory_space<hbm>> -> memref<64x512xf32, #tpu.memory_space<hbm>>
    %dma_wait3A_15 = arith.constant 12672 : i32
    %dma_wait3A_16 = tpu.memref_slice %arg4[%dma_wait3A_15, %mul3A_2] : memref<12800x16384xf32, #tpu.memory_space<hbm>> -> memref<64x512xf32, #tpu.memory_space<hbm>>
    tpu.wait_dma2 semaphore(%arg13 : memref<!tpu.dma_semaphore, #tpu.memory_space<semaphore_mem>>) src(%arg8 : memref<64x512xf32, #tpu.memory_space<vmem>>) dst(%dma_wait3A_16 : memref<64x512xf32, #tpu.memory_space<hbm>>)
    %dma_wait3A_17 = arith.constant 12736 : i32
    %dma_wait3A_18 = tpu.memref_slice %arg4[%dma_wait3A_17, %mul3A_2] : memref<12800x16384xf32, #tpu.memory_space<hbm>> -> memref<64x512xf32, #tpu.memory_space<hbm>>
    %dma_wait3A_19 = arith.constant 12736 : i32
    %dma_wait3A_20 = tpu.memref_slice %arg4[%dma_wait3A_19, %mul3A_2] : memref<12800x16384xf32, #tpu.memory_space<hbm>> -> memref<64x512xf32, #tpu.memory_space<hbm>>
    tpu.wait_dma2 semaphore(%arg14 : memref<!tpu.dma_semaphore, #tpu.memory_space<semaphore_mem>>) src(%arg9 : memref<64x512xf32, #tpu.memory_space<vmem>>) dst(%dma_wait3A_20 : memref<64x512xf32, #tpu.memory_space<hbm>>)
    return
  }
}

</mosaic_0001>

<sc_bundles>
// kernel: _sc_lookup.3.cloned.1.call-start
scs
__scs_entry_jumppad:
0x0: {  	(pc) =	sbr.rel $0x88, $3  }
0x1: {  	(tag) =	ssettag $0x0;
	lr =	simm.s32 $0x1  }
0x2: {  	[smem:$0x3F9F] =	sst lr;
	_ =	strace $0xD0000000  }
0x3: {  	_ = 	snop  }
0x4: {  	_ = 	snop  }
0x5: {  	_ = 	snop  }
0x6: {  	_ = 	snop  }
0x7: {  	_ = 	snop  }
__scs_overlays_trampoline_lowered:
0x8: {  	[smem:$0x3FAE] =	sst s0  }
0x9: {  	[smem:$0x3FAF] =	sst s1  }
0xa: {  	[smem:$0x3FB0] =	sst s2  }
0xb: {  	[smem:$0x3FB1] =	sst s3  }
0xc: {  	[smem:$0x3FB2] =	sst s4  }
0xd: {  	[smem:$0x3FB3] =	sst s5  }
0xe: {  	[smem:$0x3FB4] =	sst s6  }
0xf: {  	[smem:$0x3FB5] =	sst s7  }
0x10: {  	[smem:$0x3FB6] =	sst s8  }
0x11: {  	[smem:$0x3FB7] =	sst s9;
	s0 =	simm.s32 @!p0 $0x0  }
0x12: {  	s1 =	sld [smem:$0x3F9D];
	s0 =	simm.s32 @p0 $0x1  }
0x13: {  	[smem:$0x3FB8] =	sst s0;
	s0 =	simm.s32 @!p1 $0x0  }
0x14: {  	s2 =	sld [smem:$0x3F9C];
	s0 =	simm.s32 @p1 $0x1  }
0x15: {  	[smem:$0x3FB9] =	sst s0;
	s0 =	simm.s32 @!p2 $0x0  }
0x16: {  	s3 =	sld [smem:$0x3FDB];
	s0 =	simm.s32 @p2 $0x1  }
0x17: {  	s4 =	simm.s32 $0x1BF5;
	[smem:$0x3FBB] =	sst s0  }
0x18: {  	s0 =	sld [smem:$0x3F9E];
	_ =	swait.ge [sflag:s4], $0x0  }
0x19: {  	s7 =	sld [smem:$0x3F9F]  }
0x1a: {  	s8 =	sadd.s32 $0xFFFFE003, lr  }
0x1b: {  	s9 =	sadd.s32 $0xFFFFFEF7, lr;
	s5 =	simm.s32 $0xFFFFFFFF;
	p2 =	slt.u32 s8, $0xFFFFF086  }
0x1c: {  	p1 =	slt.u32 s9, $0xF7A;
	s5 =	simm.s32 @!p2 $0x0  }
0x1d: {  	s5 =	simm.s32 @p1 $0x1;
	p0 =	seq.s32 s7, s2  }
0x1e: {  	s7 =	smul.u32 @!p0 $0xF7A, s2;
	p2 =	seq.s32 @!p0 s5, $0x0  }
0x1f: {  	s9 =	smul.u32 $0xF7A, s1;
	s8 =	simm.s32 @!p0 $0x1BF5;
	p2 =	por !p2, p0  }
0x20: {  	[sflag:s8] =	ssyncset.s32 @!p0 $0xFFFFF086;
	s6 =	sadd.s32 @!p0 s3, s7;
	s7 =	simm.s32 @!p0 $0x108  }
0x21: {  	s3 =	sadd.s32 s3, s9;
	s6 =	sadd.s32 @!p0 $0x88, s6;
	s7 =	simm.s32 @p2 $0x1082  }
0x22: {  	[simem:s7], [sflag:s8] =	dma.local @!p0 [hbm:s6], $0xF7A  }
0x23: {  	s9 =	sor.u32 $0xD0000000, s2;
	s6 =	simm.s32 $0x108;
	_ =	swait.ge @!p0 [sflag:s8], $0x0  }
0x24: {  	s3 =	sadd.s32 $0x88, s3;
	s6 =	simm.s32 @!p1 $0x1082;
	[sflag:s4] =	ssyncset.s32 $0xFFFFF086  }
0x25: {  	[simem:s6], [sflag:s4] =	dma.local [hbm:s3], $0xF7A  }
0x26: {  	[smem:$0x3F9F] =	sst s1;
	(tag) =	ssettag s2;
	_ =	strace s9  }
0x27: {  	s1 =	sld [smem:$0x3FAF]  }
0x28: {  	s2 =	sld [smem:$0x3FB0]  }
0x29: {  	s4 =	sld [smem:$0x3FB2]  }
0x2a: {  	p0 =	seq.s32 s5, $0x0;
	s5 =	sld [smem:$0x3FB3]  }
0x2b: {  	s6 =	sld [smem:$0x3FB4]  }
0x2c: {  	s7 =	sld [smem:$0x3FB5]  }
0x2d: {  	s3 =	simm.s32 $0x108;
	s8 =	sld [smem:$0x3FB6]  }
0x2e: {  	s3 =	simm.s32 @!p0 $0x1082;
	s9 =	sld [smem:$0x3FB7]  }
0x2f: {  	lr =	sadd.s32 s0, s3;
	s0 =	sld [smem:$0x3FAE]  }
0x30: {  	s3 =	sld [smem:$0x3FB1]  }
0x31: {  	[smem:$0x3FBA] =	sst s10  }
0x32: {  	s10 =	sld [smem:$0x3FB8];
	_ =	sdelay $0x3  }
0x33: {  	p0 =	seq.s32 s10, $0x1;
	s10 =	sld [smem:$0x3FBA];
	_ =	sdelay $0x3  }
0x34: {  	[smem:$0x3FBA] =	sst s10  }
0x35: {  	s10 =	sld [smem:$0x3FB9];
	_ =	sdelay $0x3  }
0x36: {  	p1 =	seq.s32 s10, $0x1;
	s10 =	sld [smem:$0x3FBA];
	_ =	sdelay $0x3  }
0x37: {  	[smem:$0x3FBA] =	sst s10  }
0x38: {  	s10 =	sld [smem:$0x3FBB]  }
0x39: {  	_ = 	snop;
	(pc) =	sbr.ind lr, $3  }
0x3a: {  	_ = 	snop  }
0x3b: {  	_ = 	snop  }
0x3c: {  	p2 =	seq.s32 s10, $0x1;
	s10 =	sld [smem:$0x3FBA]  }
0x3d: {  	_ =	shalt  }
0x3e: {  	_ =	shalt  }
0x3f: {  	_ =	shalt  }
0x40: {  	_ =	shalt  }
0x41: {  	_ =	shalt  }
0x42: {  	_ =	shalt  }
0x43: {  	_ =	shalt  }
0x44: {  	_ =	shalt  }
0x45: {  	_ =	shalt  }
0x46: {  	_ =	shalt  }
0x47: {  	_ =	shalt  }
0x48: {  	_ =	shalt  }
0x49: {  	_ =	shalt  }
0x4a: {  	_ =	shalt  }
0x4b: {  	_ =	shalt  }
0x4c: {  	_ =	shalt  }
0x4d: {  	_ =	shalt  }
0x4e: {  	_ =	shalt  }
0x4f: {  	_ =	shalt  }
0x50: {  	_ =	shalt  }
0x51: {  	_ =	shalt  }
0x52: {  	_ =	shalt  }
0x53: {  	_ =	shalt  }
0x54: {  	_ =	shalt  }
0x55: {  	_ =	shalt  }
0x56: {  	_ =	shalt  }
0x57: {  	_ =	shalt  }
0x58: {  	_ =	shalt  }
0x59: {  	_ =	shalt  }
0x5a: {  	_ =	shalt  }
0x5b: {  	_ =	shalt  }
0x5c: {  	_ =	shalt  }
0x5d: {  	_ =	shalt  }
0x5e: {  	_ =	shalt  }
0x5f: {  	_ =	shalt  }
0x60: {  	_ =	shalt  }
0x61: {  	_ =	shalt  }
0x62: {  	_ =	shalt  }
0x63: {  	_ =	shalt  }
0x64: {  	_ =	shalt  }
0x65: {  	_ =	shalt  }
0x66: {  	_ =	shalt  }
0x67: {  	_ =	shalt  }
0x68: {  	_ =	shalt  }
0x69: {  	_ =	shalt  }
0x6a: {  	_ =	shalt  }
0x6b: {  	_ =	shalt  }
0x6c: {  	_ =	shalt  }
0x6d: {  	_ =	shalt  }
0x6e: {  	_ =	shalt  }
0x6f: {  	_ =	shalt  }
0x70: {  	_ =	shalt  }
0x71: {  	_ =	shalt  }
0x72: {  	_ =	shalt  }
0x73: {  	_ =	shalt  }
0x74: {  	_ =	shalt  }
0x75: {  	_ =	shalt  }
0x76: {  	_ =	shalt  }
0x77: {  	_ =	shalt  }
0x78: {  	_ =	shalt  }
0x79: {  	_ =	shalt  }
0x7a: {  	_ =	shalt  }
0x7b: {  	_ =	shalt  }
0x7c: {  	_ =	shalt  }
0x7d: {  	_ =	shalt  }
0x7e: {  	_ =	shalt  }
0x7f: {  	_ =	shalt  }
0x80: {  	_ =	shalt  }
0x81: {  	_ =	shalt  }
0x82: {  	_ =	shalt  }
0x83: {  	_ =	shalt  }
0x84: {  	_ =	shalt  }
0x85: {  	_ =	shalt  }
0x86: {  	_ =	shalt  }
0x87: {  	_ =	shalt  }
.Lfunc_end0:
.L_simem_size_0:
called_computation_lowered:
.L_overlay_start_0:
0x88: {  	s2 =	sld [smem:$0x3FD9]  }
0x89: {  	s3 =	sld [smem:$0x3FFE];
	_ =	sdelay $0x1  }
0x8a: {  	s1 =	srdreg.scid  }
0x8b: {  	s0 =	sand.u32 $0x1, s1  }
0x8c: {  	s18 =	sshll.u32 s0, $0xA;
	s2 =	sadd.s32 s3, s2  }
0x8d: {  	s2 =	sadd.s32 s2, s18  }
0x8e: {  	[smem:$0x3FC6] =	sst s2  }
0x8f: {  	_ = 	snop  }
0x90: {  	s2 =	sld [smem:$0x3FC9]  }
0x91: {  	s19 =	sld [smem:$0x3FC8]  }
0x92: {  	s4 =	sld [smem:$0x3FD0];
	(tm) =	ssettm $0x1  }
0x93: {  	s5 =	sld [smem:$0x3FFB];
	_ =	sdelay $0x3  }
0x94: {  	_ =	strace s5  }
0x95: {  	s5 =	sld [smem:$0x3FFC];
	_ =	sdelay $0x3  }
0x96: {  	_ =	strace s5  }
0x97: {  	s5 =	sld [smem:$0x3FFD];
	_ =	sdelay $0x3  }
0x98: {  	_ =	strace s5  }
0x99: {  	_ =	strace $0x8FFFFFFF  }
0x9a: {  	s20 =	sld [smem:$0x3FDB];
	_ =	sdelay $0x1  }
0x9b: {  	s6 =	simm.s32 $_scs_section_size  }
0x9c: {  	s7 =	simm.s32 $_size__tile_overlayer_lowered;
	s8 =	simm.s32 $_tile_overlayer_lowered  }
0x9d: {  	s23 =	simm.s32 $0x1BFF;
	s22 =	sshll.u32 s8, $0x1;
	s5 =	sadd.s32 s6, s20  }
0x9e: {  	s9 =	simm.s32 $0x0;
	s21 =	sshll.u32 s7, $0x1;
	s7 =	sadd.s32 s22, s5  }
0x9f: {  	[timem:s9], [sflag:s23] =	dma.local [hbm:s7], s21  }
0xa0: {  	_ =	swait.ge [sflag:s23], s21  }
0xa1: {  	s6 =	ssub.s32 $0x0, s21;
	[sflag:s23] =	ssyncset.done $0x0  }
0xa2: {  	[sflag:s23] =	ssyncadd.s32 s6;
	_ =	sdelay $0x1  }
0xa3: {  	s24 =	simm.s32 $0x1B8B  }
0xa4: {  	_ =	swait.ge [sflag:s24], $0x1  }
0xa5: {  	[sflag:s24] =	ssyncset.done $0x0  }
0xa6: {  	s25 =	simm.s32 $0x1B8E;
	[sflag:s24] =	ssyncadd.s32 $0xFFFFFFFF  }
0xa7: {  	s26 =	simm.s32 $execute0_lowered;
	[smem:$0x3FD2] =	sst s25  }
0xa8: {  	s6 =	sshll.u32 s26, $0x1;
	_ =	strace $0x80000046;
	[dreg:$0x1] =	wrdreg $0xFFFFFFFF  }
0xa9: {  	s28 =	simm.s32 $_size_execute0_lowered;
	s5 =	sadd.s32 s5, s6;
	[dreg:$0x0] =	wrdreg $0x0  }
0xaa: {  	s6 =	sshll.u32 s28, $0x1;
	[dreg:$0x2] =	wrdreg s5  }
0xab: {  	[dreg:$0x3] =	wrdreg s6  }
0xac: {  	[dreg:$0x4] =	wrdreg $0xC0  }
0xad: {  	_ =	task [dreg:s9], $0x5FFFF  }
0xae: {  	[dreg:$0x1] =	wrdreg $0xFFFFFFFF  }
0xaf: {  	[dreg:$0x0] =	wrdreg $0x60  }
0xb0: {  	[dreg:$0x2] =	wrdreg s2  }
0xb1: {  	[dreg:$0x3] =	wrdreg s19  }
0xb2: {  	[dreg:$0x4] =	wrdreg s4  }
0xb3: {  	[dreg:$0x5] =	wrdreg $0x9  }
0xb4: {  	_ =	task.clear_ibuf [dreg:s9], $0x6FFFF;
	_ =	strace $0x90000046  }
0xb5: {  	s29 =	simm.s32 $0x9;
	_ =	strace $0x80000048  }
0xb6: {  	_ =	swait.ge [sflag:s29], $0x1  }
0xb7: {  	[sflag:s29] =	ssyncadd.s32 $0xFFFFFFFF  }
0xb8: {  	_ =	strace $0x90000048  }
0xb9: {  	_ =	sfence  }
0xba: {  	s30 =	sld [smem:$0x0];
	_ =	sdelay $0x2  }
0xbb: {  	s31 =	sshll.u32 s1, $0xD;
	s1 =	sshrl.u32 s1, $0x2  }
0xbc: {  	s3 =	sand.u32 $0x4000, s31;
	s1 =	sadd.s32 s1, s30  }
0xbd: {  	s0 =	sor.u32 s3, s0;
	s1 =	sshll.u32 s1, $0x11  }
0xbe: {  	s0 =	sor.u32 s1, s0  }
0xbf: {  	s0 =	sadd.s32 $0x8F2B, s0  }
0xc0: {  	[sflag:s0] =	ssyncadd.remote.s32 $0x1  }
0xc1: {  	_ =	sfence.sel $0xFFFF  }
0xc2: {  	[dreg:$0x0] =	wrdreg $0xFFFFFFFF;
	(pc) =	sbr.abs _section_cstart, $3  }
0xc3: {  	[dreg:$0x1] =	wrdreg $0xFFFFFFFF  }
0xc4: {  	_ =	task.clear_ibuf [dreg:s9], $0x2FFFF;
	_ =	strace $0x9FFFFFFF  }
0xc5: {  	(tm) =	ssettm $0x7FFFFFFF  }
tec
execute0_lowered:
.L_overlay_start_1:
0x0: {  	(tag) =	ssettag $0x1  }
0x1: {  	s1 =	rddreg [dreg:$0x0];
	s0 =	srdreg.scid  }
0x2: {  	s2 =	stileid.u32;
	s4 =	rddreg [dreg:$0x2];
	s5 =	simm.s32 $0x0  }
0x3: {  	s13 =	simm.s32 $0x400;
	s14 =	simm.s32 $0x600;
	s16 =	simm.s32 $0x2  }
0x4: {  	s17 =	simm.s32 $0x1000;
	s18 =	simm.s32 $0x20000;
	s19 =	simm.s32 $0x800  }
0x5: {  	s20 =	simm.s32 $0x3;
	s21 =	simm.s32 $0x5;
	s0 =	sand.u32 $0x1, s0  }
0x6: {  	s22 =	simm.s32 $0x8800;
	s2 =	sshll.u32 s2, $0xA;
	s3 =	sshll.u32 s0, $0x9  }
0x7: {  	[smem:$0x7FF] =	sst s5;
	s0 =	ssub.s32 $0x2, s0;
	s6 =	sor.u32 s3, s2  }
.Ltmp0:
0x8: {  	s31 =	sshrl.u32 s0, $0x1;
	s2 =	sshrl.u32 s6, $0x3;
	(pc) =	sbr.rel .LBB2_1-.Ltmp0, $4  }
0x9: {  	s11 =	sadd.s32 $0x20000, s4;
	s0 =	ssub.s32 s0, s31;
	s2 =	sadd.s32 s1, s2  }
0xa: {  	_ =	strace $0x80000047;
	s0 =	smax.u32 s0, $0x1;
	[dreg:$0x4] =	wrdreg s2  }
0xb: {  	s9 =	sor.u32 $0x8000, s6;
	s2 =	sadd.s32 $0x800, s2;
	[dreg:$0x6] =	wrdreg s0  }
0xc: {  	s10 =	sor.u32 $0xC000, s6;
	[dreg:$0x5] =	wrdreg s2;
	s2 =	simm.s32 $0x0  }
.LBB2_16:
0xd: {  	s0 =	simm.s32 $0x4  }
0xe: {  	_ =	swait.ge [sflag:s0], $0x8000  }
0xf: {  	[sflag:s0] =	ssyncset.done $0x0  }
0x10: {  	[sflag:s0] =	ssyncadd.s32 $0xFFFF8000  }
0x11: {  	_ =	swait.ge [sflag:s21], $0x8000  }
0x12: {  	s2 =	rddreg [dreg:$0x7]  }
0x13: {  	s31 =	rddreg [dreg:$0x6];
	s2 =	sadd.s32 $0x1, s2  }
0x14: {  	p0 =	sne.s32 s2, s31  }
.Ltmp1:
0x15: {  	_ = 	snop;
	(pc) =	sbr.rel @!p0 .LBB2_17-.Ltmp1, $3  }
0x16: {  	_ =	sdelay $0x1  }
0x17: {  	[sflag:s21] =	ssyncset.done $0x0  }
0x18: {  	[sflag:s21] =	ssyncadd.s32 $0xFFFF8000  }
.LBB2_1:
0x19: {  	[dreg:$0x7] =	wrdreg s2  }
0x1a: {  	s0 =	rddreg [dreg:$0x1]  }
0x1b: {  	[tilespmem:s5], [sflag:$0x1] =	stream.linear.gather [hbm4b:s0+s5], $0x400, $0x38;
	[tilespmem:$0x10800] =	vst v63  }
0x1c: {  	s29 =	rddreg [dreg:$0x4]  }
0x1d: {  	[tilespmem:s13], [sflag:$0x2] =	stream.linear.gather [hbm4b:s29+s5], $0x200, $0x38;
	[tilespmem:$0x10800] =	vst v63  }
0x1e: {  	s30 =	rddreg [dreg:$0x5];
	s31 =	simm.s32 $0x1  }
0x1f: {  	[tilespmem:s14], [sflag:$0x3] =	stream.linear.gather [hbm4b:s30+s5], $0x200, $0x38;
	[tilespmem:$0x10800] =	vst v63  }
0x20: {  	_ =	swait.ge [sflag:s31], $0x400  }
0x21: {  	[sflag:s31] =	ssyncset.done $0x0  }
0x22: {  	s25 =	simm.s32 $0x0;
	[sflag:s31] =	ssyncadd.s32 $0xFFFFFC00  }
.LBB2_2:
0x23: {  	_ =	swait.ge [sflag:s16], $0x200  }
0x24: {  	p0 =	seq.s32 s25, $0x0;
	[sflag:s16] =	ssyncset.done $0x0  }
0x25: {  	s0 =	simm.s32 @!p0 $0x4;
	[sflag:s16] =	ssyncadd.s32 $0xFFFFFE00  }
0x26: {  	_ =	swait.ge @!p0 [sflag:s0], $0x8000  }
0x27: {  	[sflag:s0] =	ssyncset.done @!p0 $0x0  }
0x28: {  	[sflag:s0] =	ssyncadd.s32 @!p0 $0xFFFF8000  }
0x29: {  	v0 =	vld [tilespmem:$0x400]  }
0x2a: {  	v1 =	vld [tilespmem:$0x410]  }
0x2b: {  	v2 =	vld [tilespmem:$0x420]  }
0x2c: {  	v4 =	vld [tilespmem:$0x430]  }
0x2d: {  	v6 =	vld [tilespmem:$0x440]  }
0x2e: {  	v7 =	vld [tilespmem:$0x450]  }
0x2f: {  	v9 =	vld [tilespmem:$0x460]  }
0x30: {  	v8 =	vld [tilespmem:$0x4F0]  }
0x31: {  	s28 =	simm.s32 $0x10;
	v11 =	vld [tilespmem:$0x480]  }
0x32: {  	v23 =	vld [tilespmem:s28+$0xFFFFFFF0]  }
0x33: {  	v16 =	vld [tilespmem:$0x4E0]  }
0x34: {  	v10 =	vld [tilespmem:$0x470];
	v5 =	vand.u32 $0xF, v0;
	v3 =	vand.u32 $0xF, v1  }
0x35: {  	s31 =	simm.s32 $0x0;
	v13 =	vld [tilespmem:$0x490];
	v0 =	vand.u32 $0xF, v8;
	v8 =	vand.u32 $0xF, v2;
	v2 =	vand.u32 $0xF, v4  }
0x36: {  	s2 =	simm.s32 $0x0;
	s0 =	sand.u32 $0x7000, s31;
	v14 =	vld [tilespmem:$0x4A0];
	v6 =	vand.u32 $0xF, v6;
	v4 =	vand.u32 $0xF, v7;
	v12 =	vand.u32 $0xF, v9  }
0x37: {  	s2 =	sand.u32 $0x300, s2;
	v20 =	vld [tilespmem:$0x4C0];
	s12 =	sor.u32 $0x800, s0;
	v1 =	vand.u32 $0xF, v11;
	v15 =	vperm.xlane v23, v0;
	v17 =	vperm.xlane v23, v5  }
0x38: {  	v18 =	vld [tilespmem:$0x4B0];
	s29 =	sor.u32 s2, s12;
	v7 =	vand.u32 $0xF, v16;
	v9 =	vperm.xlane v23, v8;
	v11 =	vperm.xlane v23, v1  }
0x39: {  	v21 =	vld [tilespmem:$0x4D0];
	v22 =	vperm.xlane v23, v7;
	v24 =	vperm.xlane v23, v6;
	[tilespmem:s29+$0x470] =	vst v15  }
0x3a: {  	v19 =	vperm.xlane v23, v2;
	v16 =	vperm.xlane v23, v12;
	[tilespmem:s29+$0x0] =	vst v17  }
0x3b: {  	v15 =	vand.u32 $0xF, v10;
	v10 =	vand.u32 $0xF, v13;
	[tilespmem:s29+$0x20] =	vst v9;
	v9 =	vand.u32 $0xF, v14  }
0x3c: {  	v17 =	vperm.xlane v23, v3;
	[tilespmem:s29+$0x400] =	vst v11;
	v11 =	vand.u32 $0xF, v20;
	v20 =	vperm.xlane v23, v4  }
0x3d: {  	v13 =	vand.u32 $0xF, v18;
	[tilespmem:s29+$0x40] =	vst v24;
	v25 =	vperm.xlane v23, v10;
	v18 =	vperm.xlane v23, v15  }
0x3e: {  	[tilespmem:s29+$0x460] =	vst v22;
	v14 =	vand.u32 $0xF, v21;
	v63 =	vperm.xlane v23, v13;
	v21 =	vperm.xlane v23, v9  }
0x3f: {  	s26 =	sshll.u32 s25, $0xF;
	s7 =	simm.s32 $0x0;
	s8 =	simm.s32 $0x400;
	v22 =	vperm.xlane v23, v11;
	v23 =	vperm.xlane v23, v14;
	[tilespmem:s29+$0x410] =	vst v25  }
0x40: {  	s3 =	simm.s32 $0x80;
	s0 =	simm.s32 $0x80;
	s2 =	simm.s32 $0x10;
	[tilespmem:s29+$0x430] =	vst v63  }
.LBB2_3:
0x41: {  	s7 =	sadd.s32 $0x2, s7;
	[tilespmem:s29+$0x450] =	vst v23;
	s0 =	sadd.s32 $0x100, s0;
	s28 =	sadd.s32 $0x20, s28  }
0x42: {  	p1 =	slt.u32 s7, $0x3E;
	[tilespmem:s29+$0x30] =	vst v19  }
0x43: {  	[tilespmem:s29+$0x10] =	vst v17  }
0x44: {  	[tilespmem:s29+$0x440] =	vst v22  }
0x45: {  	[tilespmem:s29+$0x420] =	vst v21  }
0x46: {  	[tilespmem:s29+$0x50] =	vst v20  }
0x47: {  	[tilespmem:s29+$0x70] =	vst v18  }
0x48: {  	[tilespmem:s29+$0x60] =	vst v16  }
0x49: {  	v16 =	vld [tilespmem:s2+$0x0];
	s2 =	smov.u32 s28;
	_ =	sdelay $0x4  }
0x4a: {  	s15 =	sand.u32 $0x380, s3;
	s3 =	smov.u32 s0;
	v17 =	vperm.xlane v16, v5;
	v18 =	vperm.xlane v16, v3  }
0x4b: {  	s12 =	sor.u32 s15, s12;
	v19 =	vperm.xlane v16, v8;
	v20 =	vperm.xlane v16, v2  }
0x4c: {  	v21 =	vperm.xlane v16, v4;
	[tilespmem:s12+$0x0] =	vst v17;
	v17 =	vperm.xlane v16, v6  }
0x4d: {  	v22 =	vperm.xlane v16, v15;
	[tilespmem:s12+$0x10] =	vst v18;
	v18 =	vperm.xlane v16, v12  }
0x4e: {  	v23 =	vperm.xlane v16, v10;
	[tilespmem:s12+$0x20] =	vst v19;
	v19 =	vperm.xlane v16, v1  }
0x4f: {  	v24 =	vperm.xlane v16, v13;
	[tilespmem:s12+$0x60] =	vst v18;
	v18 =	vperm.xlane v16, v9  }
0x50: {  	v25 =	vperm.xlane v16, v14;
	[tilespmem:s12+$0x70] =	vst v22;
	v22 =	vperm.xlane v16, v11  }
0x51: {  	[tilespmem:s12+$0x30] =	vst v20;
	v20 =	vperm.xlane v16, v7;
	v16 =	vperm.xlane v16, v0  }
0x52: {  	[tilespmem:s12+$0x40] =	vst v17  }
0x53: {  	[tilespmem:s12+$0x50] =	vst v21  }
0x54: {  	[tilespmem:s12+$0x470] =	vst v16  }
0x55: {  	[tilespmem:s12+$0x410] =	vst v23  }
0x56: {  	[tilespmem:s12+$0x460] =	vst v20  }
0x57: {  	[tilespmem:s12+$0x430] =	vst v24  }
0x58: {  	[tilespmem:s12+$0x400] =	vst v19  }
0x59: {  	[tilespmem:s12+$0x420] =	vst v18  }
0x5a: {  	[tilespmem:s12+$0x440] =	vst v22  }
0x5b: {  	[tilespmem:s12+$0x450] =	vst v25  }
0x5c: {  	v23 =	vld [tilespmem:s28+$0xFFFFFFF0];
	_ =	sdelay $0x3  }
0x5d: {  	s15 =	sadd.s32 $0xFFFFFF80, s0;
	s12 =	sand.u32 $0x7000, s8  }
0x5e: {  	s15 =	sand.u32 $0x300, s15;
	s12 =	sor.u32 $0x800, s12;
	v16 =	vperm.xlane v23, v5;
	v18 =	vperm.xlane v23, v0  }
0x5f: {  	s29 =	sor.u32 s15, s12;
	v20 =	vperm.xlane v23, v8;
	v24 =	vperm.xlane v23, v7  }
0x60: {  	v17 =	vperm.xlane v23, v3;
	v21 =	vperm.xlane v23, v1;
	[tilespmem:s29+$0x470] =	vst v18  }
0x61: {  	v19 =	vperm.xlane v23, v2;
	v22 =	vperm.xlane v23, v6;
	[tilespmem:s29+$0x0] =	vst v16  }
0x62: {  	v18 =	vperm.xlane v23, v15;
	v16 =	vperm.xlane v23, v12;
	[tilespmem:s29+$0x20] =	vst v20  }
.Ltmp2:
0x63: {  	v25 =	vperm.xlane v23, v10;
	v20 =	vperm.xlane v23, v4;
	[tilespmem:s29+$0x400] =	vst v21;
	(pc) =	sbr.rel @p1 .LBB2_3-.Ltmp2, $4  }
0x64: {  	v26 =	vperm.xlane v23, v13;
	v21 =	vperm.xlane v23, v9;
	[tilespmem:s29+$0x40] =	vst v22  }
0x65: {  	v22 =	vperm.xlane v23, v11;
	v23 =	vperm.xlane v23, v14;
	[tilespmem:s29+$0x460] =	vst v24  }
0x66: {  	[tilespmem:s29+$0x410] =	vst v25  }
0x67: {  	s8 =	sadd.s32 $0x400, s8;
	[tilespmem:s29+$0x430] =	vst v26  }
0x68: {  	[tilespmem:s29+$0x450] =	vst v23  }
0x69: {  	[tilespmem:s29+$0x30] =	vst v19  }
0x6a: {  	[tilespmem:s29+$0x10] =	vst v17  }
0x6b: {  	[tilespmem:s29+$0x440] =	vst v22  }
0x6c: {  	[tilespmem:s29+$0x420] =	vst v21  }
0x6d: {  	[tilespmem:s29+$0x50] =	vst v20  }
0x6e: {  	[tilespmem:s29+$0x70] =	vst v18  }
0x6f: {  	[tilespmem:s29+$0x60] =	vst v16  }
0x70: {  	v16 =	vld [tilespmem:s2+$0x0];
	_ =	sdelay $0x4  }
0x71: {  	s0 =	sand.u32 $0x380, s3;
	v5 =	vperm.xlane v16, v5  }
0x72: {  	s0 =	sor.u32 s0, s12;
	v3 =	vperm.xlane v16, v3  }
0x73: {  	v8 =	vperm.xlane v16, v8;
	[tilespmem:s0+$0x0] =	vst v5  }
0x74: {  	v2 =	vperm.xlane v16, v2;
	[tilespmem:s0+$0x10] =	vst v3  }
0x75: {  	v4 =	vperm.xlane v16, v4;
	[tilespmem:s0+$0x20] =	vst v8  }
0x76: {  	v0 =	vperm.xlane v16, v0;
	[tilespmem:s0+$0x30] =	vst v2  }
0x77: {  	v1 =	vperm.xlane v16, v1;
	[tilespmem:s0+$0x50] =	vst v4  }
0x78: {  	v3 =	vperm.xlane v16, v12;
	[tilespmem:s0+$0x470] =	vst v0  }
0x79: {  	v5 =	vperm.xlane v16, v15;
	[tilespmem:s0+$0x400] =	vst v1  }
0x7a: {  	v2 =	vperm.xlane v16, v10;
	[tilespmem:s0+$0x60] =	vst v3  }
0x7b: {  	v0 =	vperm.xlane v16, v13;
	[tilespmem:s0+$0x70] =	vst v5  }
0x7c: {  	v1 =	vperm.xlane v16, v14;
	[tilespmem:s0+$0x410] =	vst v2  }
0x7d: {  	v3 =	vperm.xlane v16, v6;
	[tilespmem:s0+$0x430] =	vst v0  }
0x7e: {  	v2 =	vperm.xlane v16, v9;
	[tilespmem:s0+$0x450] =	vst v1  }
0x7f: {  	v0 =	vperm.xlane v16, v11;
	[tilespmem:s0+$0x40] =	vst v3  }
0x80: {  	v3 =	vperm.xlane v16, v7;
	[tilespmem:s0+$0x420] =	vst v2  }
0x81: {  	[tilespmem:s0+$0x440] =	vst v0  }
0x82: {  	[tilespmem:s0+$0x460] =	vst v3  }
0x83: {  	v0 =	vld [tilespmem:$0x500]  }
0x84: {  	v2 =	vld [tilespmem:$0x510]  }
0x85: {  	v6 =	vld [tilespmem:$0x520]  }
0x86: {  	v1 =	vld [tilespmem:$0x530]  }
0x87: {  	v3 =	vld [tilespmem:$0x540]  }
0x88: {  	v7 =	vld [tilespmem:$0x550]  }
0x89: {  	v4 =	vld [tilespmem:$0x560]  }
0x8a: {  	v8 =	vld [tilespmem:$0x570]  }
0x8b: {  	s28 =	simm.s32 $0x10;
	v9 =	vld [tilespmem:$0x580]  }
0x8c: {  	v16 =	vld [tilespmem:s28+$0xFFFFFFF0]  }
0x8d: {  	v10 =	vld [tilespmem:$0x590]  }
0x8e: {  	v12 =	vld [tilespmem:$0x5A0]  }
0x8f: {  	s29 =	simm.s32 $0x0;
	v13 =	vld [tilespmem:$0x5B0]  }
0x90: {  	s8 =	simm.s32 $0x0;
	s7 =	sand.u32 $0x7000, s29;
	v14 =	vld [tilespmem:$0x5C0];
	v0 =	vand.u32 $0xF, v0  }
0x91: {  	s2 =	sand.u32 $0x300, s8;
	s0 =	sor.u32 $0x800, s7;
	v17 =	vld [tilespmem:$0x5D0];
	v1 =	vand.u32 $0xF, v1;
	v5 =	vperm.xlane v16, v0  }
0x92: {  	v18 =	vld [tilespmem:$0x5E0];
	s2 =	sor.u32 s2, s0;
	v2 =	vand.u32 $0xF, v2;
	v11 =	vperm.xlane v16, v1  }
0x93: {  	v19 =	vld [tilespmem:$0x5F0];
	v4 =	vand.u32 $0xF, v4;
	v15 =	vperm.xlane v16, v2;
	[tilespmem:s2+$0x800] =	vst v5  }
0x94: {  	v20 =	vperm.xlane v16, v4;
	v5 =	vand.u32 $0xF, v3;
	[tilespmem:s2+$0x830] =	vst v11  }
0x95: {  	v3 =	vand.u32 $0xF, v8;
	[tilespmem:s2+$0x810] =	vst v15;
	v8 =	vperm.xlane v16, v5  }
0x96: {  	v11 =	vand.u32 $0xF, v6;
	[tilespmem:s2+$0x860] =	vst v20;
	v21 =	vperm.xlane v16, v3  }
0x97: {  	s12 =	sand.u32 $0x3, s29;
	v15 =	vand.u32 $0xF, v7;
	v20 =	vperm.xlane v16, v11;
	[tilespmem:s2+$0x840] =	vst v8  }
0x98: {  	s3 =	sshll.u32 s12, $0x8;
	v6 =	vand.u32 $0xF, v9;
	v9 =	vperm.xlane v16, v15;
	[tilespmem:s2+$0x870] =	vst v21  }
0x99: {  	s3 =	sadd.s32 $0x0, s3;
	v7 =	vand.u32 $0xF, v10;
	v10 =	vperm.xlane v16, v6;
	[tilespmem:s2+$0x820] =	vst v20  }
0x9a: {  	s15 =	sor.u32 $0xC00, s3;
	v8 =	vand.u32 $0xF, v12;
	[tilespmem:s2+$0x850] =	vst v9;
	v12 =	vperm.xlane v16, v7  }
0x9b: {  	s23 =	sor.u32 $0xC10, s3;
	v9 =	vand.u32 $0xF, v13;
	[tilespmem:s15+$0x800] =	vst v10;
	v13 =	vperm.xlane v16, v8  }
0x9c: {  	s24 =	sor.u32 $0xC20, s3;
	v10 =	vand.u32 $0xF, v14;
	v14 =	vperm.xlane v16, v9;
	[tilespmem:s23+$0x800] =	vst v12  }
0x9d: {  	s7 =	sor.u32 $0xC30, s3;
	v12 =	vand.u32 $0xF, v17;
	v17 =	vperm.xlane v16, v10;
	[tilespmem:s24+$0x800] =	vst v13  }
0x9e: {  	s8 =	sor.u32 $0xC40, s3;
	v13 =	vand.u32 $0xF, v18;
	v18 =	vperm.xlane v16, v12;
	[tilespmem:s7+$0x800] =	vst v14  }
0x9f: {  	s12 =	sor.u32 $0xC50, s3;
	v14 =	vand.u32 $0xF, v19;
	[tilespmem:s8+$0x800] =	vst v17;
	v17 =	vperm.xlane v16, v13  }
0xa0: {  	s15 =	sor.u32 $0xC60, s3;
	v16 =	vperm.xlane v16, v14;
	[tilespmem:s12+$0x800] =	vst v18  }
0xa1: {  	s23 =	sor.u32 $0xC70, s3;
	[tilespmem:s15+$0x800] =	vst v17  }
0xa2: {  	[tilespmem:s23+$0x800] =	vst v16  }
0xa3: {  	v16 =	vld [tilespmem:s28+$0x0];
	_ =	sdelay $0x3  }
0xa4: {  	s30 =	simm.s32 $0x80  }
0xa5: {  	s31 =	simm.s32 $0x0;
	s24 =	sand.u32 $0x380, s30;
	v19 =	vperm.xlane v16, v0;
	v18 =	vperm.xlane v16, v2  }
0xa6: {  	s2 =	simm.s32 $0x80;
	s3 =	simm.s32 $0x480;
	s7 =	sor.u32 s24, s0;
	v21 =	vperm.xlane v16, v11;
	v17 =	vperm.xlane v16, v1  }
0xa7: {  	s0 =	simm.s32 $0x1;
	s8 =	simm.s32 $0x2;
	s12 =	simm.s32 $0x400;
	v20 =	vperm.xlane v16, v15;
	[tilespmem:s7+$0x800] =	vst v19;
	v19 =	vperm.xlane v16, v4  }
.LBB2_5:
0xa8: {  	s31 =	sadd.s32 $0x2, s31;
	[tilespmem:s7+$0x820] =	vst v21;
	v21 =	vperm.xlane v16, v5;
	v22 =	vperm.xlane v16, v3;
	s30 =	sadd.s32 $0x100, s30;
	s28 =	sadd.s32 $0x20, s28  }
0xa9: {  	p1 =	slt.u32 s31, $0x3E;
	[tilespmem:s7+$0x810] =	vst v18  }
0xaa: {  	s15 =	sand.u32 $0x7, s29;
	s29 =	smov.u32 s8;
	[tilespmem:s7+$0x850] =	vst v20  }
0xab: {  	s15 =	sshll.u32 s15, $0x7;
	v18 =	vperm.xlane v16, v6;
	[tilespmem:s7+$0x840] =	vst v21  }
0xac: {  	s15 =	sadd.s32 s15, s2;
	s2 =	smov.u32 s3;
	[tilespmem:s7+$0x860] =	vst v19  }
0xad: {  	s23 =	sor.u32 $0xC00, s15;
	[tilespmem:s7+$0x830] =	vst v17;
	v17 =	vperm.xlane v16, v7  }
0xae: {  	v19 =	vperm.xlane v16, v8;
	[tilespmem:s7+$0x870] =	vst v22;
	s7 =	sor.u32 $0xC10, s15  }
0xaf: {  	[tilespmem:s23+$0x800] =	vst v18;
	s23 =	sor.u32 $0xC20, s15;
	v18 =	vperm.xlane v16, v9  }
0xb0: {  	[tilespmem:s7+$0x800] =	vst v17;
	s7 =	sor.u32 $0xC30, s15;
	v17 =	vperm.xlane v16, v10  }
0xb1: {  	[tilespmem:s23+$0x800] =	vst v19;
	s23 =	sor.u32 $0xC40, s15;
	v19 =	vperm.xlane v16, v12  }
0xb2: {  	[tilespmem:s7+$0x800] =	vst v18;
	s7 =	sor.u32 $0xC50, s15;
	v18 =	vperm.xlane v16, v13  }
0xb3: {  	v16 =	vperm.xlane v16, v14;
	[tilespmem:s23+$0x800] =	vst v17;
	s23 =	sor.u32 $0xC60, s15  }
0xb4: {  	[tilespmem:s7+$0x800] =	vst v19;
	s7 =	sor.u32 $0xC70, s15  }
0xb5: {  	[tilespmem:s23+$0x800] =	vst v18  }
0xb6: {  	[tilespmem:s7+$0x800] =	vst v16  }
0xb7: {  	v16 =	vld [tilespmem:s28+$0xFFFFFFF0];
	_ =	sdelay $0x3  }
0xb8: {  	s15 =	sadd.s32 $0xFFFFFF80, s30;
	s7 =	sand.u32 $0x7000, s12  }
0xb9: {  	s15 =	sand.u32 $0x300, s15;
	s7 =	sor.u32 $0x800, s7;
	v17 =	vperm.xlane v16, v0;
	v18 =	vperm.xlane v16, v6  }
0xba: {  	s15 =	sor.u32 s15, s7;
	v19 =	vperm.xlane v16, v11;
	v20 =	vperm.xlane v16, v1  }
0xbb: {  	v21 =	vperm.xlane v16, v5;
	[tilespmem:s15+$0x800] =	vst v17;
	v17 =	vperm.xlane v16, v2  }
0xbc: {  	v22 =	vperm.xlane v16, v4;
	[tilespmem:s15+$0x830] =	vst v20;
	v20 =	vperm.xlane v16, v15  }
0xbd: {  	[tilespmem:s15+$0x810] =	vst v17;
	v17 =	vperm.xlane v16, v3  }
0xbe: {  	[tilespmem:s15+$0x860] =	vst v22  }
0xbf: {  	s23 =	sand.u32 $0x3, s0;
	[tilespmem:s15+$0x840] =	vst v21  }
0xc0: {  	s23 =	sshll.u32 s23, $0x8;
	[tilespmem:s15+$0x870] =	vst v17  }
0xc1: {  	s23 =	sadd.s32 s23, s12;
	[tilespmem:s15+$0x820] =	vst v19  }
0xc2: {  	v17 =	vperm.xlane v16, v7;
	[tilespmem:s15+$0x850] =	vst v20;
	s15 =	sor.u32 $0xC00, s23  }
0xc3: {  	[tilespmem:s15+$0x800] =	vst v18;
	s15 =	sor.u32 $0xC10, s23;
	v18 =	vperm.xlane v16, v8  }
0xc4: {  	[tilespmem:s15+$0x800] =	vst v17;
	s15 =	sor.u32 $0xC20, s23;
	v17 =	vperm.xlane v16, v9  }
0xc5: {  	[tilespmem:s15+$0x800] =	vst v18;
	s15 =	sor.u32 $0xC30, s23;
	v18 =	vperm.xlane v16, v10  }
0xc6: {  	[tilespmem:s15+$0x800] =	vst v17;
	s15 =	sor.u32 $0xC40, s23;
	v17 =	vperm.xlane v16, v12  }
0xc7: {  	[tilespmem:s15+$0x800] =	vst v18;
	s15 =	sor.u32 $0xC50, s23;
	v18 =	vperm.xlane v16, v13  }
0xc8: {  	v16 =	vperm.xlane v16, v14;
	[tilespmem:s15+$0x800] =	vst v17;
	s15 =	sor.u32 $0xC60, s23  }
0xc9: {  	[tilespmem:s15+$0x800] =	vst v18;
	s15 =	sor.u32 $0xC70, s23  }
0xca: {  	[tilespmem:s15+$0x800] =	vst v16  }
0xcb: {  	v16 =	vld [tilespmem:s28+$0x0];
	_ =	sdelay $0x2  }
.Ltmp3:
0xcc: {  	(pc) =	sbr.rel @p1 .LBB2_5-.Ltmp3, $4  }
0xcd: {  	_ = 	snop  }
0xce: {  	s15 =	sand.u32 $0x380, s30;
	v19 =	vperm.xlane v16, v0;
	v18 =	vperm.xlane v16, v2  }
0xcf: {  	s0 =	sadd.s32 $0x1, s0;
	s7 =	sor.u32 s15, s7;
	v21 =	vperm.xlane v16, v11;
	v17 =	vperm.xlane v16, v1  }
0xd0: {  	s8 =	sadd.s32 $0x2, s8;
	s3 =	sadd.s32 $0x400, s3;
	s12 =	sadd.s32 $0x400, s12;
	v20 =	vperm.xlane v16, v15;
	[tilespmem:s7+$0x800] =	vst v19;
	v19 =	vperm.xlane v16, v4  }
0xd1: {  	[tilespmem:s7+$0x820] =	vst v21  }
0xd2: {  	[tilespmem:s7+$0x810] =	vst v18  }
0xd3: {  	[tilespmem:s7+$0x830] =	vst v17  }
0xd4: {  	v0 =	vperm.xlane v16, v5;
	s0 =	sand.u32 $0x7, s29;
	[tilespmem:s7+$0x850] =	vst v20  }
0xd5: {  	v57 =	vperm.xlane v16, v3;
	s0 =	sshll.u32 s0, $0x7;
	[tilespmem:s7+$0x860] =	vst v19  }
0xd6: {  	v1 =	vperm.xlane v16, v6;
	[tilespmem:s7+$0x840] =	vst v0;
	s0 =	sadd.s32 s0, s2  }
0xd7: {  	v2 =	vperm.xlane v16, v7;
	[tilespmem:s7+$0x870] =	vst v57;
	s2 =	sor.u32 $0xC00, s0  }
0xd8: {  	v58 =	vperm.xlane v16, v8;
	s3 =	sor.u32 $0xC10, s0;
	[tilespmem:s2+$0x800] =	vst v1  }
0xd9: {  	v59 =	vperm.xlane v16, v9;
	s12 =	sor.u32 $0xC20, s0;
	[tilespmem:s3+$0x800] =	vst v2  }
0xda: {  	v60 =	vperm.xlane v16, v10;
	s15 =	sor.u32 $0xC30, s0;
	[tilespmem:s12+$0x800] =	vst v58  }
0xdb: {  	v61 =	vperm.xlane v16, v12;
	p1 =	sne.s32 s25, $0x63;
	s23 =	sor.u32 $0xC40, s0;
	[tilespmem:s15+$0x800] =	vst v59  }
.Ltmp4:
0xdc: {  	v62 =	vperm.xlane v16, v13;
	s24 =	sor.u32 $0xC50, s0;
	[tilespmem:s23+$0x800] =	vst v60;
	(pc) =	sbr.rel @p1 .LBB2_8-.Ltmp4, $4  }
0xdd: {  	v63 =	vperm.xlane v16, v14;
	s30 =	sshll.u32 s25, $0x12;
	s29 =	sor.u32 $0xC60, s0;
	[tilespmem:s24+$0x800] =	vst v61  }
0xde: {  	s28 =	sor.u32 s6, s30;
	s0 =	sor.u32 $0xC70, s0;
	[tilespmem:s29+$0x800] =	vst v62  }
0xdf: {  	s31 =	sadd.s32 s4, s28;
	[tilespmem:s0+$0x800] =	vst v63  }
0xe0: {  	[hbm4b:s31+s17] =	stream.strided.scatter [tilespmem:s19], [sflag:$0x4], $0x8000, s18, s17, $0x38;
	[tilespmem:$0x10800] =	vst v63  }
.Ltmp5:
0xe1: {  	(pc) =	sbr.rel .LBB2_9-.Ltmp5, $4  }
0xe2: {  	_ = 	snop  }
0xe3: {  	_ =	swait.ge [sflag:s20], $0x200  }
0xe4: {  	[sflag:s20] =	ssyncset.done $0x0  }
0xe5: {  	[sflag:s20] =	ssyncadd.s32 $0xFFFFFE00  }
.LBB2_8:
0xe6: {  	s0 =	sadd.s32 s9, s26  }
0xe7: {  	s0 =	sshrl.u32 s0, $0x3  }
.Ltmp6:
0xe8: {  	s0 =	sadd.s32 s1, s0;
	(pc) =	sbr.rel @p0 .LBB2_10-.Ltmp6, $4  }
0xe9: {  	[tilespmem:s13], [sflag:$0x2] =	stream.linear.gather [hbm4b:s0+s5], $0x200, $0x38;
	[tilespmem:$0x10800] =	vst v63  }
0xea: {  	_ =	swait.ge [sflag:s20], $0x200  }
0xeb: {  	[sflag:s20] =	ssyncset.done $0x0  }
0xec: {  	[sflag:s20] =	ssyncadd.s32 $0xFFFFFE00  }
.LBB2_9:
0xed: {  	_ =	swait.ge [sflag:s21], $0x8000  }
0xee: {  	[sflag:s21] =	ssyncset.done $0x0  }
0xef: {  	[sflag:s21] =	ssyncadd.s32 $0xFFFF8000  }
.LBB2_10:
0xf0: {  	v0 =	vld [tilespmem:$0x600]  }
0xf1: {  	v1 =	vld [tilespmem:$0x610]  }
0xf2: {  	v2 =	vld [tilespmem:$0x620]  }
0xf3: {  	v4 =	vld [tilespmem:$0x630]  }
0xf4: {  	v6 =	vld [tilespmem:$0x640]  }
0xf5: {  	v7 =	vld [tilespmem:$0x650]  }
0xf6: {  	v9 =	vld [tilespmem:$0x660]  }
0xf7: {  	v8 =	vld [tilespmem:$0x6F0]  }
0xf8: {  	v11 =	vld [tilespmem:$0x680];
	s29 =	simm.s32 $0x10  }
0xf9: {  	v23 =	vld [tilespmem:s29+$0xFFFFFFF0]  }
0xfa: {  	v16 =	vld [tilespmem:$0x6E0]  }
0xfb: {  	v10 =	vld [tilespmem:$0x670];
	v5 =	vand.u32 $0xF, v0;
	v3 =	vand.u32 $0xF, v1  }
0xfc: {  	v13 =	vld [tilespmem:$0x690];
	s0 =	simm.s32 $0x0;
	v0 =	vand.u32 $0xF, v8;
	v8 =	vand.u32 $0xF, v2;
	v2 =	vand.u32 $0xF, v4  }
0xfd: {  	v14 =	vld [tilespmem:$0x6A0];
	s2 =	simm.s32 $0x0;
	s0 =	sand.u32 $0x7000, s0;
	v6 =	vand.u32 $0xF, v6;
	v4 =	vand.u32 $0xF, v7;
	v12 =	vand.u32 $0xF, v9  }
0xfe: {  	v20 =	vld [tilespmem:$0x6C0];
	s2 =	sand.u32 $0x300, s2;
	s12 =	sor.u32 $0x8800, s0;
	v1 =	vand.u32 $0xF, v11;
	v15 =	vperm.xlane v23, v0;
	v17 =	vperm.xlane v23, v5  }
0xff: {  	v18 =	vld [tilespmem:$0x6B0];
	s30 =	sor.u32 s2, s12;
	v7 =	vand.u32 $0xF, v16;
	v9 =	vperm.xlane v23, v8;
	v11 =	vperm.xlane v23, v1  }
0x100: {  	v21 =	vld [tilespmem:$0x6D0];
	v22 =	vperm.xlane v23, v7;
	v24 =	vperm.xlane v23, v6;
	[tilespmem:s30+$0x470] =	vst v15  }
0x101: {  	v19 =	vperm.xlane v23, v2;
	v16 =	vperm.xlane v23, v12;
	[tilespmem:s30+$0x0] =	vst v17  }
0x102: {  	v15 =	vand.u32 $0xF, v10;
	v10 =	vand.u32 $0xF, v13;
	[tilespmem:s30+$0x20] =	vst v9;
	v9 =	vand.u32 $0xF, v14  }
0x103: {  	v17 =	vperm.xlane v23, v3;
	[tilespmem:s30+$0x400] =	vst v11;
	v11 =	vand.u32 $0xF, v20;
	v20 =	vperm.xlane v23, v4  }
0x104: {  	v13 =	vand.u32 $0xF, v18;
	[tilespmem:s30+$0x40] =	vst v24;
	v25 =	vperm.xlane v23, v10;
	v18 =	vperm.xlane v23, v15  }
0x105: {  	[tilespmem:s30+$0x460] =	vst v22;
	v14 =	vand.u32 $0xF, v21;
	v63 =	vperm.xlane v23, v13;
	v21 =	vperm.xlane v23, v9  }
0x106: {  	s7 =	simm.s32 $0x0;
	s8 =	simm.s32 $0x400;
	v22 =	vperm.xlane v23, v11;
	v23 =	vperm.xlane v23, v14;
	[tilespmem:s30+$0x410] =	vst v25  }
0x107: {  	s3 =	simm.s32 $0x80;
	s0 =	simm.s32 $0x80;
	s2 =	simm.s32 $0x10;
	[tilespmem:s30+$0x430] =	vst v63  }
.LBB2_11:
0x108: {  	s7 =	sadd.s32 $0x2, s7;
	[tilespmem:s30+$0x450] =	vst v23;
	s0 =	sadd.s32 $0x100, s0;
	s29 =	sadd.s32 $0x20, s29  }
0x109: {  	p0 =	slt.u32 s7, $0x3E;
	[tilespmem:s30+$0x30] =	vst v19  }
0x10a: {  	[tilespmem:s30+$0x10] =	vst v17  }
0x10b: {  	[tilespmem:s30+$0x440] =	vst v22  }
0x10c: {  	[tilespmem:s30+$0x420] =	vst v21  }
0x10d: {  	[tilespmem:s30+$0x50] =	vst v20  }
0x10e: {  	[tilespmem:s30+$0x70] =	vst v18  }
0x10f: {  	[tilespmem:s30+$0x60] =	vst v16  }
0x110: {  	v16 =	vld [tilespmem:s2+$0x0];
	s2 =	smov.u32 s29;
	_ =	sdelay $0x4  }
0x111: {  	s15 =	sand.u32 $0x380, s3;
	s3 =	smov.u32 s0;
	v17 =	vperm.xlane v16, v5;
	v18 =	vperm.xlane v16, v3  }
0x112: {  	s12 =	sor.u32 s15, s12;
	v19 =	vperm.xlane v16, v8;
	v20 =	vperm.xlane v16, v2  }
0x113: {  	v21 =	vperm.xlane v16, v4;
	[tilespmem:s12+$0x0] =	vst v17;
	v17 =	vperm.xlane v16, v6  }
0x114: {  	v22 =	vperm.xlane v16, v15;
	[tilespmem:s12+$0x10] =	vst v18;
	v18 =	vperm.xlane v16, v12  }
0x115: {  	v23 =	vperm.xlane v16, v10;
	[tilespmem:s12+$0x20] =	vst v19;
	v19 =	vperm.xlane v16, v1  }
0x116: {  	v24 =	vperm.xlane v16, v13;
	[tilespmem:s12+$0x60] =	vst v18;
	v18 =	vperm.xlane v16, v9  }
0x117: {  	v25 =	vperm.xlane v16, v14;
	[tilespmem:s12+$0x70] =	vst v22;
	v22 =	vperm.xlane v16, v11  }
0x118: {  	[tilespmem:s12+$0x30] =	vst v20;
	v20 =	vperm.xlane v16, v7;
	v16 =	vperm.xlane v16, v0  }
0x119: {  	[tilespmem:s12+$0x40] =	vst v17  }
0x11a: {  	[tilespmem:s12+$0x50] =	vst v21  }
0x11b: {  	[tilespmem:s12+$0x470] =	vst v16  }
0x11c: {  	[tilespmem:s12+$0x410] =	vst v23  }
0x11d: {  	[tilespmem:s12+$0x460] =	vst v20  }
0x11e: {  	[tilespmem:s12+$0x430] =	vst v24  }
0x11f: {  	[tilespmem:s12+$0x400] =	vst v19  }
0x120: {  	[tilespmem:s12+$0x420] =	vst v18  }
0x121: {  	[tilespmem:s12+$0x440] =	vst v22  }
0x122: {  	[tilespmem:s12+$0x450] =	vst v25  }
0x123: {  	v23 =	vld [tilespmem:s29+$0xFFFFFFF0];
	_ =	sdelay $0x3  }
0x124: {  	s15 =	sadd.s32 $0xFFFFFF80, s0;
	s12 =	sand.u32 $0x7000, s8  }
0x125: {  	s15 =	sand.u32 $0x300, s15;
	s12 =	sor.u32 $0x8800, s12;
	v16 =	vperm.xlane v23, v5;
	v18 =	vperm.xlane v23, v0  }
0x126: {  	s30 =	sor.u32 s15, s12;
	v20 =	vperm.xlane v23, v8;
	v24 =	vperm.xlane v23, v7  }
0x127: {  	v17 =	vperm.xlane v23, v3;
	v21 =	vperm.xlane v23, v1;
	[tilespmem:s30+$0x470] =	vst v18  }
0x128: {  	v19 =	vperm.xlane v23, v2;
	v22 =	vperm.xlane v23, v6;
	[tilespmem:s30+$0x0] =	vst v16  }
0x129: {  	v18 =	vperm.xlane v23, v15;
	v16 =	vperm.xlane v23, v12;
	[tilespmem:s30+$0x20] =	vst v20  }
.Ltmp7:
0x12a: {  	v25 =	vperm.xlane v23, v10;
	v20 =	vperm.xlane v23, v4;
	[tilespmem:s30+$0x400] =	vst v21;
	(pc) =	sbr.rel @p0 .LBB2_11-.Ltmp7, $4  }
0x12b: {  	v26 =	vperm.xlane v23, v13;
	v21 =	vperm.xlane v23, v9;
	[tilespmem:s30+$0x40] =	vst v22  }
0x12c: {  	v22 =	vperm.xlane v23, v11;
	v23 =	vperm.xlane v23, v14;
	[tilespmem:s30+$0x460] =	vst v24  }
0x12d: {  	[tilespmem:s30+$0x410] =	vst v25  }
0x12e: {  	s8 =	sadd.s32 $0x400, s8;
	[tilespmem:s30+$0x430] =	vst v26  }
0x12f: {  	[tilespmem:s30+$0x450] =	vst v23  }
0x130: {  	[tilespmem:s30+$0x30] =	vst v19  }
0x131: {  	[tilespmem:s30+$0x10] =	vst v17  }
0x132: {  	[tilespmem:s30+$0x440] =	vst v22  }
0x133: {  	[tilespmem:s30+$0x420] =	vst v21  }
0x134: {  	[tilespmem:s30+$0x50] =	vst v20  }
0x135: {  	[tilespmem:s30+$0x70] =	vst v18  }
0x136: {  	[tilespmem:s30+$0x60] =	vst v16  }
0x137: {  	v16 =	vld [tilespmem:s2+$0x0];
	_ =	sdelay $0x4  }
0x138: {  	s0 =	sand.u32 $0x380, s3;
	v5 =	vperm.xlane v16, v5  }
0x139: {  	s0 =	sor.u32 s0, s12;
	v3 =	vperm.xlane v16, v3  }
0x13a: {  	v8 =	vperm.xlane v16, v8;
	[tilespmem:s0+$0x0] =	vst v5  }
0x13b: {  	v2 =	vperm.xlane v16, v2;
	[tilespmem:s0+$0x10] =	vst v3  }
0x13c: {  	v4 =	vperm.xlane v16, v4;
	[tilespmem:s0+$0x20] =	vst v8  }
0x13d: {  	v0 =	vperm.xlane v16, v0;
	[tilespmem:s0+$0x30] =	vst v2  }
0x13e: {  	v1 =	vperm.xlane v16, v1;
	[tilespmem:s0+$0x50] =	vst v4  }
0x13f: {  	v3 =	vperm.xlane v16, v12;
	[tilespmem:s0+$0x470] =	vst v0  }
0x140: {  	v5 =	vperm.xlane v16, v15;
	[tilespmem:s0+$0x400] =	vst v1  }
0x141: {  	v2 =	vperm.xlane v16, v10;
	[tilespmem:s0+$0x60] =	vst v3  }
0x142: {  	v0 =	vperm.xlane v16, v13;
	[tilespmem:s0+$0x70] =	vst v5  }
0x143: {  	v1 =	vperm.xlane v16, v14;
	[tilespmem:s0+$0x410] =	vst v2  }
0x144: {  	v3 =	vperm.xlane v16, v6;
	[tilespmem:s0+$0x430] =	vst v0  }
0x145: {  	v2 =	vperm.xlane v16, v9;
	[tilespmem:s0+$0x450] =	vst v1  }
0x146: {  	v0 =	vperm.xlane v16, v11;
	[tilespmem:s0+$0x40] =	vst v3  }
0x147: {  	v3 =	vperm.xlane v16, v7;
	[tilespmem:s0+$0x420] =	vst v2  }
0x148: {  	[tilespmem:s0+$0x440] =	vst v0  }
0x149: {  	[tilespmem:s0+$0x460] =	vst v3  }
0x14a: {  	v0 =	vld [tilespmem:$0x700]  }
0x14b: {  	v2 =	vld [tilespmem:$0x710]  }
0x14c: {  	v6 =	vld [tilespmem:$0x720]  }
0x14d: {  	v1 =	vld [tilespmem:$0x730]  }
0x14e: {  	v3 =	vld [tilespmem:$0x740]  }
0x14f: {  	v7 =	vld [tilespmem:$0x750]  }
0x150: {  	v4 =	vld [tilespmem:$0x760]  }
0x151: {  	v8 =	vld [tilespmem:$0x770]  }
0x152: {  	s29 =	simm.s32 $0x10;
	v9 =	vld [tilespmem:$0x780]  }
0x153: {  	v16 =	vld [tilespmem:s29+$0xFFFFFFF0]  }
0x154: {  	v10 =	vld [tilespmem:$0x790]  }
0x155: {  	v12 =	vld [tilespmem:$0x7A0]  }
0x156: {  	s30 =	simm.s32 $0x0;
	v13 =	vld [tilespmem:$0x7B0]  }
0x157: {  	s8 =	simm.s32 $0x0;
	s7 =	sand.u32 $0x7000, s30;
	v14 =	vld [tilespmem:$0x7C0];
	v0 =	vand.u32 $0xF, v0  }
0x158: {  	s2 =	sand.u32 $0x300, s8;
	s0 =	sor.u32 $0x8800, s7;
	v17 =	vld [tilespmem:$0x7D0];
	v1 =	vand.u32 $0xF, v1;
	v5 =	vperm.xlane v16, v0  }
0x159: {  	v18 =	vld [tilespmem:$0x7E0];
	s2 =	sor.u32 s2, s0;
	v2 =	vand.u32 $0xF, v2;
	v11 =	vperm.xlane v16, v1  }
0x15a: {  	v19 =	vld [tilespmem:$0x7F0];
	v4 =	vand.u32 $0xF, v4;
	v15 =	vperm.xlane v16, v2;
	[tilespmem:s2+$0x800] =	vst v5  }
0x15b: {  	v20 =	vperm.xlane v16, v4;
	v5 =	vand.u32 $0xF, v3;
	[tilespmem:s2+$0x830] =	vst v11  }
0x15c: {  	v3 =	vand.u32 $0xF, v8;
	[tilespmem:s2+$0x810] =	vst v15;
	v8 =	vperm.xlane v16, v5  }
0x15d: {  	v11 =	vand.u32 $0xF, v6;
	[tilespmem:s2+$0x860] =	vst v20;
	v21 =	vperm.xlane v16, v3  }
0x15e: {  	s12 =	sand.u32 $0x3, s30;
	v15 =	vand.u32 $0xF, v7;
	v20 =	vperm.xlane v16, v11;
	[tilespmem:s2+$0x840] =	vst v8  }
0x15f: {  	s3 =	sshll.u32 s12, $0x8;
	v6 =	vand.u32 $0xF, v9;
	v9 =	vperm.xlane v16, v15;
	[tilespmem:s2+$0x870] =	vst v21  }
0x160: {  	s3 =	sadd.s32 $0x0, s3;
	v7 =	vand.u32 $0xF, v10;
	v10 =	vperm.xlane v16, v6;
	[tilespmem:s2+$0x820] =	vst v20  }
0x161: {  	s15 =	sor.u32 $0xC00, s3;
	v8 =	vand.u32 $0xF, v12;
	[tilespmem:s2+$0x850] =	vst v9;
	v12 =	vperm.xlane v16, v7  }
0x162: {  	s23 =	sor.u32 $0xC10, s3;
	v9 =	vand.u32 $0xF, v13;
	[tilespmem:s15+$0x8800] =	vst v10;
	v13 =	vperm.xlane v16, v8  }
0x163: {  	s24 =	sor.u32 $0xC20, s3;
	v10 =	vand.u32 $0xF, v14;
	v14 =	vperm.xlane v16, v9;
	[tilespmem:s23+$0x8800] =	vst v12  }
0x164: {  	s7 =	sor.u32 $0xC30, s3;
	v12 =	vand.u32 $0xF, v17;
	v17 =	vperm.xlane v16, v10;
	[tilespmem:s24+$0x8800] =	vst v13  }
0x165: {  	s8 =	sor.u32 $0xC40, s3;
	v13 =	vand.u32 $0xF, v18;
	v18 =	vperm.xlane v16, v12;
	[tilespmem:s7+$0x8800] =	vst v14  }
0x166: {  	s12 =	sor.u32 $0xC50, s3;
	v14 =	vand.u32 $0xF, v19;
	[tilespmem:s8+$0x8800] =	vst v17;
	v17 =	vperm.xlane v16, v13  }
0x167: {  	s15 =	sor.u32 $0xC60, s3;
	v16 =	vperm.xlane v16, v14;
	[tilespmem:s12+$0x8800] =	vst v18  }
0x168: {  	s23 =	sor.u32 $0xC70, s3;
	[tilespmem:s15+$0x8800] =	vst v17  }
0x169: {  	[tilespmem:s23+$0x8800] =	vst v16  }
0x16a: {  	v16 =	vld [tilespmem:s29+$0x0];
	_ =	sdelay $0x3  }
0x16b: {  	s31 =	simm.s32 $0x80  }
0x16c: {  	s2 =	simm.s32 $0x0;
	s24 =	sand.u32 $0x380, s31;
	v19 =	vperm.xlane v16, v0;
	v18 =	vperm.xlane v16, v2  }
0x16d: {  	s3 =	simm.s32 $0x1;
	s7 =	simm.s32 $0x400;
	s15 =	sor.u32 s24, s0;
	v21 =	vperm.xlane v16, v11;
	v17 =	vperm.xlane v16, v1  }
0x16e: {  	s8 =	simm.s32 $0x480;
	s12 =	simm.s32 $0x2;
	s0 =	simm.s32 $0x80;
	v20 =	vperm.xlane v16, v15;
	[tilespmem:s15+$0x800] =	vst v19;
	v19 =	vperm.xlane v16, v4  }
.LBB2_13:
0x16f: {  	s2 =	sadd.s32 $0x2, s2;
	[tilespmem:s15+$0x820] =	vst v21;
	v21 =	vperm.xlane v16, v5;
	v22 =	vperm.xlane v16, v3;
	s31 =	sadd.s32 $0x100, s31;
	s29 =	sadd.s32 $0x20, s29  }
0x170: {  	p0 =	slt.u32 s2, $0x3E;
	[tilespmem:s15+$0x810] =	vst v18  }
0x171: {  	s23 =	sand.u32 $0x7, s30;
	s30 =	smov.u32 s12;
	[tilespmem:s15+$0x850] =	vst v20  }
0x172: {  	s23 =	sshll.u32 s23, $0x7;
	v18 =	vperm.xlane v16, v6;
	[tilespmem:s15+$0x840] =	vst v21  }
0x173: {  	s23 =	sadd.s32 s23, s0;
	s0 =	smov.u32 s8;
	[tilespmem:s15+$0x860] =	vst v19  }
0x174: {  	s24 =	sor.u32 $0xC00, s23;
	[tilespmem:s15+$0x830] =	vst v17;
	v17 =	vperm.xlane v16, v7  }
0x175: {  	v19 =	vperm.xlane v16, v8;
	[tilespmem:s15+$0x870] =	vst v22;
	s15 =	sor.u32 $0xC10, s23  }
0x176: {  	[tilespmem:s24+$0x8800] =	vst v18;
	s24 =	sor.u32 $0xC20, s23;
	v18 =	vperm.xlane v16, v9  }
0x177: {  	[tilespmem:s15+$0x8800] =	vst v17;
	s15 =	sor.u32 $0xC30, s23;
	v17 =	vperm.xlane v16, v10  }
0x178: {  	[tilespmem:s24+$0x8800] =	vst v19;
	s24 =	sor.u32 $0xC40, s23;
	v19 =	vperm.xlane v16, v12  }
0x179: {  	[tilespmem:s15+$0x8800] =	vst v18;
	s15 =	sor.u32 $0xC50, s23;
	v18 =	vperm.xlane v16, v13  }
0x17a: {  	v16 =	vperm.xlane v16, v14;
	[tilespmem:s24+$0x8800] =	vst v17;
	s24 =	sor.u32 $0xC60, s23  }
0x17b: {  	[tilespmem:s15+$0x8800] =	vst v19;
	s15 =	sor.u32 $0xC70, s23  }
0x17c: {  	[tilespmem:s24+$0x8800] =	vst v18  }
0x17d: {  	[tilespmem:s15+$0x8800] =	vst v16  }
0x17e: {  	v16 =	vld [tilespmem:s29+$0xFFFFFFF0];
	_ =	sdelay $0x3  }
0x17f: {  	s23 =	sadd.s32 $0xFFFFFF80, s31;
	s15 =	sand.u32 $0x7000, s7  }
0x180: {  	s23 =	sand.u32 $0x300, s23;
	s15 =	sor.u32 $0x8800, s15;
	v17 =	vperm.xlane v16, v0;
	v18 =	vperm.xlane v16, v6  }
0x181: {  	s23 =	sor.u32 s23, s15;
	v19 =	vperm.xlane v16, v11;
	v20 =	vperm.xlane v16, v1  }
0x182: {  	v21 =	vperm.xlane v16, v5;
	[tilespmem:s23+$0x800] =	vst v17;
	v17 =	vperm.xlane v16, v2  }
0x183: {  	v22 =	vperm.xlane v16, v4;
	[tilespmem:s23+$0x830] =	vst v20;
	v20 =	vperm.xlane v16, v15  }
0x184: {  	[tilespmem:s23+$0x810] =	vst v17;
	v17 =	vperm.xlane v16, v3  }
0x185: {  	[tilespmem:s23+$0x860] =	vst v22  }
0x186: {  	s24 =	sand.u32 $0x3, s3;
	[tilespmem:s23+$0x840] =	vst v21  }
0x187: {  	s24 =	sshll.u32 s24, $0x8;
	[tilespmem:s23+$0x870] =	vst v17  }
0x188: {  	s24 =	sadd.s32 s24, s7;
	[tilespmem:s23+$0x820] =	vst v19  }
0x189: {  	v17 =	vperm.xlane v16, v7;
	[tilespmem:s23+$0x850] =	vst v20;
	s23 =	sor.u32 $0xC00, s24  }
0x18a: {  	[tilespmem:s23+$0x8800] =	vst v18;
	s23 =	sor.u32 $0xC10, s24;
	v18 =	vperm.xlane v16, v8  }
0x18b: {  	[tilespmem:s23+$0x8800] =	vst v17;
	s23 =	sor.u32 $0xC20, s24;
	v17 =	vperm.xlane v16, v9  }
0x18c: {  	[tilespmem:s23+$0x8800] =	vst v18;
	s23 =	sor.u32 $0xC30, s24;
	v18 =	vperm.xlane v16, v10  }
0x18d: {  	[tilespmem:s23+$0x8800] =	vst v17;
	s23 =	sor.u32 $0xC40, s24;
	v17 =	vperm.xlane v16, v12  }
0x18e: {  	[tilespmem:s23+$0x8800] =	vst v18;
	s23 =	sor.u32 $0xC50, s24;
	v18 =	vperm.xlane v16, v13  }
0x18f: {  	v16 =	vperm.xlane v16, v14;
	[tilespmem:s23+$0x8800] =	vst v17;
	s23 =	sor.u32 $0xC60, s24  }
0x190: {  	[tilespmem:s23+$0x8800] =	vst v18;
	s23 =	sor.u32 $0xC70, s24  }
0x191: {  	[tilespmem:s23+$0x8800] =	vst v16  }
0x192: {  	v16 =	vld [tilespmem:s29+$0x0];
	_ =	sdelay $0x2  }
.Ltmp8:
0x193: {  	(pc) =	sbr.rel @p0 .LBB2_13-.Ltmp8, $4  }
0x194: {  	_ = 	snop  }
0x195: {  	s23 =	sand.u32 $0x380, s31;
	v19 =	vperm.xlane v16, v0;
	v18 =	vperm.xlane v16, v2  }
0x196: {  	s3 =	sadd.s32 $0x1, s3;
	s15 =	sor.u32 s23, s15;
	v21 =	vperm.xlane v16, v11;
	v17 =	vperm.xlane v16, v1  }
0x197: {  	s12 =	sadd.s32 $0x2, s12;
	s8 =	sadd.s32 $0x400, s8;
	s7 =	sadd.s32 $0x400, s7;
	v20 =	vperm.xlane v16, v15;
	[tilespmem:s15+$0x800] =	vst v19;
	v19 =	vperm.xlane v16, v4  }
0x198: {  	[tilespmem:s15+$0x820] =	vst v21  }
0x199: {  	[tilespmem:s15+$0x810] =	vst v18  }
0x19a: {  	[tilespmem:s15+$0x830] =	vst v17  }
0x19b: {  	v0 =	vperm.xlane v16, v5;
	s2 =	sand.u32 $0x7, s30;
	[tilespmem:s15+$0x850] =	vst v20  }
0x19c: {  	v57 =	vperm.xlane v16, v3;
	s2 =	sshll.u32 s2, $0x7;
	[tilespmem:s15+$0x860] =	vst v19  }
0x19d: {  	v1 =	vperm.xlane v16, v6;
	[tilespmem:s15+$0x840] =	vst v0;
	s0 =	sadd.s32 s2, s0  }
0x19e: {  	v2 =	vperm.xlane v16, v7;
	[tilespmem:s15+$0x870] =	vst v57;
	s2 =	sor.u32 $0xC00, s0  }
0x19f: {  	v58 =	vperm.xlane v16, v8;
	s3 =	sor.u32 $0xC10, s0;
	[tilespmem:s2+$0x8800] =	vst v1  }
0x1a0: {  	v59 =	vperm.xlane v16, v9;
	s15 =	sor.u32 $0xC20, s0;
	[tilespmem:s3+$0x8800] =	vst v2  }
0x1a1: {  	v60 =	vperm.xlane v16, v10;
	s23 =	sor.u32 $0xC30, s0;
	[tilespmem:s15+$0x8800] =	vst v58  }
0x1a2: {  	v61 =	vperm.xlane v16, v12;
	p0 =	seq.s32 s25, $0x63;
	s24 =	sor.u32 $0xC40, s0;
	[tilespmem:s23+$0x8800] =	vst v59  }
.Ltmp9:
0x1a3: {  	v62 =	vperm.xlane v16, v13;
	s29 =	sor.u32 $0xC50, s0;
	[tilespmem:s24+$0x8800] =	vst v60;
	(pc) =	sbr.rel @p0 .LBB2_16-.Ltmp9, $4  }
0x1a4: {  	v63 =	vperm.xlane v16, v14;
	s30 =	sor.u32 $0xC60, s0;
	[tilespmem:s29+$0x8800] =	vst v61  }
0x1a5: {  	s0 =	sor.u32 $0xC70, s0;
	[tilespmem:s30+$0x8800] =	vst v62  }
0x1a6: {  	s31 =	sadd.s32 s28, s11;
	[tilespmem:s0+$0x8800] =	vst v63  }
0x1a7: {  	[hbm4b:s31+s17] =	stream.strided.scatter [tilespmem:s22], [sflag:$0x5], $0x8000, s18, s17, $0x38;
	[tilespmem:$0x10800] =	vst v63  }
.Ltmp10:
0x1a8: {  	(pc) =	sbr.rel .LBB2_2-.Ltmp10, $4  }
0x1a9: {  	s0 =	sadd.s32 s10, s26  }
0x1aa: {  	s0 =	sshrl.u32 s0, $0x3  }
0x1ab: {  	s25 =	sadd.s32 $0x1, s25;
	s0 =	sadd.s32 s1, s0  }
0x1ac: {  	[tilespmem:s14], [sflag:$0x3] =	stream.linear.gather [hbm4b:s0+s5], $0x200, $0x38;
	[tilespmem:$0x10800] =	vst v63  }
.LBB2_17:
0x1ad: {  	_ =	sfence.sel $0x180000  }
0x1ae: {  	[bflag:$0x0] =	sbarrier.arrive $0xFFFF  }
0x1af: {  	_ =	strace $0x90000047  }
0x1b0: {  	s0 =	stileid.u32;
	[bflag:$0x2] =	sbarrier.arrive $0xFFFF  }
0x1b1: {  	p0 =	sne.s32 s0, $0x0;
	s0 =	rddreg [dreg:$0x3]  }
0x1b2: {  	s0 =	sadd.s32 @!p0 $0x100000, s0  }
0x1b3: {  	[sflag:s0] =	ssyncadd.tile.s32 @!p0 $0x1;
	_ =	shalt  }
.Lfunc_end2:
_tile_overlayer_lowered:
.L_overlay_start_2:
0x1b4: {  	(tag) =	ssettag $0x2  }
0x1b5: {  	s0 =	rddreg [dreg:$0x0];
	s2 =	stileid.u32  }
0x1b6: {  	s1 =	rddreg [dreg:$0x1];
	p0 =	sne.s32 s2, $0x0  }
0x1b7: {  	s3 =	rddreg [dreg:$0x2];
	[bflag:$0x3] =	sbarrier.arrive $0xFFFF;
	s2 =	simm.s32 @!p0 $0x1C06  }
0x1b8: {  	[timem:s3], [sflag:s2] =	dma.local @!p0 [hbm:s0], s1  }
0x1b9: {  	s0 =	simm.s32 @!p0 $0x6  }
0x1ba: {  	_ =	swait.ge @!p0 [sflag:s0], s1  }
0x1bb: {  	s1 =	ssub.s32 @!p0 $0x0, s1;
	[sflag:s0] =	ssyncset.done @!p0 $0x0  }
0x1bc: {  	[sflag:s0] =	ssyncadd.s32 @!p0 s1  }
0x1bd: {  	[bflag:$0x3] =	sbarrier.arrive $0xFFFF  }
0x1be: {  	_ =	shalt  }

</sc_bundles>
